<compile_context>
chip_gen: v7x
topology: tpu7x:2x2x1
jax: 0.10.2.dev20260603
libtpu: 0.0.44.dev20260713+nightly
codegen_flags: <defaults>
</compile_context>

<pallas_src>
import functools

import jax
import jax.numpy as jnp
from jax import lax
from jax.experimental import pallas as pl
from jax.experimental.pallas import tpu as pltpu
from jax.experimental.pallas import tpu_sc as plsc

_N_VOCAB = 1000000
_N_EMBD = 32
_PITCH = _N_EMBD + 1
_CHUNK = 2048

_W = 512
_FULL_CHUNKS = _N_VOCAB // _W
_TAIL = _N_VOCAB - _FULL_CHUNKS * _W


@functools.cache
def _make_detranspose():
    info = plsc.get_sparse_core_info()
    nw = info.num_cores * info.num_subcores
    max_j2 = (-(-_FULL_CHUNKS // nw) + 1) // 2
    mesh = plsc.VectorSubcoreMesh(core_axis_name="c", subcore_axis_name="s")

    @functools.partial(
        pl.kernel,
        mesh=mesh,
        out_type=[
            jax.ShapeDtypeStruct((_N_VOCAB * _N_EMBD,), jnp.float32),
            jax.ShapeDtypeStruct((_N_EMBD, _N_VOCAB), jnp.float32),
        ],
        scratch_types=[
            pltpu.VMEM((_N_EMBD, _W), jnp.float32),
            pltpu.VMEM((_N_EMBD, _W), jnp.float32),
            pltpu.VMEM((_W * _PITCH,), jnp.float32),
            pltpu.VMEM((_W * _N_EMBD,), jnp.float32),
            pltpu.VMEM((_W * _N_EMBD,), jnp.float32),
            pltpu.VMEM((_N_EMBD, _TAIL), jnp.float32),
            pltpu.VMEM((_TAIL * _N_EMBD,), jnp.float32),
            pltpu.SemaphoreType.DMA,
            pltpu.SemaphoreType.DMA,
            pltpu.SemaphoreType.DMA,
            pltpu.SemaphoreType.DMA,
            pltpu.SemaphoreType.DMA,
            pltpu.SemaphoreType.DMA,
        ],
        compiler_params=pltpu.CompilerParams(needs_layout_passes=False),
    )
    def k1(tt, out, out2, tin0, tin1, rpad, rout0, rout1, tin_t, rout_t,
           isem0, isem1, osem0, osem1, psem0, psem1):
        wid = lax.axis_index("s") * info.num_cores + lax.axis_index("c")
        tin = (tin0, tin1)
        rout = (rout0, rout1)
        isem = (isem0, isem1)
        osem = (osem0, osem1)
        psem = (psem0, psem1)
        iotp = lax.iota(jnp.int32, 16) * _PITCH
        n_valid = (_FULL_CHUNKS - wid + nw - 1) // nw

        def in_slice(c):
            return tt.at[:, pl.ds(c * _W, _W)]

        def out_slice(c):
            return out.at[pl.ds(c * (_W * _N_EMBD), _W * _N_EMBD)]

        def out2_slice(c):
            return out2.at[:, pl.ds(c * _W, _W)]

        def start_in(j, b):
            c = wid + j * nw

            @pl.when(c < _FULL_CHUNKS)
            def _():
                pltpu.async_copy(in_slice(c), tin[b], isem[b])

        def transpose_chunk(src, dst, ncols):
            def kbody(k, carry):
                voff, base = carry

                def ebody(e, base2):
                    val = src[e, pl.ds(voff, 16)]
                    plsc.store_scatter(rpad, [base2], val)
                    return base2 + 1

                lax.fori_loop(0, _N_EMBD, ebody, base, unroll=16)
                return (voff + 16, base + 16 * _PITCH)

            lax.fori_loop(0, ncols // 16, kbody, (0, iotp))

            def vbody(v, carry):
                o32, o33 = carry
                dst[pl.ds(o32, 16)] = rpad[pl.ds(o33, 16)]
                dst[pl.ds(o32 + 16, 16)] = rpad[pl.ds(o33 + 16, 16)]
                return (o32 + _N_EMBD, o33 + _PITCH)

            lax.fori_loop(0, ncols, vbody, (0, 0), unroll=16)

        start_in(0, 0)
        start_in(1, 1)

        def body2(j2, carry):
            for b in range(2):
                j = j2 * 2 + b
                c = wid + j * nw

                @pl.when(c < _FULL_CHUNKS)
                def _():
                    @pl.when(j2 >= 1)
                    def _():
                        pltpu.make_async_copy(
                            rout[b], out_slice(c), osem[b]).wait()

                    pltpu.make_async_copy(in_slice(c), tin[b], isem[b]).wait()
                    pltpu.async_copy(tin[b], out2_slice(c), psem[b])
                    transpose_chunk(tin[b], rout[b], _W)
                    pltpu.async_copy(rout[b], out_slice(c), osem[b])
                    pltpu.make_async_copy(tin[b], out2_slice(c),
                                          psem[b]).wait()
                    start_in(j + 2, b)

            return carry

        lax.fori_loop(0, max_j2, body2, 0)

        @pl.when(n_valid >= 1)
        def _drain0():
            pltpu.make_async_copy(rout[0], out_slice(0), osem[0]).wait()

        @pl.when(n_valid >= 2)
        def _drain1():
            pltpu.make_async_copy(rout[1], out_slice(0), osem[1]).wait()

        @pl.when(wid == nw - 1)
        def _tail():
            base = _FULL_CHUNKS * _W
            pltpu.sync_copy(tt.at[:, pl.ds(base, _TAIL)], tin_t)
            pltpu.sync_copy(tin_t, out2.at[:, pl.ds(base, _TAIL)])
            transpose_chunk(tin_t, rout_t, _TAIL)
            pltpu.sync_copy(
                rout_t,
                out.at[pl.ds(base * _N_EMBD, _TAIL * _N_EMBD)])

    return k1


@functools.cache
def _make_gather(B, D):
    info = plsc.get_sparse_core_info()
    nw = info.num_cores * info.num_subcores
    b_per_w = B // nw
    n_chunks = b_per_w // _CHUNK
    assert b_per_w % _CHUNK == 0
    mesh = plsc.VectorSubcoreMesh(core_axis_name="c", subcore_axis_name="s")

    @functools.partial(
        pl.kernel,
        mesh=mesh,
        out_type=jax.ShapeDtypeStruct((B, D), jnp.float32),
        scratch_types=[
            pltpu.VMEM((_CHUNK,), jnp.int32),
            pltpu.VMEM((_CHUNK, D), jnp.float32),
            pltpu.SemaphoreType.DMA,
        ],
        compiler_params=pltpu.CompilerParams(use_tc_tiling_on_sc=False),
    )
    def k2(idx_hbm, table_hbm, out_hbm, idx_v, rows_v, sem):
        wid = lax.axis_index("s") * info.num_cores + lax.axis_index("c")
        base = wid * b_per_w

        def body(j, carry):
            off = base + j * _CHUNK
            pltpu.sync_copy(idx_hbm.at[pl.ds(off, _CHUNK)], idx_v)
            pltpu.async_copy(table_hbm.at[idx_v], rows_v, sem).wait()
            pltpu.sync_copy(rows_v, out_hbm.at[pl.ds(off, _CHUNK)])
            return carry

        lax.fori_loop(0, n_chunks, body, 0)

    return k2


def kernel(inputs, wte):
    s0, s1 = inputs.shape
    idx = inputs.reshape(s0 * s1).astype(jnp.int32)
    table_flat, wte_t = _make_detranspose()(wte.T)
    table_lin = table_flat.reshape(_N_VOCAB, _N_EMBD)
    gathered = _make_gather(s0 * s1, _N_EMBD)(idx, table_lin)
    return (gathered.reshape(s0, s1, _N_EMBD), wte_t.T)

# --- scband reference (transcript-rebuilt; emitter-appended) ---
"""Pipeline reference for scband-wte-86397562126709 (READ-ONLY COPY).

The authoritative reference and input builder live on the scoring server;
editing this copy changes nothing except your own understanding.
"""

import jax, jax.numpy as jnp
import numpy as np

N_VOCAB = 1000000
N_EMBD = 32

def setup_inputs(seed: int = 0) -> dict:
    key = jax.random.key(seed)
    k1, k2 = jax.random.split(key)
    inputs = jax.random.randint(k1, (16384, 20), 0, N_VOCAB, dtype=jnp.int64 if jax.config.jax_enable_x64 else jnp.int32)
    wte = jax.random.normal(k2, (N_VOCAB, N_EMBD), dtype=jnp.float32) * 0.02
    return {"inputs": inputs, "wte": wte}

def reference(inputs, wte):
    # Faithful translation of WTE.call: returns [tf.gather(wte, inputs), wte]
    gathered = jnp.take(wte, inputs, axis=0)
    return (gathered, wte)

if __name__ == "__main__":
    import jax
    _d = setup_inputs()
    print(jax.jit(kernel)(*tuple(_d.values())))

</pallas_src>

<mosaic_0001>
#map = affine_map<(d0, d1) -> (0)>
#map1 = affine_map<(d0, d1) -> (0, 0)>
module attributes {stable_mosaic.version = 14 : i64} {
  func.func @k2(%arg0: i32, %arg1: i32, %arg2: memref<327680xi32, #tpu.memory_space<hbm>>, %arg3: memref<1000000x32xf32, #tpu.memory_space<hbm>>, %arg4: memref<327680x32xf32, #tpu.memory_space<hbm>>, %arg5: memref<2048xi32, #tpu.memory_space<vmem>>, %arg6: memref<2048x32xf32, #tpu.memory_space<vmem>>, %arg7: memref<!tpu.dma_semaphore, #tpu.memory_space<semaphore_mem>>) attributes {dimension_semantics = [#tpu.dimension_semantics<core_parallel>, #tpu.dimension_semantics<subcore_parallel>], iteration_bounds = array<i64: 2, 16>, scalar_prefetch = 0 : i64, scratch_operands = 3 : i64, tpu.core_type = #tpu.core_type<sc_vector_subcore>, window_params = [{transform_indices = #map}, {transform_indices = #map1}, {transform_indices = #map1}]} {
    %mul3A = arith.constant 2 : i32
    %mul3A_0 = arith.muli %arg1, %mul3A : i32
    %add3A = arith.addi %mul3A_0, %arg0 : i32
    %mul3A_1 = arith.constant 10240 : i32
    %mul3A_2 = arith.muli %add3A, %mul3A_1 : i32
    %scan3A = arith.constant 0 : i32
    %scan3A_3 = arith.constant 0 : i32
    %scan3A_4 = arith.constant 5 : i32
    %scan3A_5 = arith.addi %scan3A_3, %scan3A_4 : i32
    %scan3A_6 = arith.constant 1 : i32
    scf.for %scan3A_8 = %scan3A_3 to %scan3A_5 step %scan3A_6  : i32 {
      %mul3A_9 = arith.constant 2048 : i32
      %mul3A_10 = arith.muli %scan3A_8, %mul3A_9 : i32
      %add3A_11 = arith.addi %mul3A_2, %mul3A_10 : i32
      "tpu.region"() ({
        %run_scoped3A = tpu.sem_alloc : memref<!tpu.dma_semaphore, #tpu.memory_space<semaphore_mem>>
        %dma_start3A_16 = tpu.memref_slice %arg2[%add3A_11] : memref<327680xi32, #tpu.memory_space<hbm>> -> memref<2048xi32, #tpu.memory_space<hbm>>
        %dma_start3A_17 = tpu.memref_slice %arg2[%add3A_11] : memref<327680xi32, #tpu.memory_space<hbm>> -> memref<2048xi32, #tpu.memory_space<hbm>>
        tpu.enqueue_dma source(%dma_start3A_17 : memref<2048xi32, #tpu.memory_space<hbm>>) target(%arg5 : memref<2048xi32, #tpu.memory_space<vmem>>) target_semaphore(%run_scoped3A : memref<!tpu.dma_semaphore, #tpu.memory_space<semaphore_mem>>)
        %dma_wait3A_18 = tpu.memref_slice %arg2[%add3A_11] : memref<327680xi32, #tpu.memory_space<hbm>> -> memref<2048xi32, #tpu.memory_space<hbm>>
        %dma_wait3A_19 = tpu.memref_slice %arg2[%add3A_11] : memref<327680xi32, #tpu.memory_space<hbm>> -> memref<2048xi32, #tpu.memory_space<hbm>>
        tpu.wait_dma2 semaphore(%run_scoped3A : memref<!tpu.dma_semaphore, #tpu.memory_space<semaphore_mem>>) src(%dma_wait3A_19 : memref<2048xi32, #tpu.memory_space<hbm>>) dst(%arg5 : memref<2048xi32, #tpu.memory_space<vmem>>)
        tpu.yield
      }) : () -> ()
      %dma_start3A = arith.constant 0 : i32
      %dma_start3A_12 = arith.constant 0 : i32
      %dma_start3A_13 = tpu.memref_slice %arg3[%dma_start3A, %dma_start3A_12] : memref<1000000x32xf32, #tpu.memory_space<hbm>> -> memref<1000000x32xf32, #tpu.memory_space<hbm>>
      tpu.enqueue_indirect_dma source(%dma_start3A_13 : memref<1000000x32xf32, #tpu.memory_space<hbm>>) target(%arg6 : memref<2048x32xf32, #tpu.memory_space<vmem>>) offsets(%arg5 : memref<2048xi32, #tpu.memory_space<vmem>>) semaphore(%arg7 : memref<!tpu.dma_semaphore, #tpu.memory_space<semaphore_mem>>)
      %dma_wait3A = arith.constant 0 : i32
      %dma_wait3A_14 = arith.constant 0 : i32
      %dma_wait3A_15 = tpu.memref_slice %arg3[%dma_wait3A, %dma_wait3A_14] : memref<1000000x32xf32, #tpu.memory_space<hbm>> -> memref<1000000x32xf32, #tpu.memory_space<hbm>>
      tpu.wait_indirect_dma semaphore(%arg7 : memref<!tpu.dma_semaphore, #tpu.memory_space<semaphore_mem>>) src(%dma_wait3A_15 : memref<1000000x32xf32, #tpu.memory_space<hbm>>) dst(%arg6 : memref<2048x32xf32, #tpu.memory_space<vmem>>)
      "tpu.region"() ({
        %run_scoped3A = tpu.sem_alloc : memref<!tpu.dma_semaphore, #tpu.memory_space<semaphore_mem>>
        %dma_start3A_16 = arith.constant 0 : i32
        %dma_start3A_17 = tpu.memref_slice %arg4[%add3A_11, %dma_start3A_16] : memref<327680x32xf32, #tpu.memory_space<hbm>> -> memref<2048x32xf32, #tpu.memory_space<hbm>>
        %dma_start3A_18 = arith.constant 0 : i32
        %dma_start3A_19 = tpu.memref_slice %arg4[%add3A_11, %dma_start3A_18] : memref<327680x32xf32, #tpu.memory_space<hbm>> -> memref<2048x32xf32, #tpu.memory_space<hbm>>
        tpu.enqueue_dma source(%arg6 : memref<2048x32xf32, #tpu.memory_space<vmem>>) target(%dma_start3A_19 : memref<2048x32xf32, #tpu.memory_space<hbm>>) target_semaphore(%run_scoped3A : memref<!tpu.dma_semaphore, #tpu.memory_space<semaphore_mem>>)
        %dma_wait3A_20 = arith.constant 0 : i32
        %dma_wait3A_21 = tpu.memref_slice %arg4[%add3A_11, %dma_wait3A_20] : memref<327680x32xf32, #tpu.memory_space<hbm>> -> memref<2048x32xf32, #tpu.memory_space<hbm>>
        %dma_wait3A_22 = arith.constant 0 : i32
        %dma_wait3A_23 = tpu.memref_slice %arg4[%add3A_11, %dma_wait3A_22] : memref<327680x32xf32, #tpu.memory_space<hbm>> -> memref<2048x32xf32, #tpu.memory_space<hbm>>
        tpu.wait_dma2 semaphore(%run_scoped3A : memref<!tpu.dma_semaphore, #tpu.memory_space<semaphore_mem>>) src(%arg6 : memref<2048x32xf32, #tpu.memory_space<vmem>>) dst(%dma_wait3A_23 : memref<2048x32xf32, #tpu.memory_space<hbm>>)
        tpu.yield
      }) : () -> ()
    }
    %scan3A_7 = arith.constant 5 : i32
    return
  }
}

#map = affine_map<(d0, d1) -> (0, 0)>
#map1 = affine_map<(d0, d1) -> (0)>
module attributes {stable_mosaic.version = 14 : i64} {
  func.func @k1(%arg0: i32, %arg1: i32, %arg2: memref<32x1000000xf32, #tpu.memory_space<hbm>>, %arg3: memref<32000000xf32, #tpu.memory_space<hbm>>, %arg4: memref<32x1000000xf32, #tpu.memory_space<hbm>>, %arg5: memref<32x512xf32, #tpu.memory_space<vmem>>, %arg6: memref<32x512xf32, #tpu.memory_space<vmem>>, %arg7: memref<16896xf32, #tpu.memory_space<vmem>>, %arg8: memref<16384xf32, #tpu.memory_space<vmem>>, %arg9: memref<16384xf32, #tpu.memory_space<vmem>>, %arg10: memref<32x64xf32, #tpu.memory_space<vmem>>, %arg11: memref<2048xf32, #tpu.memory_space<vmem>>, %arg12: memref<!tpu.dma_semaphore, #tpu.memory_space<semaphore_mem>>, %arg13: memref<!tpu.dma_semaphore, #tpu.memory_space<semaphore_mem>>, %arg14: memref<!tpu.dma_semaphore, #tpu.memory_space<semaphore_mem>>, %arg15: memref<!tpu.dma_semaphore, #tpu.memory_space<semaphore_mem>>, %arg16: memref<!tpu.dma_semaphore, #tpu.memory_space<semaphore_mem>>, %arg17: memref<!tpu.dma_semaphore, #tpu.memory_space<semaphore_mem>>) attributes {dimension_semantics = [#tpu.dimension_semantics<core_parallel>, #tpu.dimension_semantics<subcore_parallel>], iteration_bounds = array<i64: 2, 16>, scalar_prefetch = 0 : i64, scratch_operands = 13 : i64, tpu.core_type = #tpu.core_type<sc_vector_subcore>, window_params = [{transform_indices = #map}, {transform_indices = #map1}, {transform_indices = #map}]} {
    %mul3A = arith.constant 2 : i32
    %mul3A_0 = arith.muli %arg1, %mul3A : i32
    %add3A = arith.addi %mul3A_0, %arg0 : i32
    %iota3A = tpu.iota {dimensions = array<i32: 0>} : vector<16xi32>
    %mul3A_1 = arith.constant 33 : i32
    %mul3A_2 = vector.broadcast %mul3A_1 : i32 to vector<16xi32>
    %mul3A_3 = arith.muli %iota3A, %mul3A_2 : vector<16xi32>
    %sub3A = arith.constant 1953 : i32
    %sub3A_4 = arith.subi %sub3A, %add3A : i32
    %add3A_5 = arith.constant 32 : i32
    %add3A_6 = arith.addi %sub3A_4, %add3A_5 : i32
    %sub3A_7 = arith.constant 1 : i32
    %sub3A_8 = arith.subi %add3A_6, %sub3A_7 : i32
    %jit3A = arith.constant 32 : i32
    %div3A = arith.divsi %sub3A_8, %jit3A : i32
    %sign3A = arith.constant 0 : i32
    %sign3A_9 = arith.cmpi sgt, %sub3A_8, %sign3A : i32
    %sign3A_10 = arith.extui %sign3A_9 : i1 to i32
    %sign3A_11 = arith.constant 0 : i32
    %sign3A_12 = arith.cmpi slt, %sub3A_8, %sign3A_11 : i32
    %sign3A_13 = arith.extui %sign3A_12 : i1 to i32
    %sign3A_14 = arith.subi %sign3A_10, %sign3A_13 : i32
    %sign3A_15 = arith.constant 0 : i32
    %sign3A_16 = arith.cmpi sgt, %jit3A, %sign3A_15 : i32
    %sign3A_17 = arith.extui %sign3A_16 : i1 to i32
    %sign3A_18 = arith.constant 0 : i32
    %sign3A_19 = arith.cmpi slt, %jit3A, %sign3A_18 : i32
    %sign3A_20 = arith.extui %sign3A_19 : i1 to i32
    %sign3A_21 = arith.subi %sign3A_17, %sign3A_20 : i32
    %ne3A = arith.cmpi ne, %sign3A_14, %sign3A_21 : i32
    %rem3A = arith.remsi %sub3A_8, %jit3A : i32
    %ne3A_22 = arith.constant 0 : i32
    %ne3A_23 = arith.cmpi ne, %rem3A, %ne3A_22 : i32
    %and3A = arith.andi %ne3A, %ne3A_23 : i1
    %sub3A_24 = arith.constant 1 : i32
    %sub3A_25 = arith.subi %div3A, %sub3A_24 : i32
    %select_n3A = arith.select %and3A, %sub3A_25, %div3A : i32
    %add3A_26 = arith.constant 0 : i32
    %add3A_27 = arith.addi %add3A, %add3A_26 : i32
    %lt3A = arith.constant 1953 : i32
    %lt3A_28 = arith.cmpi slt, %add3A_27, %lt3A : i32
    %convert_element_type3A = arith.extui %lt3A_28 : i1 to i32
    %cond3A = arith.constant 0 : i32
    %cond3A_29 = arith.cmpi ne, %convert_element_type3A, %cond3A : i32
    scf.if %cond3A_29 {
      %mul3A_55 = arith.constant 512 : i32
      %mul3A_56 = arith.muli %add3A_27, %mul3A_55 : i32
      %dma_start3A = arith.constant 0 : i32
      %dma_start3A_57 = tpu.memref_slice %arg2[%dma_start3A, %mul3A_56] : memref<32x1000000xf32, #tpu.memory_space<hbm>> -> memref<32x512xf32, #tpu.memory_space<hbm>>
      %dma_start3A_58 = arith.constant 0 : i32
      %dma_start3A_59 = tpu.memref_slice %arg2[%dma_start3A_58, %mul3A_56] : memref<32x1000000xf32, #tpu.memory_space<hbm>> -> memref<32x512xf32, #tpu.memory_space<hbm>>
      tpu.enqueue_dma source(%dma_start3A_59 : memref<32x512xf32, #tpu.memory_space<hbm>>) target(%arg5 : memref<32x512xf32, #tpu.memory_space<vmem>>) target_semaphore(%arg12 : memref<!tpu.dma_semaphore, #tpu.memory_space<semaphore_mem>>)
    } else {
    }
    %add3A_30 = arith.constant 32 : i32
    %add3A_31 = arith.addi %add3A, %add3A_30 : i32
    %lt3A_32 = arith.constant 1953 : i32
    %lt3A_33 = arith.cmpi slt, %add3A_31, %lt3A_32 : i32
    %convert_element_type3A_34 = arith.extui %lt3A_33 : i1 to i32
    %cond3A_35 = arith.constant 0 : i32
    %cond3A_36 = arith.cmpi ne, %convert_element_type3A_34, %cond3A_35 : i32
    scf.if %cond3A_36 {
      %mul3A_55 = arith.constant 512 : i32
      %mul3A_56 = arith.muli %add3A_31, %mul3A_55 : i32
      %dma_start3A = arith.constant 0 : i32
      %dma_start3A_57 = tpu.memref_slice %arg2[%dma_start3A, %mul3A_56] : memref<32x1000000xf32, #tpu.memory_space<hbm>> -> memref<32x512xf32, #tpu.memory_space<hbm>>
      %dma_start3A_58 = arith.constant 0 : i32
      %dma_start3A_59 = tpu.memref_slice %arg2[%dma_start3A_58, %mul3A_56] : memref<32x1000000xf32, #tpu.memory_space<hbm>> -> memref<32x512xf32, #tpu.memory_space<hbm>>
      tpu.enqueue_dma source(%dma_start3A_59 : memref<32x512xf32, #tpu.memory_space<hbm>>) target(%arg6 : memref<32x512xf32, #tpu.memory_space<vmem>>) target_semaphore(%arg13 : memref<!tpu.dma_semaphore, #tpu.memory_space<semaphore_mem>>)
    } else {
    }
    %scan3A = arith.constant 0 : i32
    %scan3A_37 = arith.constant 0 : i32
    %scan3A_38 = arith.constant 31 : i32
    %scan3A_39 = arith.addi %scan3A_37, %scan3A_38 : i32
    %scan3A_40 = arith.constant 1 : i32
    scf.for %scan3A_55 = %scan3A_37 to %scan3A_39 step %scan3A_40  : i32 {
      %mul3A_56 = arith.constant 2 : i32
      %mul3A_57 = arith.muli %scan3A_55, %mul3A_56 : i32
      %add3A_58 = arith.constant 0 : i32
      %add3A_59 = arith.addi %mul3A_57, %add3A_58 : i32
      %mul3A_60 = arith.constant 32 : i32
      %mul3A_61 = arith.muli %add3A_59, %mul3A_60 : i32
      %add3A_62 = arith.addi %add3A, %mul3A_61 : i32
      %lt3A_63 = arith.constant 1953 : i32
      %lt3A_64 = arith.cmpi slt, %add3A_62, %lt3A_63 : i32
      %convert_element_type3A_65 = arith.extui %lt3A_64 : i1 to i32
      %cond3A_66 = arith.constant 0 : i32
      %cond3A_67 = arith.cmpi ne, %convert_element_type3A_65, %cond3A_66 : i32
      scf.if %cond3A_67 {
        %ge3A_80 = arith.constant 1 : i32
        %ge3A_81 = arith.cmpi sge, %scan3A_55, %ge3A_80 : i32
        %convert_element_type3A_82 = arith.extui %ge3A_81 : i1 to i32
        %cond3A_83 = arith.constant 0 : i32
        %cond3A_84 = arith.cmpi ne, %convert_element_type3A_82, %cond3A_83 : i32
        scf.if %cond3A_84 {
          %mul3A_130 = arith.constant 16384 : i32
          %mul3A_131 = arith.muli %add3A_62, %mul3A_130 : i32
          %dma_wait3A_132 = tpu.memref_slice %arg3[%mul3A_131] : memref<32000000xf32, #tpu.memory_space<hbm>> -> memref<16384xf32, #tpu.memory_space<hbm>>
          %dma_wait3A_133 = tpu.memref_slice %arg3[%mul3A_131] : memref<32000000xf32, #tpu.memory_space<hbm>> -> memref<16384xf32, #tpu.memory_space<hbm>>
          tpu.wait_dma2 semaphore(%arg14 : memref<!tpu.dma_semaphore, #tpu.memory_space<semaphore_mem>>) src(%arg8 : memref<16384xf32, #tpu.memory_space<vmem>>) dst(%dma_wait3A_133 : memref<16384xf32, #tpu.memory_space<hbm>>)
        } else {
        }
        %mul3A_85 = arith.constant 512 : i32
        %mul3A_86 = arith.muli %add3A_62, %mul3A_85 : i32
        %dma_wait3A = arith.constant 0 : i32
        %dma_wait3A_87 = tpu.memref_slice %arg2[%dma_wait3A, %mul3A_86] : memref<32x1000000xf32, #tpu.memory_space<hbm>> -> memref<32x512xf32, #tpu.memory_space<hbm>>
        %dma_wait3A_88 = arith.constant 0 : i32
        %dma_wait3A_89 = tpu.memref_slice %arg2[%dma_wait3A_88, %mul3A_86] : memref<32x1000000xf32, #tpu.memory_space<hbm>> -> memref<32x512xf32, #tpu.memory_space<hbm>>
        tpu.wait_dma2 semaphore(%arg12 : memref<!tpu.dma_semaphore, #tpu.memory_space<semaphore_mem>>) src(%dma_wait3A_89 : memref<32x512xf32, #tpu.memory_space<hbm>>) dst(%arg5 : memref<32x512xf32, #tpu.memory_space<vmem>>)
        %mul3A_90 = arith.constant 512 : i32
        %mul3A_91 = arith.muli %add3A_62, %mul3A_90 : i32
        %dma_start3A = arith.constant 0 : i32
        %dma_start3A_92 = tpu.memref_slice %arg4[%dma_start3A, %mul3A_91] : memref<32x1000000xf32, #tpu.memory_space<hbm>> -> memref<32x512xf32, #tpu.memory_space<hbm>>
        %dma_start3A_93 = arith.constant 0 : i32
        %dma_start3A_94 = tpu.memref_slice %arg4[%dma_start3A_93, %mul3A_91] : memref<32x1000000xf32, #tpu.memory_space<hbm>> -> memref<32x512xf32, #tpu.memory_space<hbm>>
        tpu.enqueue_dma source(%arg5 : memref<32x512xf32, #tpu.memory_space<vmem>>) target(%dma_start3A_94 : memref<32x512xf32, #tpu.memory_space<hbm>>) target_semaphore(%arg16 : memref<!tpu.dma_semaphore, #tpu.memory_space<semaphore_mem>>)
        %scan3A_95 = arith.constant 0 : i32
        %scan3A_96 = arith.constant 0 : i32
        %scan3A_97 = arith.constant 32 : i32
        %scan3A_98 = arith.addi %scan3A_96, %scan3A_97 : i32
        %scan3A_99 = arith.constant 1 : i32
        %scan3A_100:2 = scf.for %scan3A_130 = %scan3A_96 to %scan3A_98 step %scan3A_99 iter_args(%scan3A_131 = %scan3A_95, %scan3A_132 = %mul3A_3) -> (i32, vector<16xi32>)  : i32 {
          %scan3A_133 = arith.constant 0 : i32
          %scan3A_134 = arith.constant 32 : i32
          %scan3A_135 = arith.addi %scan3A_133, %scan3A_134 : i32
          %scan3A_136 = arith.constant 16 : i32
          %scan3A_137 = scf.for %scan3A_144 = %scan3A_133 to %scan3A_135 step %scan3A_136 iter_args(%scan3A_145 = %scan3A_132) -> (vector<16xi32>)  : i32 {
            %get3A = arith.index_cast %scan3A_144 : i32 to index
            %get3A_146 = arith.index_cast %scan3A_131 : i32 to index
            %get3A_147 = tpu.vector_load %arg5[%get3A, %get3A_146] {strides = array<i32>} : memref<32x512xf32, #tpu.memory_space<vmem>>, vector<16xf32>,
            tpu.vector_store_idx %arg7[%scan3A_145], %get3A_147 : memref<16896xf32, #tpu.memory_space<vmem>>[vector<16xi32>], vector<16xf32>,
            %add3A_148 = arith.constant 1 : i32
            %add3A_149 = vector.broadcast %add3A_148 : i32 to vector<16xi32>
            %add3A_150 = arith.addi %scan3A_145, %add3A_149 : vector<16xi32>
            %scan3A_151 = arith.constant 1 : i32
            %scan3A_152 = arith.addi %scan3A_144, %scan3A_151 : i32
            %get3A_153 = arith.index_cast %scan3A_152 : i32 to index
            %get3A_154 = arith.index_cast %scan3A_131 : i32 to index
            %get3A_155 = tpu.vector_load %arg5[%get3A_153, %get3A_154] {strides = array<i32>} : memref<32x512xf32, #tpu.memory_space<vmem>>, vector<16xf32>,
            tpu.vector_store_idx %arg7[%add3A_150], %get3A_155 : memref<16896xf32, #tpu.memory_space<vmem>>[vector<16xi32>], vector<16xf32>,
            %add3A_156 = arith.constant 1 : i32
            %add3A_157 = vector.broadcast %add3A_156 : i32 to vector<16xi32>
            %add3A_158 = arith.addi %add3A_150, %add3A_157 : vector<16xi32>
            %scan3A_159 = arith.constant 2 : i32
            %scan3A_160 = arith.addi %scan3A_144, %scan3A_159 : i32
            %get3A_161 = arith.index_cast %scan3A_160 : i32 to index
            %get3A_162 = arith.index_cast %scan3A_131 : i32 to index
            %get3A_163 = tpu.vector_load %arg5[%get3A_161, %get3A_162] {strides = array<i32>} : memref<32x512xf32, #tpu.memory_space<vmem>>, vector<16xf32>,
            tpu.vector_store_idx %arg7[%add3A_158], %get3A_163 : memref<16896xf32, #tpu.memory_space<vmem>>[vector<16xi32>], vector<16xf32>,
            %add3A_164 = arith.constant 1 : i32
            %add3A_165 = vector.broadcast %add3A_164 : i32 to vector<16xi32>
            %add3A_166 = arith.addi %add3A_158, %add3A_165 : vector<16xi32>
            %scan3A_167 = arith.constant 3 : i32
            %scan3A_168 = arith.addi %scan3A_144, %scan3A_167 : i32
            %get3A_169 = arith.index_cast %scan3A_168 : i32 to index
            %get3A_170 = arith.index_cast %scan3A_131 : i32 to index
            %get3A_171 = tpu.vector_load %arg5[%get3A_169, %get3A_170] {strides = array<i32>} : memref<32x512xf32, #tpu.memory_space<vmem>>, vector<16xf32>,
            tpu.vector_store_idx %arg7[%add3A_166], %get3A_171 : memref<16896xf32, #tpu.memory_space<vmem>>[vector<16xi32>], vector<16xf32>,
            %add3A_172 = arith.constant 1 : i32
            %add3A_173 = vector.broadcast %add3A_172 : i32 to vector<16xi32>
            %add3A_174 = arith.addi %add3A_166, %add3A_173 : vector<16xi32>
            %scan3A_175 = arith.constant 4 : i32
            %scan3A_176 = arith.addi %scan3A_144, %scan3A_175 : i32
            %get3A_177 = arith.index_cast %scan3A_176 : i32 to index
            %get3A_178 = arith.index_cast %scan3A_131 : i32 to index
            %get3A_179 = tpu.vector_load %arg5[%get3A_177, %get3A_178] {strides = array<i32>} : memref<32x512xf32, #tpu.memory_space<vmem>>, vector<16xf32>,
            tpu.vector_store_idx %arg7[%add3A_174], %get3A_179 : memref<16896xf32, #tpu.memory_space<vmem>>[vector<16xi32>], vector<16xf32>,
            %add3A_180 = arith.constant 1 : i32
            %add3A_181 = vector.broadcast %add3A_180 : i32 to vector<16xi32>
            %add3A_182 = arith.addi %add3A_174, %add3A_181 : vector<16xi32>
            %scan3A_183 = arith.constant 5 : i32
            %scan3A_184 = arith.addi %scan3A_144, %scan3A_183 : i32
            %get3A_185 = arith.index_cast %scan3A_184 : i32 to index
            %get3A_186 = arith.index_cast %scan3A_131 : i32 to index
            %get3A_187 = tpu.vector_load %arg5[%get3A_185, %get3A_186] {strides = array<i32>} : memref<32x512xf32, #tpu.memory_space<vmem>>, vector<16xf32>,
            tpu.vector_store_idx %arg7[%add3A_182], %get3A_187 : memref<16896xf32, #tpu.memory_space<vmem>>[vector<16xi32>], vector<16xf32>,
            %add3A_188 = arith.constant 1 : i32
            %add3A_189 = vector.broadcast %add3A_188 : i32 to vector<16xi32>
            %add3A_190 = arith.addi %add3A_182, %add3A_189 : vector<16xi32>
            %scan3A_191 = arith.constant 6 : i32
            %scan3A_192 = arith.addi %scan3A_144, %scan3A_191 : i32
            %get3A_193 = arith.index_cast %scan3A_192 : i32 to index
            %get3A_194 = arith.index_cast %scan3A_131 : i32 to index
            %get3A_195 = tpu.vector_load %arg5[%get3A_193, %get3A_194] {strides = array<i32>} : memref<32x512xf32, #tpu.memory_space<vmem>>, vector<16xf32>,
            tpu.vector_store_idx %arg7[%add3A_190], %get3A_195 : memref<16896xf32, #tpu.memory_space<vmem>>[vector<16xi32>], vector<16xf32>,
            %add3A_196 = arith.constant 1 : i32
            %add3A_197 = vector.broadcast %add3A_196 : i32 to vector<16xi32>
            %add3A_198 = arith.addi %add3A_190, %add3A_197 : vector<16xi32>
            %scan3A_199 = arith.constant 7 : i32
            %scan3A_200 = arith.addi %scan3A_144, %scan3A_199 : i32
            %get3A_201 = arith.index_cast %scan3A_200 : i32 to index
            %get3A_202 = arith.index_cast %scan3A_131 : i32 to index
            %get3A_203 = tpu.vector_load %arg5[%get3A_201, %get3A_202] {strides = array<i32>} : memref<32x512xf32, #tpu.memory_space<vmem>>, vector<16xf32>,
            tpu.vector_store_idx %arg7[%add3A_198], %get3A_203 : memref<16896xf32, #tpu.memory_space<vmem>>[vector<16xi32>], vector<16xf32>,
            %add3A_204 = arith.constant 1 : i32
            %add3A_205 = vector.broadcast %add3A_204 : i32 to vector<16xi32>
            %add3A_206 = arith.addi %add3A_198, %add3A_205 : vector<16xi32>
            %scan3A_207 = arith.constant 8 : i32
            %scan3A_208 = arith.addi %scan3A_144, %scan3A_207 : i32
            %get3A_209 = arith.index_cast %scan3A_208 : i32 to index
            %get3A_210 = arith.index_cast %scan3A_131 : i32 to index
            %get3A_211 = tpu.vector_load %arg5[%get3A_209, %get3A_210] {strides = array<i32>} : memref<32x512xf32, #tpu.memory_space<vmem>>, vector<16xf32>,
            tpu.vector_store_idx %arg7[%add3A_206], %get3A_211 : memref<16896xf32, #tpu.memory_space<vmem>>[vector<16xi32>], vector<16xf32>,
            %add3A_212 = arith.constant 1 : i32
            %add3A_213 = vector.broadcast %add3A_212 : i32 to vector<16xi32>
            %add3A_214 = arith.addi %add3A_206, %add3A_213 : vector<16xi32>
            %scan3A_215 = arith.constant 9 : i32
            %scan3A_216 = arith.addi %scan3A_144, %scan3A_215 : i32
            %get3A_217 = arith.index_cast %scan3A_216 : i32 to index
            %get3A_218 = arith.index_cast %scan3A_131 : i32 to index
            %get3A_219 = tpu.vector_load %arg5[%get3A_217, %get3A_218] {strides = array<i32>} : memref<32x512xf32, #tpu.memory_space<vmem>>, vector<16xf32>,
            tpu.vector_store_idx %arg7[%add3A_214], %get3A_219 : memref<16896xf32, #tpu.memory_space<vmem>>[vector<16xi32>], vector<16xf32>,
            %add3A_220 = arith.constant 1 : i32
            %add3A_221 = vector.broadcast %add3A_220 : i32 to vector<16xi32>
            %add3A_222 = arith.addi %add3A_214, %add3A_221 : vector<16xi32>
            %scan3A_223 = arith.constant 10 : i32
            %scan3A_224 = arith.addi %scan3A_144, %scan3A_223 : i32
            %get3A_225 = arith.index_cast %scan3A_224 : i32 to index
            %get3A_226 = arith.index_cast %scan3A_131 : i32 to index
            %get3A_227 = tpu.vector_load %arg5[%get3A_225, %get3A_226] {strides = array<i32>} : memref<32x512xf32, #tpu.memory_space<vmem>>, vector<16xf32>,
            tpu.vector_store_idx %arg7[%add3A_222], %get3A_227 : memref<16896xf32, #tpu.memory_space<vmem>>[vector<16xi32>], vector<16xf32>,
            %add3A_228 = arith.constant 1 : i32
            %add3A_229 = vector.broadcast %add3A_228 : i32 to vector<16xi32>
            %add3A_230 = arith.addi %add3A_222, %add3A_229 : vector<16xi32>
            %scan3A_231 = arith.constant 11 : i32
            %scan3A_232 = arith.addi %scan3A_144, %scan3A_231 : i32
            %get3A_233 = arith.index_cast %scan3A_232 : i32 to index
            %get3A_234 = arith.index_cast %scan3A_131 : i32 to index
            %get3A_235 = tpu.vector_load %arg5[%get3A_233, %get3A_234] {strides = array<i32>} : memref<32x512xf32, #tpu.memory_space<vmem>>, vector<16xf32>,
            tpu.vector_store_idx %arg7[%add3A_230], %get3A_235 : memref<16896xf32, #tpu.memory_space<vmem>>[vector<16xi32>], vector<16xf32>,
            %add3A_236 = arith.constant 1 : i32
            %add3A_237 = vector.broadcast %add3A_236 : i32 to vector<16xi32>
            %add3A_238 = arith.addi %add3A_230, %add3A_237 : vector<16xi32>
            %scan3A_239 = arith.constant 12 : i32
            %scan3A_240 = arith.addi %scan3A_144, %scan3A_239 : i32
            %get3A_241 = arith.index_cast %scan3A_240 : i32 to index
            %get3A_242 = arith.index_cast %scan3A_131 : i32 to index
            %get3A_243 = tpu.vector_load %arg5[%get3A_241, %get3A_242] {strides = array<i32>} : memref<32x512xf32, #tpu.memory_space<vmem>>, vector<16xf32>,
            tpu.vector_store_idx %arg7[%add3A_238], %get3A_243 : memref<16896xf32, #tpu.memory_space<vmem>>[vector<16xi32>], vector<16xf32>,
            %add3A_244 = arith.constant 1 : i32
            %add3A_245 = vector.broadcast %add3A_244 : i32 to vector<16xi32>
            %add3A_246 = arith.addi %add3A_238, %add3A_245 : vector<16xi32>
            %scan3A_247 = arith.constant 13 : i32
            %scan3A_248 = arith.addi %scan3A_144, %scan3A_247 : i32
            %get3A_249 = arith.index_cast %scan3A_248 : i32 to index
            %get3A_250 = arith.index_cast %scan3A_131 : i32 to index
            %get3A_251 = tpu.vector_load %arg5[%get3A_249, %get3A_250] {strides = array<i32>} : memref<32x512xf32, #tpu.memory_space<vmem>>, vector<16xf32>,
            tpu.vector_store_idx %arg7[%add3A_246], %get3A_251 : memref<16896xf32, #tpu.memory_space<vmem>>[vector<16xi32>], vector<16xf32>,
            %add3A_252 = arith.constant 1 : i32
            %add3A_253 = vector.broadcast %add3A_252 : i32 to vector<16xi32>
            %add3A_254 = arith.addi %add3A_246, %add3A_253 : vector<16xi32>
            %scan3A_255 = arith.constant 14 : i32
            %scan3A_256 = arith.addi %scan3A_144, %scan3A_255 : i32
            %get3A_257 = arith.index_cast %scan3A_256 : i32 to index
            %get3A_258 = arith.index_cast %scan3A_131 : i32 to index
            %get3A_259 = tpu.vector_load %arg5[%get3A_257, %get3A_258] {strides = array<i32>} : memref<32x512xf32, #tpu.memory_space<vmem>>, vector<16xf32>,
            tpu.vector_store_idx %arg7[%add3A_254], %get3A_259 : memref<16896xf32, #tpu.memory_space<vmem>>[vector<16xi32>], vector<16xf32>,
            %add3A_260 = arith.constant 1 : i32
            %add3A_261 = vector.broadcast %add3A_260 : i32 to vector<16xi32>
            %add3A_262 = arith.addi %add3A_254, %add3A_261 : vector<16xi32>
            %scan3A_263 = arith.constant 15 : i32
            %scan3A_264 = arith.addi %scan3A_144, %scan3A_263 : i32
            %get3A_265 = arith.index_cast %scan3A_264 : i32 to index
            %get3A_266 = arith.index_cast %scan3A_131 : i32 to index
            %get3A_267 = tpu.vector_load %arg5[%get3A_265, %get3A_266] {strides = array<i32>} : memref<32x512xf32, #tpu.memory_space<vmem>>, vector<16xf32>,
            tpu.vector_store_idx %arg7[%add3A_262], %get3A_267 : memref<16896xf32, #tpu.memory_space<vmem>>[vector<16xi32>], vector<16xf32>,
            %add3A_268 = arith.constant 1 : i32
            %add3A_269 = vector.broadcast %add3A_268 : i32 to vector<16xi32>
            %add3A_270 = arith.addi %add3A_262, %add3A_269 : vector<16xi32>
            scf.yield %add3A_270 : vector<16xi32>
          }
          %scan3A_138 = arith.constant 32 : i32
          %add3A_139 = arith.constant 16 : i32
          %add3A_140 = arith.addi %scan3A_131, %add3A_139 : i32
          %add3A_141 = arith.constant 528 : i32
          %add3A_142 = vector.broadcast %add3A_141 : i32 to vector<16xi32>
          %add3A_143 = arith.addi %scan3A_132, %add3A_142 : vector<16xi32>
          scf.yield %add3A_140, %add3A_143 : i32, vector<16xi32>
        }
        %scan3A_101 = arith.constant 32 : i32
        %scan3A_102 = arith.constant 0 : i32
        %scan3A_103 = arith.constant 0 : i32
        %scan3A_104 = arith.constant 0 : i32
        %scan3A_105 = arith.constant 512 : i32
        %scan3A_106 = arith.addi %scan3A_104, %scan3A_105 : i32
        %scan3A_107 = arith.constant 16 : i32
        %scan3A_108:2 = scf.for %scan3A_130 = %scan3A_104 to %scan3A_106 step %scan3A_107 iter_args(%scan3A_131 = %scan3A_102, %scan3A_132 = %scan3A_103) -> (i32, i32)  : i32 {
          %get3A = arith.index_cast %scan3A_132 : i32 to index
          %get3A_133 = tpu.vector_load %arg7[%get3A] {strides = array<i32>} : memref<16896xf32, #tpu.memory_space<vmem>>, vector<16xf32>,
          %swap3A = arith.index_cast %scan3A_131 : i32 to index
          %swap3A_134 = tpu.vector_load %arg8[%swap3A] {strides = array<i32>} : memref<16384xf32, #tpu.memory_space<vmem>>, vector<16xf32>,
          tpu.vector_store %arg8[%swap3A], %get3A_133 {strides = array<i32>} : memref<16384xf32, #tpu.memory_space<vmem>>, vector<16xf32>,
          %add3A_135 = arith.constant 16 : i32
          %add3A_136 = arith.addi %scan3A_132, %add3A_135 : i32
          %get3A_137 = arith.index_cast %add3A_136 : i32 to index
          %get3A_138 = tpu.vector_load %arg7[%get3A_137] {strides = array<i32>} : memref<16896xf32, #tpu.memory_space<vmem>>, vector<16xf32>,
          %add3A_139 = arith.constant 16 : i32
          %add3A_140 = arith.addi %scan3A_131, %add3A_139 : i32
          %swap3A_141 = arith.index_cast %add3A_140 : i32 to index
          %swap3A_142 = tpu.vector_load %arg8[%swap3A_141] {strides = array<i32>} : memref<16384xf32, #tpu.memory_space<vmem>>, vector<16xf32>,
          tpu.vector_store %arg8[%swap3A_141], %get3A_138 {strides = array<i32>} : memref<16384xf32, #tpu.memory_space<vmem>>, vector<16xf32>,
          %add3A_143 = arith.constant 32 : i32
          %add3A_144 = arith.addi %scan3A_131, %add3A_143 : i32
          %add3A_145 = arith.constant 33 : i32
          %add3A_146 = arith.addi %scan3A_132, %add3A_145 : i32
          %scan3A_147 = arith.constant 1 : i32
          %scan3A_148 = arith.addi %scan3A_130, %scan3A_147 : i32
          %get3A_149 = arith.index_cast %add3A_146 : i32 to index
          %get3A_150 = tpu.vector_load %arg7[%get3A_149] {strides = array<i32>} : memref<16896xf32, #tpu.memory_space<vmem>>, vector<16xf32>,
          %swap3A_151 = arith.index_cast %add3A_144 : i32 to index
          %swap3A_152 = tpu.vector_load %arg8[%swap3A_151] {strides = array<i32>} : memref<16384xf32, #tpu.memory_space<vmem>>, vector<16xf32>,
          tpu.vector_store %arg8[%swap3A_151], %get3A_150 {strides = array<i32>} : memref<16384xf32, #tpu.memory_space<vmem>>, vector<16xf32>,
          %add3A_153 = arith.constant 16 : i32
          %add3A_154 = arith.addi %add3A_146, %add3A_153 : i32
          %get3A_155 = arith.index_cast %add3A_154 : i32 to index
          %get3A_156 = tpu.vector_load %arg7[%get3A_155] {strides = array<i32>} : memref<16896xf32, #tpu.memory_space<vmem>>, vector<16xf32>,
          %add3A_157 = arith.constant 16 : i32
          %add3A_158 = arith.addi %add3A_144, %add3A_157 : i32
          %swap3A_159 = arith.index_cast %add3A_158 : i32 to index
          %swap3A_160 = tpu.vector_load %arg8[%swap3A_159] {strides = array<i32>} : memref<16384xf32, #tpu.memory_space<vmem>>, vector<16xf32>,
          tpu.vector_store %arg8[%swap3A_159], %get3A_156 {strides = array<i32>} : memref<16384xf32, #tpu.memory_space<vmem>>, vector<16xf32>,
          %add3A_161 = arith.constant 32 : i32
          %add3A_162 = arith.addi %add3A_144, %add3A_161 : i32
          %add3A_163 = arith.constant 33 : i32
          %add3A_164 = arith.addi %add3A_146, %add3A_163 : i32
          %scan3A_165 = arith.constant 2 : i32
          %scan3A_166 = arith.addi %scan3A_130, %scan3A_165 : i32
          %get3A_167 = arith.index_cast %add3A_164 : i32 to index
          %get3A_168 = tpu.vector_load %arg7[%get3A_167] {strides = array<i32>} : memref<16896xf32, #tpu.memory_space<vmem>>, vector<16xf32>,
          %swap3A_169 = arith.index_cast %add3A_162 : i32 to index
          %swap3A_170 = tpu.vector_load %arg8[%swap3A_169] {strides = array<i32>} : memref<16384xf32, #tpu.memory_space<vmem>>, vector<16xf32>,
          tpu.vector_store %arg8[%swap3A_169], %get3A_168 {strides = array<i32>} : memref<16384xf32, #tpu.memory_space<vmem>>, vector<16xf32>,
          %add3A_171 = arith.constant 16 : i32
          %add3A_172 = arith.addi %add3A_164, %add3A_171 : i32
          %get3A_173 = arith.index_cast %add3A_172 : i32 to index
          %get3A_174 = tpu.vector_load %arg7[%get3A_173] {strides = array<i32>} : memref<16896xf32, #tpu.memory_space<vmem>>, vector<16xf32>,
          %add3A_175 = arith.constant 16 : i32
          %add3A_176 = arith.addi %add3A_162, %add3A_175 : i32
          %swap3A_177 = arith.index_cast %add3A_176 : i32 to index
          %swap3A_178 = tpu.vector_load %arg8[%swap3A_177] {strides = array<i32>} : memref<16384xf32, #tpu.memory_space<vmem>>, vector<16xf32>,
          tpu.vector_store %arg8[%swap3A_177], %get3A_174 {strides = array<i32>} : memref<16384xf32, #tpu.memory_space<vmem>>, vector<16xf32>,
          %add3A_179 = arith.constant 32 : i32
          %add3A_180 = arith.addi %add3A_162, %add3A_179 : i32
          %add3A_181 = arith.constant 33 : i32
          %add3A_182 = arith.addi %add3A_164, %add3A_181 : i32
          %scan3A_183 = arith.constant 3 : i32
          %scan3A_184 = arith.addi %scan3A_130, %scan3A_183 : i32
          %get3A_185 = arith.index_cast %add3A_182 : i32 to index
          %get3A_186 = tpu.vector_load %arg7[%get3A_185] {strides = array<i32>} : memref<16896xf32, #tpu.memory_space<vmem>>, vector<16xf32>,
          %swap3A_187 = arith.index_cast %add3A_180 : i32 to index
          %swap3A_188 = tpu.vector_load %arg8[%swap3A_187] {strides = array<i32>} : memref<16384xf32, #tpu.memory_space<vmem>>, vector<16xf32>,
          tpu.vector_store %arg8[%swap3A_187], %get3A_186 {strides = array<i32>} : memref<16384xf32, #tpu.memory_space<vmem>>, vector<16xf32>,
          %add3A_189 = arith.constant 16 : i32
          %add3A_190 = arith.addi %add3A_182, %add3A_189 : i32
          %get3A_191 = arith.index_cast %add3A_190 : i32 to index
          %get3A_192 = tpu.vector_load %arg7[%get3A_191] {strides = array<i32>} : memref<16896xf32, #tpu.memory_space<vmem>>, vector<16xf32>,
          %add3A_193 = arith.constant 16 : i32
          %add3A_194 = arith.addi %add3A_180, %add3A_193 : i32
          %swap3A_195 = arith.index_cast %add3A_194 : i32 to index
          %swap3A_196 = tpu.vector_load %arg8[%swap3A_195] {strides = array<i32>} : memref<16384xf32, #tpu.memory_space<vmem>>, vector<16xf32>,
          tpu.vector_store %arg8[%swap3A_195], %get3A_192 {strides = array<i32>} : memref<16384xf32, #tpu.memory_space<vmem>>, vector<16xf32>,
          %add3A_197 = arith.constant 32 : i32
          %add3A_198 = arith.addi %add3A_180, %add3A_197 : i32
          %add3A_199 = arith.constant 33 : i32
          %add3A_200 = arith.addi %add3A_182, %add3A_199 : i32
          %scan3A_201 = arith.constant 4 : i32
          %scan3A_202 = arith.addi %scan3A_130, %scan3A_201 : i32
          %get3A_203 = arith.index_cast %add3A_200 : i32 to index
          %get3A_204 = tpu.vector_load %arg7[%get3A_203] {strides = array<i32>} : memref<16896xf32, #tpu.memory_space<vmem>>, vector<16xf32>,
          %swap3A_205 = arith.index_cast %add3A_198 : i32 to index
          %swap3A_206 = tpu.vector_load %arg8[%swap3A_205] {strides = array<i32>} : memref<16384xf32, #tpu.memory_space<vmem>>, vector<16xf32>,
          tpu.vector_store %arg8[%swap3A_205], %get3A_204 {strides = array<i32>} : memref<16384xf32, #tpu.memory_space<vmem>>, vector<16xf32>,
          %add3A_207 = arith.constant 16 : i32
          %add3A_208 = arith.addi %add3A_200, %add3A_207 : i32
          %get3A_209 = arith.index_cast %add3A_208 : i32 to index
          %get3A_210 = tpu.vector_load %arg7[%get3A_209] {strides = array<i32>} : memref<16896xf32, #tpu.memory_space<vmem>>, vector<16xf32>,
          %add3A_211 = arith.constant 16 : i32
          %add3A_212 = arith.addi %add3A_198, %add3A_211 : i32
          %swap3A_213 = arith.index_cast %add3A_212 : i32 to index
          %swap3A_214 = tpu.vector_load %arg8[%swap3A_213] {strides = array<i32>} : memref<16384xf32, #tpu.memory_space<vmem>>, vector<16xf32>,
          tpu.vector_store %arg8[%swap3A_213], %get3A_210 {strides = array<i32>} : memref<16384xf32, #tpu.memory_space<vmem>>, vector<16xf32>,
          %add3A_215 = arith.constant 32 : i32
          %add3A_216 = arith.addi %add3A_198, %add3A_215 : i32
          %add3A_217 = arith.constant 33 : i32
          %add3A_218 = arith.addi %add3A_200, %add3A_217 : i32
          %scan3A_219 = arith.constant 5 : i32
          %scan3A_220 = arith.addi %scan3A_130, %scan3A_219 : i32
          %get3A_221 = arith.index_cast %add3A_218 : i32 to index
          %get3A_222 = tpu.vector_load %arg7[%get3A_221] {strides = array<i32>} : memref<16896xf32, #tpu.memory_space<vmem>>, vector<16xf32>,
          %swap3A_223 = arith.index_cast %add3A_216 : i32 to index
          %swap3A_224 = tpu.vector_load %arg8[%swap3A_223] {strides = array<i32>} : memref<16384xf32, #tpu.memory_space<vmem>>, vector<16xf32>,
          tpu.vector_store %arg8[%swap3A_223], %get3A_222 {strides = array<i32>} : memref<16384xf32, #tpu.memory_space<vmem>>, vector<16xf32>,
          %add3A_225 = arith.constant 16 : i32
          %add3A_226 = arith.addi %add3A_218, %add3A_225 : i32
          %get3A_227 = arith.index_cast %add3A_226 : i32 to index
          %get3A_228 = tpu.vector_load %arg7[%get3A_227] {strides = array<i32>} : memref<16896xf32, #tpu.memory_space<vmem>>, vector<16xf32>,
          %add3A_229 = arith.constant 16 : i32
          %add3A_230 = arith.addi %add3A_216, %add3A_229 : i32
          %swap3A_231 = arith.index_cast %add3A_230 : i32 to index
          %swap3A_232 = tpu.vector_load %arg8[%swap3A_231] {strides = array<i32>} : memref<16384xf32, #tpu.memory_space<vmem>>, vector<16xf32>,
          tpu.vector_store %arg8[%swap3A_231], %get3A_228 {strides = array<i32>} : memref<16384xf32, #tpu.memory_space<vmem>>, vector<16xf32>,
          %add3A_233 = arith.constant 32 : i32
          %add3A_234 = arith.addi %add3A_216, %add3A_233 : i32
          %add3A_235 = arith.constant 33 : i32
          %add3A_236 = arith.addi %add3A_218, %add3A_235 : i32
          %scan3A_237 = arith.constant 6 : i32
          %scan3A_238 = arith.addi %scan3A_130, %scan3A_237 : i32
          %get3A_239 = arith.index_cast %add3A_236 : i32 to index
          %get3A_240 = tpu.vector_load %arg7[%get3A_239] {strides = array<i32>} : memref<16896xf32, #tpu.memory_space<vmem>>, vector<16xf32>,
          %swap3A_241 = arith.index_cast %add3A_234 : i32 to index
          %swap3A_242 = tpu.vector_load %arg8[%swap3A_241] {strides = array<i32>} : memref<16384xf32, #tpu.memory_space<vmem>>, vector<16xf32>,
          tpu.vector_store %arg8[%swap3A_241], %get3A_240 {strides = array<i32>} : memref<16384xf32, #tpu.memory_space<vmem>>, vector<16xf32>,
          %add3A_243 = arith.constant 16 : i32
          %add3A_244 = arith.addi %add3A_236, %add3A_243 : i32
          %get3A_245 = arith.index_cast %add3A_244 : i32 to index
          %get3A_246 = tpu.vector_load %arg7[%get3A_245] {strides = array<i32>} : memref<16896xf32, #tpu.memory_space<vmem>>, vector<16xf32>,
          %add3A_247 = arith.constant 16 : i32
          %add3A_248 = arith.addi %add3A_234, %add3A_247 : i32
          %swap3A_249 = arith.index_cast %add3A_248 : i32 to index
          %swap3A_250 = tpu.vector_load %arg8[%swap3A_249] {strides = array<i32>} : memref<16384xf32, #tpu.memory_space<vmem>>, vector<16xf32>,
          tpu.vector_store %arg8[%swap3A_249], %get3A_246 {strides = array<i32>} : memref<16384xf32, #tpu.memory_space<vmem>>, vector<16xf32>,
          %add3A_251 = arith.constant 32 : i32
          %add3A_252 = arith.addi %add3A_234, %add3A_251 : i32
          %add3A_253 = arith.constant 33 : i32
          %add3A_254 = arith.addi %add3A_236, %add3A_253 : i32
          %scan3A_255 = arith.constant 7 : i32
          %scan3A_256 = arith.addi %scan3A_130, %scan3A_255 : i32
          %get3A_257 = arith.index_cast %add3A_254 : i32 to index
          %get3A_258 = tpu.vector_load %arg7[%get3A_257] {strides = array<i32>} : memref<16896xf32, #tpu.memory_space<vmem>>, vector<16xf32>,
          %swap3A_259 = arith.index_cast %add3A_252 : i32 to index
          %swap3A_260 = tpu.vector_load %arg8[%swap3A_259] {strides = array<i32>} : memref<16384xf32, #tpu.memory_space<vmem>>, vector<16xf32>,
          tpu.vector_store %arg8[%swap3A_259], %get3A_258 {strides = array<i32>} : memref<16384xf32, #tpu.memory_space<vmem>>, vector<16xf32>,
          %add3A_261 = arith.constant 16 : i32
          %add3A_262 = arith.addi %add3A_254, %add3A_261 : i32
          %get3A_263 = arith.index_cast %add3A_262 : i32 to index
          %get3A_264 = tpu.vector_load %arg7[%get3A_263] {strides = array<i32>} : memref<16896xf32, #tpu.memory_space<vmem>>, vector<16xf32>,
          %add3A_265 = arith.constant 16 : i32
          %add3A_266 = arith.addi %add3A_252, %add3A_265 : i32
          %swap3A_267 = arith.index_cast %add3A_266 : i32 to index
          %swap3A_268 = tpu.vector_load %arg8[%swap3A_267] {strides = array<i32>} : memref<16384xf32, #tpu.memory_space<vmem>>, vector<16xf32>,
          tpu.vector_store %arg8[%swap3A_267], %get3A_264 {strides = array<i32>} : memref<16384xf32, #tpu.memory_space<vmem>>, vector<16xf32>,
          %add3A_269 = arith.constant 32 : i32
          %add3A_270 = arith.addi %add3A_252, %add3A_269 : i32
          %add3A_271 = arith.constant 33 : i32
          %add3A_272 = arith.addi %add3A_254, %add3A_271 : i32
          %scan3A_273 = arith.constant 8 : i32
          %scan3A_274 = arith.addi %scan3A_130, %scan3A_273 : i32
          %get3A_275 = arith.index_cast %add3A_272 : i32 to index
          %get3A_276 = tpu.vector_load %arg7[%get3A_275] {strides = array<i32>} : memref<16896xf32, #tpu.memory_space<vmem>>, vector<16xf32>,
          %swap3A_277 = arith.index_cast %add3A_270 : i32 to index
          %swap3A_278 = tpu.vector_load %arg8[%swap3A_277] {strides = array<i32>} : memref<16384xf32, #tpu.memory_space<vmem>>, vector<16xf32>,
          tpu.vector_store %arg8[%swap3A_277], %get3A_276 {strides = array<i32>} : memref<16384xf32, #tpu.memory_space<vmem>>, vector<16xf32>,
          %add3A_279 = arith.constant 16 : i32
          %add3A_280 = arith.addi %add3A_272, %add3A_279 : i32
          %get3A_281 = arith.index_cast %add3A_280 : i32 to index
          %get3A_282 = tpu.vector_load %arg7[%get3A_281] {strides = array<i32>} : memref<16896xf32, #tpu.memory_space<vmem>>, vector<16xf32>,
          %add3A_283 = arith.constant 16 : i32
          %add3A_284 = arith.addi %add3A_270, %add3A_283 : i32
          %swap3A_285 = arith.index_cast %add3A_284 : i32 to index
          %swap3A_286 = tpu.vector_load %arg8[%swap3A_285] {strides = array<i32>} : memref<16384xf32, #tpu.memory_space<vmem>>, vector<16xf32>,
          tpu.vector_store %arg8[%swap3A_285], %get3A_282 {strides = array<i32>} : memref<16384xf32, #tpu.memory_space<vmem>>, vector<16xf32>,
          %add3A_287 = arith.constant 32 : i32
          %add3A_288 = arith.addi %add3A_270, %add3A_287 : i32
          %add3A_289 = arith.constant 33 : i32
          %add3A_290 = arith.addi %add3A_272, %add3A_289 : i32
          %scan3A_291 = arith.constant 9 : i32
          %scan3A_292 = arith.addi %scan3A_130, %scan3A_291 : i32
          %get3A_293 = arith.index_cast %add3A_290 : i32 to index
          %get3A_294 = tpu.vector_load %arg7[%get3A_293] {strides = array<i32>} : memref<16896xf32, #tpu.memory_space<vmem>>, vector<16xf32>,
          %swap3A_295 = arith.index_cast %add3A_288 : i32 to index
          %swap3A_296 = tpu.vector_load %arg8[%swap3A_295] {strides = array<i32>} : memref<16384xf32, #tpu.memory_space<vmem>>, vector<16xf32>,
          tpu.vector_store %arg8[%swap3A_295], %get3A_294 {strides = array<i32>} : memref<16384xf32, #tpu.memory_space<vmem>>, vector<16xf32>,
          %add3A_297 = arith.constant 16 : i32
          %add3A_298 = arith.addi %add3A_290, %add3A_297 : i32
          %get3A_299 = arith.index_cast %add3A_298 : i32 to index
          %get3A_300 = tpu.vector_load %arg7[%get3A_299] {strides = array<i32>} : memref<16896xf32, #tpu.memory_space<vmem>>, vector<16xf32>,
          %add3A_301 = arith.constant 16 : i32
          %add3A_302 = arith.addi %add3A_288, %add3A_301 : i32
          %swap3A_303 = arith.index_cast %add3A_302 : i32 to index
          %swap3A_304 = tpu.vector_load %arg8[%swap3A_303] {strides = array<i32>} : memref<16384xf32, #tpu.memory_space<vmem>>, vector<16xf32>,
          tpu.vector_store %arg8[%swap3A_303], %get3A_300 {strides = array<i32>} : memref<16384xf32, #tpu.memory_space<vmem>>, vector<16xf32>,
          %add3A_305 = arith.constant 32 : i32
          %add3A_306 = arith.addi %add3A_288, %add3A_305 : i32
          %add3A_307 = arith.constant 33 : i32
          %add3A_308 = arith.addi %add3A_290, %add3A_307 : i32
          %scan3A_309 = arith.constant 10 : i32
          %scan3A_310 = arith.addi %scan3A_130, %scan3A_309 : i32
          %get3A_311 = arith.index_cast %add3A_308 : i32 to index
          %get3A_312 = tpu.vector_load %arg7[%get3A_311] {strides = array<i32>} : memref<16896xf32, #tpu.memory_space<vmem>>, vector<16xf32>,
          %swap3A_313 = arith.index_cast %add3A_306 : i32 to index
          %swap3A_314 = tpu.vector_load %arg8[%swap3A_313] {strides = array<i32>} : memref<16384xf32, #tpu.memory_space<vmem>>, vector<16xf32>,
          tpu.vector_store %arg8[%swap3A_313], %get3A_312 {strides = array<i32>} : memref<16384xf32, #tpu.memory_space<vmem>>, vector<16xf32>,
          %add3A_315 = arith.constant 16 : i32
          %add3A_316 = arith.addi %add3A_308, %add3A_315 : i32
          %get3A_317 = arith.index_cast %add3A_316 : i32 to index
          %get3A_318 = tpu.vector_load %arg7[%get3A_317] {strides = array<i32>} : memref<16896xf32, #tpu.memory_space<vmem>>, vector<16xf32>,
          %add3A_319 = arith.constant 16 : i32
          %add3A_320 = arith.addi %add3A_306, %add3A_319 : i32
          %swap3A_321 = arith.index_cast %add3A_320 : i32 to index
          %swap3A_322 = tpu.vector_load %arg8[%swap3A_321] {strides = array<i32>} : memref<16384xf32, #tpu.memory_space<vmem>>, vector<16xf32>,
          tpu.vector_store %arg8[%swap3A_321], %get3A_318 {strides = array<i32>} : memref<16384xf32, #tpu.memory_space<vmem>>, vector<16xf32>,
          %add3A_323 = arith.constant 32 : i32
          %add3A_324 = arith.addi %add3A_306, %add3A_323 : i32
          %add3A_325 = arith.constant 33 : i32
          %add3A_326 = arith.addi %add3A_308, %add3A_325 : i32
          %scan3A_327 = arith.constant 11 : i32
          %scan3A_328 = arith.addi %scan3A_130, %scan3A_327 : i32
          %get3A_329 = arith.index_cast %add3A_326 : i32 to index
          %get3A_330 = tpu.vector_load %arg7[%get3A_329] {strides = array<i32>} : memref<16896xf32, #tpu.memory_space<vmem>>, vector<16xf32>,
          %swap3A_331 = arith.index_cast %add3A_324 : i32 to index
          %swap3A_332 = tpu.vector_load %arg8[%swap3A_331] {strides = array<i32>} : memref<16384xf32, #tpu.memory_space<vmem>>, vector<16xf32>,
          tpu.vector_store %arg8[%swap3A_331], %get3A_330 {strides = array<i32>} : memref<16384xf32, #tpu.memory_space<vmem>>, vector<16xf32>,
          %add3A_333 = arith.constant 16 : i32
          %add3A_334 = arith.addi %add3A_326, %add3A_333 : i32
          %get3A_335 = arith.index_cast %add3A_334 : i32 to index
          %get3A_336 = tpu.vector_load %arg7[%get3A_335] {strides = array<i32>} : memref<16896xf32, #tpu.memory_space<vmem>>, vector<16xf32>,
          %add3A_337 = arith.constant 16 : i32
          %add3A_338 = arith.addi %add3A_324, %add3A_337 : i32
          %swap3A_339 = arith.index_cast %add3A_338 : i32 to index
          %swap3A_340 = tpu.vector_load %arg8[%swap3A_339] {strides = array<i32>} : memref<16384xf32, #tpu.memory_space<vmem>>, vector<16xf32>,
          tpu.vector_store %arg8[%swap3A_339], %get3A_336 {strides = array<i32>} : memref<16384xf32, #tpu.memory_space<vmem>>, vector<16xf32>,
          %add3A_341 = arith.constant 32 : i32
          %add3A_342 = arith.addi %add3A_324, %add3A_341 : i32
          %add3A_343 = arith.constant 33 : i32
          %add3A_344 = arith.addi %add3A_326, %add3A_343 : i32
          %scan3A_345 = arith.constant 12 : i32
          %scan3A_346 = arith.addi %scan3A_130, %scan3A_345 : i32
          %get3A_347 = arith.index_cast %add3A_344 : i32 to index
          %get3A_348 = tpu.vector_load %arg7[%get3A_347] {strides = array<i32>} : memref<16896xf32, #tpu.memory_space<vmem>>, vector<16xf32>,
          %swap3A_349 = arith.index_cast %add3A_342 : i32 to index
          %swap3A_350 = tpu.vector_load %arg8[%swap3A_349] {strides = array<i32>} : memref<16384xf32, #tpu.memory_space<vmem>>, vector<16xf32>,
          tpu.vector_store %arg8[%swap3A_349], %get3A_348 {strides = array<i32>} : memref<16384xf32, #tpu.memory_space<vmem>>, vector<16xf32>,
          %add3A_351 = arith.constant 16 : i32
          %add3A_352 = arith.addi %add3A_344, %add3A_351 : i32
          %get3A_353 = arith.index_cast %add3A_352 : i32 to index
          %get3A_354 = tpu.vector_load %arg7[%get3A_353] {strides = array<i32>} : memref<16896xf32, #tpu.memory_space<vmem>>, vector<16xf32>,
          %add3A_355 = arith.constant 16 : i32
          %add3A_356 = arith.addi %add3A_342, %add3A_355 : i32
          %swap3A_357 = arith.index_cast %add3A_356 : i32 to index
          %swap3A_358 = tpu.vector_load %arg8[%swap3A_357] {strides = array<i32>} : memref<16384xf32, #tpu.memory_space<vmem>>, vector<16xf32>,
          tpu.vector_store %arg8[%swap3A_357], %get3A_354 {strides = array<i32>} : memref<16384xf32, #tpu.memory_space<vmem>>, vector<16xf32>,
          %add3A_359 = arith.constant 32 : i32
          %add3A_360 = arith.addi %add3A_342, %add3A_359 : i32
          %add3A_361 = arith.constant 33 : i32
          %add3A_362 = arith.addi %add3A_344, %add3A_361 : i32
          %scan3A_363 = arith.constant 13 : i32
          %scan3A_364 = arith.addi %scan3A_130, %scan3A_363 : i32
          %get3A_365 = arith.index_cast %add3A_362 : i32 to index
          %get3A_366 = tpu.vector_load %arg7[%get3A_365] {strides = array<i32>} : memref<16896xf32, #tpu.memory_space<vmem>>, vector<16xf32>,
          %swap3A_367 = arith.index_cast %add3A_360 : i32 to index
          %swap3A_368 = tpu.vector_load %arg8[%swap3A_367] {strides = array<i32>} : memref<16384xf32, #tpu.memory_space<vmem>>, vector<16xf32>,
          tpu.vector_store %arg8[%swap3A_367], %get3A_366 {strides = array<i32>} : memref<16384xf32, #tpu.memory_space<vmem>>, vector<16xf32>,
          %add3A_369 = arith.constant 16 : i32
          %add3A_370 = arith.addi %add3A_362, %add3A_369 : i32
          %get3A_371 = arith.index_cast %add3A_370 : i32 to index
          %get3A_372 = tpu.vector_load %arg7[%get3A_371] {strides = array<i32>} : memref<16896xf32, #tpu.memory_space<vmem>>, vector<16xf32>,
          %add3A_373 = arith.constant 16 : i32
          %add3A_374 = arith.addi %add3A_360, %add3A_373 : i32
          %swap3A_375 = arith.index_cast %add3A_374 : i32 to index
          %swap3A_376 = tpu.vector_load %arg8[%swap3A_375] {strides = array<i32>} : memref<16384xf32, #tpu.memory_space<vmem>>, vector<16xf32>,
          tpu.vector_store %arg8[%swap3A_375], %get3A_372 {strides = array<i32>} : memref<16384xf32, #tpu.memory_space<vmem>>, vector<16xf32>,
          %add3A_377 = arith.constant 32 : i32
          %add3A_378 = arith.addi %add3A_360, %add3A_377 : i32
          %add3A_379 = arith.constant 33 : i32
          %add3A_380 = arith.addi %add3A_362, %add3A_379 : i32
          %scan3A_381 = arith.constant 14 : i32
          %scan3A_382 = arith.addi %scan3A_130, %scan3A_381 : i32
          %get3A_383 = arith.index_cast %add3A_380 : i32 to index
          %get3A_384 = tpu.vector_load %arg7[%get3A_383] {strides = array<i32>} : memref<16896xf32, #tpu.memory_space<vmem>>, vector<16xf32>,
          %swap3A_385 = arith.index_cast %add3A_378 : i32 to index
          %swap3A_386 = tpu.vector_load %arg8[%swap3A_385] {strides = array<i32>} : memref<16384xf32, #tpu.memory_space<vmem>>, vector<16xf32>,
          tpu.vector_store %arg8[%swap3A_385], %get3A_384 {strides = array<i32>} : memref<16384xf32, #tpu.memory_space<vmem>>, vector<16xf32>,
          %add3A_387 = arith.constant 16 : i32
          %add3A_388 = arith.addi %add3A_380, %add3A_387 : i32
          %get3A_389 = arith.index_cast %add3A_388 : i32 to index
          %get3A_390 = tpu.vector_load %arg7[%get3A_389] {strides = array<i32>} : memref<16896xf32, #tpu.memory_space<vmem>>, vector<16xf32>,
          %add3A_391 = arith.constant 16 : i32
          %add3A_392 = arith.addi %add3A_378, %add3A_391 : i32
          %swap3A_393 = arith.index_cast %add3A_392 : i32 to index
          %swap3A_394 = tpu.vector_load %arg8[%swap3A_393] {strides = array<i32>} : memref<16384xf32, #tpu.memory_space<vmem>>, vector<16xf32>,
          tpu.vector_store %arg8[%swap3A_393], %get3A_390 {strides = array<i32>} : memref<16384xf32, #tpu.memory_space<vmem>>, vector<16xf32>,
          %add3A_395 = arith.constant 32 : i32
          %add3A_396 = arith.addi %add3A_378, %add3A_395 : i32
          %add3A_397 = arith.constant 33 : i32
          %add3A_398 = arith.addi %add3A_380, %add3A_397 : i32
          %scan3A_399 = arith.constant 15 : i32
          %scan3A_400 = arith.addi %scan3A_130, %scan3A_399 : i32
          %get3A_401 = arith.index_cast %add3A_398 : i32 to index
          %get3A_402 = tpu.vector_load %arg7[%get3A_401] {strides = array<i32>} : memref<16896xf32, #tpu.memory_space<vmem>>, vector<16xf32>,
          %swap3A_403 = arith.index_cast %add3A_396 : i32 to index
          %swap3A_404 = tpu.vector_load %arg8[%swap3A_403] {strides = array<i32>} : memref<16384xf32, #tpu.memory_space<vmem>>, vector<16xf32>,
          tpu.vector_store %arg8[%swap3A_403], %get3A_402 {strides = array<i32>} : memref<16384xf32, #tpu.memory_space<vmem>>, vector<16xf32>,
          %add3A_405 = arith.constant 16 : i32
          %add3A_406 = arith.addi %add3A_398, %add3A_405 : i32
          %get3A_407 = arith.index_cast %add3A_406 : i32 to index
          %get3A_408 = tpu.vector_load %arg7[%get3A_407] {strides = array<i32>} : memref<16896xf32, #tpu.memory_space<vmem>>, vector<16xf32>,
          %add3A_409 = arith.constant 16 : i32
          %add3A_410 = arith.addi %add3A_396, %add3A_409 : i32
          %swap3A_411 = arith.index_cast %add3A_410 : i32 to index
          %swap3A_412 = tpu.vector_load %arg8[%swap3A_411] {strides = array<i32>} : memref<16384xf32, #tpu.memory_space<vmem>>, vector<16xf32>,
          tpu.vector_store %arg8[%swap3A_411], %get3A_408 {strides = array<i32>} : memref<16384xf32, #tpu.memory_space<vmem>>, vector<16xf32>,
          %add3A_413 = arith.constant 32 : i32
          %add3A_414 = arith.addi %add3A_396, %add3A_413 : i32
          %add3A_415 = arith.constant 33 : i32
          %add3A_416 = arith.addi %add3A_398, %add3A_415 : i32
          scf.yield %add3A_414, %add3A_416 : i32, i32
        }
        %scan3A_109 = arith.constant 512 : i32
        %mul3A_110 = arith.constant 16384 : i32
        %mul3A_111 = arith.muli %add3A_62, %mul3A_110 : i32
        %dma_start3A_112 = tpu.memref_slice %arg3[%mul3A_111] : memref<32000000xf32, #tpu.memory_space<hbm>> -> memref<16384xf32, #tpu.memory_space<hbm>>
        %dma_start3A_113 = tpu.memref_slice %arg3[%mul3A_111] : memref<32000000xf32, #tpu.memory_space<hbm>> -> memref<16384xf32, #tpu.memory_space<hbm>>
        tpu.enqueue_dma source(%arg8 : memref<16384xf32, #tpu.memory_space<vmem>>) target(%dma_start3A_113 : memref<16384xf32, #tpu.memory_space<hbm>>) target_semaphore(%arg14 : memref<!tpu.dma_semaphore, #tpu.memory_space<semaphore_mem>>)
        %mul3A_114 = arith.constant 512 : i32
        %mul3A_115 = arith.muli %add3A_62, %mul3A_114 : i32
        %dma_wait3A_116 = arith.constant 0 : i32
        %dma_wait3A_117 = tpu.memref_slice %arg4[%dma_wait3A_116, %mul3A_115] : memref<32x1000000xf32, #tpu.memory_space<hbm>> -> memref<32x512xf32, #tpu.memory_space<hbm>>
        %dma_wait3A_118 = arith.constant 0 : i32
        %dma_wait3A_119 = tpu.memref_slice %arg4[%dma_wait3A_118, %mul3A_115] : memref<32x1000000xf32, #tpu.memory_space<hbm>> -> memref<32x512xf32, #tpu.memory_space<hbm>>
        tpu.wait_dma2 semaphore(%arg16 : memref<!tpu.dma_semaphore, #tpu.memory_space<semaphore_mem>>) src(%arg5 : memref<32x512xf32, #tpu.memory_space<vmem>>) dst(%dma_wait3A_119 : memref<32x512xf32, #tpu.memory_space<hbm>>)
        %add3A_120 = arith.constant 2 : i32
        %add3A_121 = arith.addi %add3A_59, %add3A_120 : i32
        %mul3A_122 = arith.constant 32 : i32
        %mul3A_123 = arith.muli %add3A_121, %mul3A_122 : i32
        %add3A_124 = arith.addi %add3A, %mul3A_123 : i32
        %lt3A_125 = arith.constant 1953 : i32
        %lt3A_126 = arith.cmpi slt, %add3A_124, %lt3A_125 : i32
        %convert_element_type3A_127 = arith.extui %lt3A_126 : i1 to i32
        %cond3A_128 = arith.constant 0 : i32
        %cond3A_129 = arith.cmpi ne, %convert_element_type3A_127, %cond3A_128 : i32
        scf.if %cond3A_129 {
          %mul3A_130 = arith.constant 512 : i32
          %mul3A_131 = arith.muli %add3A_124, %mul3A_130 : i32
          %dma_start3A_132 = arith.constant 0 : i32
          %dma_start3A_133 = tpu.memref_slice %arg2[%dma_start3A_132, %mul3A_131] : memref<32x1000000xf32, #tpu.memory_space<hbm>> -> memref<32x512xf32, #tpu.memory_space<hbm>>
          %dma_start3A_134 = arith.constant 0 : i32
          %dma_start3A_135 = tpu.memref_slice %arg2[%dma_start3A_134, %mul3A_131] : memref<32x1000000xf32, #tpu.memory_space<hbm>> -> memref<32x512xf32, #tpu.memory_space<hbm>>
          tpu.enqueue_dma source(%dma_start3A_135 : memref<32x512xf32, #tpu.memory_space<hbm>>) target(%arg5 : memref<32x512xf32, #tpu.memory_space<vmem>>) target_semaphore(%arg12 : memref<!tpu.dma_semaphore, #tpu.memory_space<semaphore_mem>>)
        } else {
        }
      } else {
      }
      %mul3A_68 = arith.constant 2 : i32
      %mul3A_69 = arith.muli %scan3A_55, %mul3A_68 : i32
      %add3A_70 = arith.constant 1 : i32
      %add3A_71 = arith.addi %mul3A_69, %add3A_70 : i32
      %mul3A_72 = arith.constant 32 : i32
      %mul3A_73 = arith.muli %add3A_71, %mul3A_72 : i32
      %add3A_74 = arith.addi %add3A, %mul3A_73 : i32
      %lt3A_75 = arith.constant 1953 : i32
      %lt3A_76 = arith.cmpi slt, %add3A_74, %lt3A_75 : i32
      %convert_element_type3A_77 = arith.extui %lt3A_76 : i1 to i32
      %cond3A_78 = arith.constant 0 : i32
      %cond3A_79 = arith.cmpi ne, %convert_element_type3A_77, %cond3A_78 : i32
      scf.if %cond3A_79 {
        %ge3A_80 = arith.constant 1 : i32
        %ge3A_81 = arith.cmpi sge, %scan3A_55, %ge3A_80 : i32
        %convert_element_type3A_82 = arith.extui %ge3A_81 : i1 to i32
        %cond3A_83 = arith.constant 0 : i32
        %cond3A_84 = arith.cmpi ne, %convert_element_type3A_82, %cond3A_83 : i32
        scf.if %cond3A_84 {
          %mul3A_130 = arith.constant 16384 : i32
          %mul3A_131 = arith.muli %add3A_74, %mul3A_130 : i32
          %dma_wait3A_132 = tpu.memref_slice %arg3[%mul3A_131] : memref<32000000xf32, #tpu.memory_space<hbm>> -> memref<16384xf32, #tpu.memory_space<hbm>>
          %dma_wait3A_133 = tpu.memref_slice %arg3[%mul3A_131] : memref<32000000xf32, #tpu.memory_space<hbm>> -> memref<16384xf32, #tpu.memory_space<hbm>>
          tpu.wait_dma2 semaphore(%arg15 : memref<!tpu.dma_semaphore, #tpu.memory_space<semaphore_mem>>) src(%arg9 : memref<16384xf32, #tpu.memory_space<vmem>>) dst(%dma_wait3A_133 : memref<16384xf32, #tpu.memory_space<hbm>>)
        } else {
        }
        %mul3A_85 = arith.constant 512 : i32
        %mul3A_86 = arith.muli %add3A_74, %mul3A_85 : i32
        %dma_wait3A = arith.constant 0 : i32
        %dma_wait3A_87 = tpu.memref_slice %arg2[%dma_wait3A, %mul3A_86] : memref<32x1000000xf32, #tpu.memory_space<hbm>> -> memref<32x512xf32, #tpu.memory_space<hbm>>
        %dma_wait3A_88 = arith.constant 0 : i32
        %dma_wait3A_89 = tpu.memref_slice %arg2[%dma_wait3A_88, %mul3A_86] : memref<32x1000000xf32, #tpu.memory_space<hbm>> -> memref<32x512xf32, #tpu.memory_space<hbm>>
        tpu.wait_dma2 semaphore(%arg13 : memref<!tpu.dma_semaphore, #tpu.memory_space<semaphore_mem>>) src(%dma_wait3A_89 : memref<32x512xf32, #tpu.memory_space<hbm>>) dst(%arg6 : memref<32x512xf32, #tpu.memory_space<vmem>>)
        %mul3A_90 = arith.constant 512 : i32
        %mul3A_91 = arith.muli %add3A_74, %mul3A_90 : i32
        %dma_start3A = arith.constant 0 : i32
        %dma_start3A_92 = tpu.memref_slice %arg4[%dma_start3A, %mul3A_91] : memref<32x1000000xf32, #tpu.memory_space<hbm>> -> memref<32x512xf32, #tpu.memory_space<hbm>>
        %dma_start3A_93 = arith.constant 0 : i32
        %dma_start3A_94 = tpu.memref_slice %arg4[%dma_start3A_93, %mul3A_91] : memref<32x1000000xf32, #tpu.memory_space<hbm>> -> memref<32x512xf32, #tpu.memory_space<hbm>>
        tpu.enqueue_dma source(%arg6 : memref<32x512xf32, #tpu.memory_space<vmem>>) target(%dma_start3A_94 : memref<32x512xf32, #tpu.memory_space<hbm>>) target_semaphore(%arg17 : memref<!tpu.dma_semaphore, #tpu.memory_space<semaphore_mem>>)
        %scan3A_95 = arith.constant 0 : i32
        %scan3A_96 = arith.constant 0 : i32
        %scan3A_97 = arith.constant 32 : i32
        %scan3A_98 = arith.addi %scan3A_96, %scan3A_97 : i32
        %scan3A_99 = arith.constant 1 : i32
        %scan3A_100:2 = scf.for %scan3A_130 = %scan3A_96 to %scan3A_98 step %scan3A_99 iter_args(%scan3A_131 = %scan3A_95, %scan3A_132 = %mul3A_3) -> (i32, vector<16xi32>)  : i32 {
          %scan3A_133 = arith.constant 0 : i32
          %scan3A_134 = arith.constant 32 : i32
          %scan3A_135 = arith.addi %scan3A_133, %scan3A_134 : i32
          %scan3A_136 = arith.constant 16 : i32
          %scan3A_137 = scf.for %scan3A_144 = %scan3A_133 to %scan3A_135 step %scan3A_136 iter_args(%scan3A_145 = %scan3A_132) -> (vector<16xi32>)  : i32 {
            %get3A = arith.index_cast %scan3A_144 : i32 to index
            %get3A_146 = arith.index_cast %scan3A_131 : i32 to index
            %get3A_147 = tpu.vector_load %arg6[%get3A, %get3A_146] {strides = array<i32>} : memref<32x512xf32, #tpu.memory_space<vmem>>, vector<16xf32>,
            tpu.vector_store_idx %arg7[%scan3A_145], %get3A_147 : memref<16896xf32, #tpu.memory_space<vmem>>[vector<16xi32>], vector<16xf32>,
            %add3A_148 = arith.constant 1 : i32
            %add3A_149 = vector.broadcast %add3A_148 : i32 to vector<16xi32>
            %add3A_150 = arith.addi %scan3A_145, %add3A_149 : vector<16xi32>
            %scan3A_151 = arith.constant 1 : i32
            %scan3A_152 = arith.addi %scan3A_144, %scan3A_151 : i32
            %get3A_153 = arith.index_cast %scan3A_152 : i32 to index
            %get3A_154 = arith.index_cast %scan3A_131 : i32 to index
            %get3A_155 = tpu.vector_load %arg6[%get3A_153, %get3A_154] {strides = array<i32>} : memref<32x512xf32, #tpu.memory_space<vmem>>, vector<16xf32>,
            tpu.vector_store_idx %arg7[%add3A_150], %get3A_155 : memref<16896xf32, #tpu.memory_space<vmem>>[vector<16xi32>], vector<16xf32>,
            %add3A_156 = arith.constant 1 : i32
            %add3A_157 = vector.broadcast %add3A_156 : i32 to vector<16xi32>
            %add3A_158 = arith.addi %add3A_150, %add3A_157 : vector<16xi32>
            %scan3A_159 = arith.constant 2 : i32
            %scan3A_160 = arith.addi %scan3A_144, %scan3A_159 : i32
            %get3A_161 = arith.index_cast %scan3A_160 : i32 to index
            %get3A_162 = arith.index_cast %scan3A_131 : i32 to index
            %get3A_163 = tpu.vector_load %arg6[%get3A_161, %get3A_162] {strides = array<i32>} : memref<32x512xf32, #tpu.memory_space<vmem>>, vector<16xf32>,
            tpu.vector_store_idx %arg7[%add3A_158], %get3A_163 : memref<16896xf32, #tpu.memory_space<vmem>>[vector<16xi32>], vector<16xf32>,
            %add3A_164 = arith.constant 1 : i32
            %add3A_165 = vector.broadcast %add3A_164 : i32 to vector<16xi32>
            %add3A_166 = arith.addi %add3A_158, %add3A_165 : vector<16xi32>
            %scan3A_167 = arith.constant 3 : i32
            %scan3A_168 = arith.addi %scan3A_144, %scan3A_167 : i32
            %get3A_169 = arith.index_cast %scan3A_168 : i32 to index
            %get3A_170 = arith.index_cast %scan3A_131 : i32 to index
            %get3A_171 = tpu.vector_load %arg6[%get3A_169, %get3A_170] {strides = array<i32>} : memref<32x512xf32, #tpu.memory_space<vmem>>, vector<16xf32>,
            tpu.vector_store_idx %arg7[%add3A_166], %get3A_171 : memref<16896xf32, #tpu.memory_space<vmem>>[vector<16xi32>], vector<16xf32>,
            %add3A_172 = arith.constant 1 : i32
            %add3A_173 = vector.broadcast %add3A_172 : i32 to vector<16xi32>
            %add3A_174 = arith.addi %add3A_166, %add3A_173 : vector<16xi32>
            %scan3A_175 = arith.constant 4 : i32
            %scan3A_176 = arith.addi %scan3A_144, %scan3A_175 : i32
            %get3A_177 = arith.index_cast %scan3A_176 : i32 to index
            %get3A_178 = arith.index_cast %scan3A_131 : i32 to index
            %get3A_179 = tpu.vector_load %arg6[%get3A_177, %get3A_178] {strides = array<i32>} : memref<32x512xf32, #tpu.memory_space<vmem>>, vector<16xf32>,
            tpu.vector_store_idx %arg7[%add3A_174], %get3A_179 : memref<16896xf32, #tpu.memory_space<vmem>>[vector<16xi32>], vector<16xf32>,
            %add3A_180 = arith.constant 1 : i32
            %add3A_181 = vector.broadcast %add3A_180 : i32 to vector<16xi32>
            %add3A_182 = arith.addi %add3A_174, %add3A_181 : vector<16xi32>
            %scan3A_183 = arith.constant 5 : i32
            %scan3A_184 = arith.addi %scan3A_144, %scan3A_183 : i32
            %get3A_185 = arith.index_cast %scan3A_184 : i32 to index
            %get3A_186 = arith.index_cast %scan3A_131 : i32 to index
            %get3A_187 = tpu.vector_load %arg6[%get3A_185, %get3A_186] {strides = array<i32>} : memref<32x512xf32, #tpu.memory_space<vmem>>, vector<16xf32>,
            tpu.vector_store_idx %arg7[%add3A_182], %get3A_187 : memref<16896xf32, #tpu.memory_space<vmem>>[vector<16xi32>], vector<16xf32>,
            %add3A_188 = arith.constant 1 : i32
            %add3A_189 = vector.broadcast %add3A_188 : i32 to vector<16xi32>
            %add3A_190 = arith.addi %add3A_182, %add3A_189 : vector<16xi32>
            %scan3A_191 = arith.constant 6 : i32
            %scan3A_192 = arith.addi %scan3A_144, %scan3A_191 : i32
            %get3A_193 = arith.index_cast %scan3A_192 : i32 to index
            %get3A_194 = arith.index_cast %scan3A_131 : i32 to index
            %get3A_195 = tpu.vector_load %arg6[%get3A_193, %get3A_194] {strides = array<i32>} : memref<32x512xf32, #tpu.memory_space<vmem>>, vector<16xf32>,
            tpu.vector_store_idx %arg7[%add3A_190], %get3A_195 : memref<16896xf32, #tpu.memory_space<vmem>>[vector<16xi32>], vector<16xf32>,
            %add3A_196 = arith.constant 1 : i32
            %add3A_197 = vector.broadcast %add3A_196 : i32 to vector<16xi32>
            %add3A_198 = arith.addi %add3A_190, %add3A_197 : vector<16xi32>
            %scan3A_199 = arith.constant 7 : i32
            %scan3A_200 = arith.addi %scan3A_144, %scan3A_199 : i32
            %get3A_201 = arith.index_cast %scan3A_200 : i32 to index
            %get3A_202 = arith.index_cast %scan3A_131 : i32 to index
            %get3A_203 = tpu.vector_load %arg6[%get3A_201, %get3A_202] {strides = array<i32>} : memref<32x512xf32, #tpu.memory_space<vmem>>, vector<16xf32>,
            tpu.vector_store_idx %arg7[%add3A_198], %get3A_203 : memref<16896xf32, #tpu.memory_space<vmem>>[vector<16xi32>], vector<16xf32>,
            %add3A_204 = arith.constant 1 : i32
            %add3A_205 = vector.broadcast %add3A_204 : i32 to vector<16xi32>
            %add3A_206 = arith.addi %add3A_198, %add3A_205 : vector<16xi32>
            %scan3A_207 = arith.constant 8 : i32
            %scan3A_208 = arith.addi %scan3A_144, %scan3A_207 : i32
            %get3A_209 = arith.index_cast %scan3A_208 : i32 to index
            %get3A_210 = arith.index_cast %scan3A_131 : i32 to index
            %get3A_211 = tpu.vector_load %arg6[%get3A_209, %get3A_210] {strides = array<i32>} : memref<32x512xf32, #tpu.memory_space<vmem>>, vector<16xf32>,
            tpu.vector_store_idx %arg7[%add3A_206], %get3A_211 : memref<16896xf32, #tpu.memory_space<vmem>>[vector<16xi32>], vector<16xf32>,
            %add3A_212 = arith.constant 1 : i32
            %add3A_213 = vector.broadcast %add3A_212 : i32 to vector<16xi32>
            %add3A_214 = arith.addi %add3A_206, %add3A_213 : vector<16xi32>
            %scan3A_215 = arith.constant 9 : i32
            %scan3A_216 = arith.addi %scan3A_144, %scan3A_215 : i32
            %get3A_217 = arith.index_cast %scan3A_216 : i32 to index
            %get3A_218 = arith.index_cast %scan3A_131 : i32 to index
            %get3A_219 = tpu.vector_load %arg6[%get3A_217, %get3A_218] {strides = array<i32>} : memref<32x512xf32, #tpu.memory_space<vmem>>, vector<16xf32>,
            tpu.vector_store_idx %arg7[%add3A_214], %get3A_219 : memref<16896xf32, #tpu.memory_space<vmem>>[vector<16xi32>], vector<16xf32>,
            %add3A_220 = arith.constant 1 : i32
            %add3A_221 = vector.broadcast %add3A_220 : i32 to vector<16xi32>
            %add3A_222 = arith.addi %add3A_214, %add3A_221 : vector<16xi32>
            %scan3A_223 = arith.constant 10 : i32
            %scan3A_224 = arith.addi %scan3A_144, %scan3A_223 : i32
            %get3A_225 = arith.index_cast %scan3A_224 : i32 to index
            %get3A_226 = arith.index_cast %scan3A_131 : i32 to index
            %get3A_227 = tpu.vector_load %arg6[%get3A_225, %get3A_226] {strides = array<i32>} : memref<32x512xf32, #tpu.memory_space<vmem>>, vector<16xf32>,
            tpu.vector_store_idx %arg7[%add3A_222], %get3A_227 : memref<16896xf32, #tpu.memory_space<vmem>>[vector<16xi32>], vector<16xf32>,
            %add3A_228 = arith.constant 1 : i32
            %add3A_229 = vector.broadcast %add3A_228 : i32 to vector<16xi32>
            %add3A_230 = arith.addi %add3A_222, %add3A_229 : vector<16xi32>
            %scan3A_231 = arith.constant 11 : i32
            %scan3A_232 = arith.addi %scan3A_144, %scan3A_231 : i32
            %get3A_233 = arith.index_cast %scan3A_232 : i32 to index
            %get3A_234 = arith.index_cast %scan3A_131 : i32 to index
            %get3A_235 = tpu.vector_load %arg6[%get3A_233, %get3A_234] {strides = array<i32>} : memref<32x512xf32, #tpu.memory_space<vmem>>, vector<16xf32>,
            tpu.vector_store_idx %arg7[%add3A_230], %get3A_235 : memref<16896xf32, #tpu.memory_space<vmem>>[vector<16xi32>], vector<16xf32>,
            %add3A_236 = arith.constant 1 : i32
            %add3A_237 = vector.broadcast %add3A_236 : i32 to vector<16xi32>
            %add3A_238 = arith.addi %add3A_230, %add3A_237 : vector<16xi32>
            %scan3A_239 = arith.constant 12 : i32
            %scan3A_240 = arith.addi %scan3A_144, %scan3A_239 : i32
            %get3A_241 = arith.index_cast %scan3A_240 : i32 to index
            %get3A_242 = arith.index_cast %scan3A_131 : i32 to index
            %get3A_243 = tpu.vector_load %arg6[%get3A_241, %get3A_242] {strides = array<i32>} : memref<32x512xf32, #tpu.memory_space<vmem>>, vector<16xf32>,
            tpu.vector_store_idx %arg7[%add3A_238], %get3A_243 : memref<16896xf32, #tpu.memory_space<vmem>>[vector<16xi32>], vector<16xf32>,
            %add3A_244 = arith.constant 1 : i32
            %add3A_245 = vector.broadcast %add3A_244 : i32 to vector<16xi32>
            %add3A_246 = arith.addi %add3A_238, %add3A_245 : vector<16xi32>
            %scan3A_247 = arith.constant 13 : i32
            %scan3A_248 = arith.addi %scan3A_144, %scan3A_247 : i32
            %get3A_249 = arith.index_cast %scan3A_248 : i32 to index
            %get3A_250 = arith.index_cast %scan3A_131 : i32 to index
            %get3A_251 = tpu.vector_load %arg6[%get3A_249, %get3A_250] {strides = array<i32>} : memref<32x512xf32, #tpu.memory_space<vmem>>, vector<16xf32>,
            tpu.vector_store_idx %arg7[%add3A_246], %get3A_251 : memref<16896xf32, #tpu.memory_space<vmem>>[vector<16xi32>], vector<16xf32>,
            %add3A_252 = arith.constant 1 : i32
            %add3A_253 = vector.broadcast %add3A_252 : i32 to vector<16xi32>
            %add3A_254 = arith.addi %add3A_246, %add3A_253 : vector<16xi32>
            %scan3A_255 = arith.constant 14 : i32
            %scan3A_256 = arith.addi %scan3A_144, %scan3A_255 : i32
            %get3A_257 = arith.index_cast %scan3A_256 : i32 to index
            %get3A_258 = arith.index_cast %scan3A_131 : i32 to index
            %get3A_259 = tpu.vector_load %arg6[%get3A_257, %get3A_258] {strides = array<i32>} : memref<32x512xf32, #tpu.memory_space<vmem>>, vector<16xf32>,
            tpu.vector_store_idx %arg7[%add3A_254], %get3A_259 : memref<16896xf32, #tpu.memory_space<vmem>>[vector<16xi32>], vector<16xf32>,
            %add3A_260 = arith.constant 1 : i32
            %add3A_261 = vector.broadcast %add3A_260 : i32 to vector<16xi32>
            %add3A_262 = arith.addi %add3A_254, %add3A_261 : vector<16xi32>
            %scan3A_263 = arith.constant 15 : i32
            %scan3A_264 = arith.addi %scan3A_144, %scan3A_263 : i32
            %get3A_265 = arith.index_cast %scan3A_264 : i32 to index
            %get3A_266 = arith.index_cast %scan3A_131 : i32 to index
            %get3A_267 = tpu.vector_load %arg6[%get3A_265, %get3A_266] {strides = array<i32>} : memref<32x512xf32, #tpu.memory_space<vmem>>, vector<16xf32>,
            tpu.vector_store_idx %arg7[%add3A_262], %get3A_267 : memref<16896xf32, #tpu.memory_space<vmem>>[vector<16xi32>], vector<16xf32>,
            %add3A_268 = arith.constant 1 : i32
            %add3A_269 = vector.broadcast %add3A_268 : i32 to vector<16xi32>
            %add3A_270 = arith.addi %add3A_262, %add3A_269 : vector<16xi32>
            scf.yield %add3A_270 : vector<16xi32>
          }
          %scan3A_138 = arith.constant 32 : i32
          %add3A_139 = arith.constant 16 : i32
          %add3A_140 = arith.addi %scan3A_131, %add3A_139 : i32
          %add3A_141 = arith.constant 528 : i32
          %add3A_142 = vector.broadcast %add3A_141 : i32 to vector<16xi32>
          %add3A_143 = arith.addi %scan3A_132, %add3A_142 : vector<16xi32>
          scf.yield %add3A_140, %add3A_143 : i32, vector<16xi32>
        }
        %scan3A_101 = arith.constant 32 : i32
        %scan3A_102 = arith.constant 0 : i32
        %scan3A_103 = arith.constant 0 : i32
        %scan3A_104 = arith.constant 0 : i32
        %scan3A_105 = arith.constant 512 : i32
        %scan3A_106 = arith.addi %scan3A_104, %scan3A_105 : i32
        %scan3A_107 = arith.constant 16 : i32
        %scan3A_108:2 = scf.for %scan3A_130 = %scan3A_104 to %scan3A_106 step %scan3A_107 iter_args(%scan3A_131 = %scan3A_102, %scan3A_132 = %scan3A_103) -> (i32, i32)  : i32 {
          %get3A = arith.index_cast %scan3A_132 : i32 to index
          %get3A_133 = tpu.vector_load %arg7[%get3A] {strides = array<i32>} : memref<16896xf32, #tpu.memory_space<vmem>>, vector<16xf32>,
          %swap3A = arith.index_cast %scan3A_131 : i32 to index
          %swap3A_134 = tpu.vector_load %arg9[%swap3A] {strides = array<i32>} : memref<16384xf32, #tpu.memory_space<vmem>>, vector<16xf32>,
          tpu.vector_store %arg9[%swap3A], %get3A_133 {strides = array<i32>} : memref<16384xf32, #tpu.memory_space<vmem>>, vector<16xf32>,
          %add3A_135 = arith.constant 16 : i32
          %add3A_136 = arith.addi %scan3A_132, %add3A_135 : i32
          %get3A_137 = arith.index_cast %add3A_136 : i32 to index
          %get3A_138 = tpu.vector_load %arg7[%get3A_137] {strides = array<i32>} : memref<16896xf32, #tpu.memory_space<vmem>>, vector<16xf32>,
          %add3A_139 = arith.constant 16 : i32
          %add3A_140 = arith.addi %scan3A_131, %add3A_139 : i32
          %swap3A_141 = arith.index_cast %add3A_140 : i32 to index
          %swap3A_142 = tpu.vector_load %arg9[%swap3A_141] {strides = array<i32>} : memref<16384xf32, #tpu.memory_space<vmem>>, vector<16xf32>,
          tpu.vector_store %arg9[%swap3A_141], %get3A_138 {strides = array<i32>} : memref<16384xf32, #tpu.memory_space<vmem>>, vector<16xf32>,
          %add3A_143 = arith.constant 32 : i32
          %add3A_144 = arith.addi %scan3A_131, %add3A_143 : i32
          %add3A_145 = arith.constant 33 : i32
          %add3A_146 = arith.addi %scan3A_132, %add3A_145 : i32
          %scan3A_147 = arith.constant 1 : i32
          %scan3A_148 = arith.addi %scan3A_130, %scan3A_147 : i32
          %get3A_149 = arith.index_cast %add3A_146 : i32 to index
          %get3A_150 = tpu.vector_load %arg7[%get3A_149] {strides = array<i32>} : memref<16896xf32, #tpu.memory_space<vmem>>, vector<16xf32>,
          %swap3A_151 = arith.index_cast %add3A_144 : i32 to index
          %swap3A_152 = tpu.vector_load %arg9[%swap3A_151] {strides = array<i32>} : memref<16384xf32, #tpu.memory_space<vmem>>, vector<16xf32>,
          tpu.vector_store %arg9[%swap3A_151], %get3A_150 {strides = array<i32>} : memref<16384xf32, #tpu.memory_space<vmem>>, vector<16xf32>,
          %add3A_153 = arith.constant 16 : i32
          %add3A_154 = arith.addi %add3A_146, %add3A_153 : i32
          %get3A_155 = arith.index_cast %add3A_154 : i32 to index
          %get3A_156 = tpu.vector_load %arg7[%get3A_155] {strides = array<i32>} : memref<16896xf32, #tpu.memory_space<vmem>>, vector<16xf32>,
          %add3A_157 = arith.constant 16 : i32
          %add3A_158 = arith.addi %add3A_144, %add3A_157 : i32
          %swap3A_159 = arith.index_cast %add3A_158 : i32 to index
          %swap3A_160 = tpu.vector_load %arg9[%swap3A_159] {strides = array<i32>} : memref<16384xf32, #tpu.memory_space<vmem>>, vector<16xf32>,
          tpu.vector_store %arg9[%swap3A_159], %get3A_156 {strides = array<i32>} : memref<16384xf32, #tpu.memory_space<vmem>>, vector<16xf32>,
          %add3A_161 = arith.constant 32 : i32
          %add3A_162 = arith.addi %add3A_144, %add3A_161 : i32
          %add3A_163 = arith.constant 33 : i32
          %add3A_164 = arith.addi %add3A_146, %add3A_163 : i32
          %scan3A_165 = arith.constant 2 : i32
          %scan3A_166 = arith.addi %scan3A_130, %scan3A_165 : i32
          %get3A_167 = arith.index_cast %add3A_164 : i32 to index
          %get3A_168 = tpu.vector_load %arg7[%get3A_167] {strides = array<i32>} : memref<16896xf32, #tpu.memory_space<vmem>>, vector<16xf32>,
          %swap3A_169 = arith.index_cast %add3A_162 : i32 to index
          %swap3A_170 = tpu.vector_load %arg9[%swap3A_169] {strides = array<i32>} : memref<16384xf32, #tpu.memory_space<vmem>>, vector<16xf32>,
          tpu.vector_store %arg9[%swap3A_169], %get3A_168 {strides = array<i32>} : memref<16384xf32, #tpu.memory_space<vmem>>, vector<16xf32>,
          %add3A_171 = arith.constant 16 : i32
          %add3A_172 = arith.addi %add3A_164, %add3A_171 : i32
          %get3A_173 = arith.index_cast %add3A_172 : i32 to index
          %get3A_174 = tpu.vector_load %arg7[%get3A_173] {strides = array<i32>} : memref<16896xf32, #tpu.memory_space<vmem>>, vector<16xf32>,
          %add3A_175 = arith.constant 16 : i32
          %add3A_176 = arith.addi %add3A_162, %add3A_175 : i32
          %swap3A_177 = arith.index_cast %add3A_176 : i32 to index
          %swap3A_178 = tpu.vector_load %arg9[%swap3A_177] {strides = array<i32>} : memref<16384xf32, #tpu.memory_space<vmem>>, vector<16xf32>,
          tpu.vector_store %arg9[%swap3A_177], %get3A_174 {strides = array<i32>} : memref<16384xf32, #tpu.memory_space<vmem>>, vector<16xf32>,
          %add3A_179 = arith.constant 32 : i32
          %add3A_180 = arith.addi %add3A_162, %add3A_179 : i32
          %add3A_181 = arith.constant 33 : i32
          %add3A_182 = arith.addi %add3A_164, %add3A_181 : i32
          %scan3A_183 = arith.constant 3 : i32
          %scan3A_184 = arith.addi %scan3A_130, %scan3A_183 : i32
          %get3A_185 = arith.index_cast %add3A_182 : i32 to index
          %get3A_186 = tpu.vector_load %arg7[%get3A_185] {strides = array<i32>} : memref<16896xf32, #tpu.memory_space<vmem>>, vector<16xf32>,
          %swap3A_187 = arith.index_cast %add3A_180 : i32 to index
          %swap3A_188 = tpu.vector_load %arg9[%swap3A_187] {strides = array<i32>} : memref<16384xf32, #tpu.memory_space<vmem>>, vector<16xf32>,
          tpu.vector_store %arg9[%swap3A_187], %get3A_186 {strides = array<i32>} : memref<16384xf32, #tpu.memory_space<vmem>>, vector<16xf32>,
          %add3A_189 = arith.constant 16 : i32
          %add3A_190 = arith.addi %add3A_182, %add3A_189 : i32
          %get3A_191 = arith.index_cast %add3A_190 : i32 to index
          %get3A_192 = tpu.vector_load %arg7[%get3A_191] {strides = array<i32>} : memref<16896xf32, #tpu.memory_space<vmem>>, vector<16xf32>,
          %add3A_193 = arith.constant 16 : i32
          %add3A_194 = arith.addi %add3A_180, %add3A_193 : i32
          %swap3A_195 = arith.index_cast %add3A_194 : i32 to index
          %swap3A_196 = tpu.vector_load %arg9[%swap3A_195] {strides = array<i32>} : memref<16384xf32, #tpu.memory_space<vmem>>, vector<16xf32>,
          tpu.vector_store %arg9[%swap3A_195], %get3A_192 {strides = array<i32>} : memref<16384xf32, #tpu.memory_space<vmem>>, vector<16xf32>,
          %add3A_197 = arith.constant 32 : i32
          %add3A_198 = arith.addi %add3A_180, %add3A_197 : i32
          %add3A_199 = arith.constant 33 : i32
          %add3A_200 = arith.addi %add3A_182, %add3A_199 : i32
          %scan3A_201 = arith.constant 4 : i32
          %scan3A_202 = arith.addi %scan3A_130, %scan3A_201 : i32
          %get3A_203 = arith.index_cast %add3A_200 : i32 to index
          %get3A_204 = tpu.vector_load %arg7[%get3A_203] {strides = array<i32>} : memref<16896xf32, #tpu.memory_space<vmem>>, vector<16xf32>,
          %swap3A_205 = arith.index_cast %add3A_198 : i32 to index
          %swap3A_206 = tpu.vector_load %arg9[%swap3A_205] {strides = array<i32>} : memref<16384xf32, #tpu.memory_space<vmem>>, vector<16xf32>,
          tpu.vector_store %arg9[%swap3A_205], %get3A_204 {strides = array<i32>} : memref<16384xf32, #tpu.memory_space<vmem>>, vector<16xf32>,
          %add3A_207 = arith.constant 16 : i32
          %add3A_208 = arith.addi %add3A_200, %add3A_207 : i32
          %get3A_209 = arith.index_cast %add3A_208 : i32 to index
          %get3A_210 = tpu.vector_load %arg7[%get3A_209] {strides = array<i32>} : memref<16896xf32, #tpu.memory_space<vmem>>, vector<16xf32>,
          %add3A_211 = arith.constant 16 : i32
          %add3A_212 = arith.addi %add3A_198, %add3A_211 : i32
          %swap3A_213 = arith.index_cast %add3A_212 : i32 to index
          %swap3A_214 = tpu.vector_load %arg9[%swap3A_213] {strides = array<i32>} : memref<16384xf32, #tpu.memory_space<vmem>>, vector<16xf32>,
          tpu.vector_store %arg9[%swap3A_213], %get3A_210 {strides = array<i32>} : memref<16384xf32, #tpu.memory_space<vmem>>, vector<16xf32>,
          %add3A_215 = arith.constant 32 : i32
          %add3A_216 = arith.addi %add3A_198, %add3A_215 : i32
          %add3A_217 = arith.constant 33 : i32
          %add3A_218 = arith.addi %add3A_200, %add3A_217 : i32
          %scan3A_219 = arith.constant 5 : i32
          %scan3A_220 = arith.addi %scan3A_130, %scan3A_219 : i32
          %get3A_221 = arith.index_cast %add3A_218 : i32 to index
          %get3A_222 = tpu.vector_load %arg7[%get3A_221] {strides = array<i32>} : memref<16896xf32, #tpu.memory_space<vmem>>, vector<16xf32>,
          %swap3A_223 = arith.index_cast %add3A_216 : i32 to index
          %swap3A_224 = tpu.vector_load %arg9[%swap3A_223] {strides = array<i32>} : memref<16384xf32, #tpu.memory_space<vmem>>, vector<16xf32>,
          tpu.vector_store %arg9[%swap3A_223], %get3A_222 {strides = array<i32>} : memref<16384xf32, #tpu.memory_space<vmem>>, vector<16xf32>,
          %add3A_225 = arith.constant 16 : i32
          %add3A_226 = arith.addi %add3A_218, %add3A_225 : i32
          %get3A_227 = arith.index_cast %add3A_226 : i32 to index
          %get3A_228 = tpu.vector_load %arg7[%get3A_227] {strides = array<i32>} : memref<16896xf32, #tpu.memory_space<vmem>>, vector<16xf32>,
          %add3A_229 = arith.constant 16 : i32
          %add3A_230 = arith.addi %add3A_216, %add3A_229 : i32
          %swap3A_231 = arith.index_cast %add3A_230 : i32 to index
          %swap3A_232 = tpu.vector_load %arg9[%swap3A_231] {strides = array<i32>} : memref<16384xf32, #tpu.memory_space<vmem>>, vector<16xf32>,
          tpu.vector_store %arg9[%swap3A_231], %get3A_228 {strides = array<i32>} : memref<16384xf32, #tpu.memory_space<vmem>>, vector<16xf32>,
          %add3A_233 = arith.constant 32 : i32
          %add3A_234 = arith.addi %add3A_216, %add3A_233 : i32
          %add3A_235 = arith.constant 33 : i32
          %add3A_236 = arith.addi %add3A_218, %add3A_235 : i32
          %scan3A_237 = arith.constant 6 : i32
          %scan3A_238 = arith.addi %scan3A_130, %scan3A_237 : i32
          %get3A_239 = arith.index_cast %add3A_236 : i32 to index
          %get3A_240 = tpu.vector_load %arg7[%get3A_239] {strides = array<i32>} : memref<16896xf32, #tpu.memory_space<vmem>>, vector<16xf32>,
          %swap3A_241 = arith.index_cast %add3A_234 : i32 to index
          %swap3A_242 = tpu.vector_load %arg9[%swap3A_241] {strides = array<i32>} : memref<16384xf32, #tpu.memory_space<vmem>>, vector<16xf32>,
          tpu.vector_store %arg9[%swap3A_241], %get3A_240 {strides = array<i32>} : memref<16384xf32, #tpu.memory_space<vmem>>, vector<16xf32>,
          %add3A_243 = arith.constant 16 : i32
          %add3A_244 = arith.addi %add3A_236, %add3A_243 : i32
          %get3A_245 = arith.index_cast %add3A_244 : i32 to index
          %get3A_246 = tpu.vector_load %arg7[%get3A_245] {strides = array<i32>} : memref<16896xf32, #tpu.memory_space<vmem>>, vector<16xf32>,
          %add3A_247 = arith.constant 16 : i32
          %add3A_248 = arith.addi %add3A_234, %add3A_247 : i32
          %swap3A_249 = arith.index_cast %add3A_248 : i32 to index
          %swap3A_250 = tpu.vector_load %arg9[%swap3A_249] {strides = array<i32>} : memref<16384xf32, #tpu.memory_space<vmem>>, vector<16xf32>,
          tpu.vector_store %arg9[%swap3A_249], %get3A_246 {strides = array<i32>} : memref<16384xf32, #tpu.memory_space<vmem>>, vector<16xf32>,
          %add3A_251 = arith.constant 32 : i32
          %add3A_252 = arith.addi %add3A_234, %add3A_251 : i32
          %add3A_253 = arith.constant 33 : i32
          %add3A_254 = arith.addi %add3A_236, %add3A_253 : i32
          %scan3A_255 = arith.constant 7 : i32
          %scan3A_256 = arith.addi %scan3A_130, %scan3A_255 : i32
          %get3A_257 = arith.index_cast %add3A_254 : i32 to index
          %get3A_258 = tpu.vector_load %arg7[%get3A_257] {strides = array<i32>} : memref<16896xf32, #tpu.memory_space<vmem>>, vector<16xf32>,
          %swap3A_259 = arith.index_cast %add3A_252 : i32 to index
          %swap3A_260 = tpu.vector_load %arg9[%swap3A_259] {strides = array<i32>} : memref<16384xf32, #tpu.memory_space<vmem>>, vector<16xf32>,
          tpu.vector_store %arg9[%swap3A_259], %get3A_258 {strides = array<i32>} : memref<16384xf32, #tpu.memory_space<vmem>>, vector<16xf32>,
          %add3A_261 = arith.constant 16 : i32
          %add3A_262 = arith.addi %add3A_254, %add3A_261 : i32
          %get3A_263 = arith.index_cast %add3A_262 : i32 to index
          %get3A_264 = tpu.vector_load %arg7[%get3A_263] {strides = array<i32>} : memref<16896xf32, #tpu.memory_space<vmem>>, vector<16xf32>,
          %add3A_265 = arith.constant 16 : i32
          %add3A_266 = arith.addi %add3A_252, %add3A_265 : i32
          %swap3A_267 = arith.index_cast %add3A_266 : i32 to index
          %swap3A_268 = tpu.vector_load %arg9[%swap3A_267] {strides = array<i32>} : memref<16384xf32, #tpu.memory_space<vmem>>, vector<16xf32>,
          tpu.vector_store %arg9[%swap3A_267], %get3A_264 {strides = array<i32>} : memref<16384xf32, #tpu.memory_space<vmem>>, vector<16xf32>,
          %add3A_269 = arith.constant 32 : i32
          %add3A_270 = arith.addi %add3A_252, %add3A_269 : i32
          %add3A_271 = arith.constant 33 : i32
          %add3A_272 = arith.addi %add3A_254, %add3A_271 : i32
          %scan3A_273 = arith.constant 8 : i32
          %scan3A_274 = arith.addi %scan3A_130, %scan3A_273 : i32
          %get3A_275 = arith.index_cast %add3A_272 : i32 to index
          %get3A_276 = tpu.vector_load %arg7[%get3A_275] {strides = array<i32>} : memref<16896xf32, #tpu.memory_space<vmem>>, vector<16xf32>,
          %swap3A_277 = arith.index_cast %add3A_270 : i32 to index
          %swap3A_278 = tpu.vector_load %arg9[%swap3A_277] {strides = array<i32>} : memref<16384xf32, #tpu.memory_space<vmem>>, vector<16xf32>,
          tpu.vector_store %arg9[%swap3A_277], %get3A_276 {strides = array<i32>} : memref<16384xf32, #tpu.memory_space<vmem>>, vector<16xf32>,
          %add3A_279 = arith.constant 16 : i32
          %add3A_280 = arith.addi %add3A_272, %add3A_279 : i32
          %get3A_281 = arith.index_cast %add3A_280 : i32 to index
          %get3A_282 = tpu.vector_load %arg7[%get3A_281] {strides = array<i32>} : memref<16896xf32, #tpu.memory_space<vmem>>, vector<16xf32>,
          %add3A_283 = arith.constant 16 : i32
          %add3A_284 = arith.addi %add3A_270, %add3A_283 : i32
          %swap3A_285 = arith.index_cast %add3A_284 : i32 to index
          %swap3A_286 = tpu.vector_load %arg9[%swap3A_285] {strides = array<i32>} : memref<16384xf32, #tpu.memory_space<vmem>>, vector<16xf32>,
          tpu.vector_store %arg9[%swap3A_285], %get3A_282 {strides = array<i32>} : memref<16384xf32, #tpu.memory_space<vmem>>, vector<16xf32>,
          %add3A_287 = arith.constant 32 : i32
          %add3A_288 = arith.addi %add3A_270, %add3A_287 : i32
          %add3A_289 = arith.constant 33 : i32
          %add3A_290 = arith.addi %add3A_272, %add3A_289 : i32
          %scan3A_291 = arith.constant 9 : i32
          %scan3A_292 = arith.addi %scan3A_130, %scan3A_291 : i32
          %get3A_293 = arith.index_cast %add3A_290 : i32 to index
          %get3A_294 = tpu.vector_load %arg7[%get3A_293] {strides = array<i32>} : memref<16896xf32, #tpu.memory_space<vmem>>, vector<16xf32>,
          %swap3A_295 = arith.index_cast %add3A_288 : i32 to index
          %swap3A_296 = tpu.vector_load %arg9[%swap3A_295] {strides = array<i32>} : memref<16384xf32, #tpu.memory_space<vmem>>, vector<16xf32>,
          tpu.vector_store %arg9[%swap3A_295], %get3A_294 {strides = array<i32>} : memref<16384xf32, #tpu.memory_space<vmem>>, vector<16xf32>,
          %add3A_297 = arith.constant 16 : i32
          %add3A_298 = arith.addi %add3A_290, %add3A_297 : i32
          %get3A_299 = arith.index_cast %add3A_298 : i32 to index
          %get3A_300 = tpu.vector_load %arg7[%get3A_299] {strides = array<i32>} : memref<16896xf32, #tpu.memory_space<vmem>>, vector<16xf32>,
          %add3A_301 = arith.constant 16 : i32
          %add3A_302 = arith.addi %add3A_288, %add3A_301 : i32
          %swap3A_303 = arith.index_cast %add3A_302 : i32 to index
          %swap3A_304 = tpu.vector_load %arg9[%swap3A_303] {strides = array<i32>} : memref<16384xf32, #tpu.memory_space<vmem>>, vector<16xf32>,
          tpu.vector_store %arg9[%swap3A_303], %get3A_300 {strides = array<i32>} : memref<16384xf32, #tpu.memory_space<vmem>>, vector<16xf32>,
          %add3A_305 = arith.constant 32 : i32
          %add3A_306 = arith.addi %add3A_288, %add3A_305 : i32
          %add3A_307 = arith.constant 33 : i32
          %add3A_308 = arith.addi %add3A_290, %add3A_307 : i32
          %scan3A_309 = arith.constant 10 : i32
          %scan3A_310 = arith.addi %scan3A_130, %scan3A_309 : i32
          %get3A_311 = arith.index_cast %add3A_308 : i32 to index
          %get3A_312 = tpu.vector_load %arg7[%get3A_311] {strides = array<i32>} : memref<16896xf32, #tpu.memory_space<vmem>>, vector<16xf32>,
          %swap3A_313 = arith.index_cast %add3A_306 : i32 to index
          %swap3A_314 = tpu.vector_load %arg9[%swap3A_313] {strides = array<i32>} : memref<16384xf32, #tpu.memory_space<vmem>>, vector<16xf32>,
          tpu.vector_store %arg9[%swap3A_313], %get3A_312 {strides = array<i32>} : memref<16384xf32, #tpu.memory_space<vmem>>, vector<16xf32>,
          %add3A_315 = arith.constant 16 : i32
          %add3A_316 = arith.addi %add3A_308, %add3A_315 : i32
          %get3A_317 = arith.index_cast %add3A_316 : i32 to index
          %get3A_318 = tpu.vector_load %arg7[%get3A_317] {strides = array<i32>} : memref<16896xf32, #tpu.memory_space<vmem>>, vector<16xf32>,
          %add3A_319 = arith.constant 16 : i32
          %add3A_320 = arith.addi %add3A_306, %add3A_319 : i32
          %swap3A_321 = arith.index_cast %add3A_320 : i32 to index
          %swap3A_322 = tpu.vector_load %arg9[%swap3A_321] {strides = array<i32>} : memref<16384xf32, #tpu.memory_space<vmem>>, vector<16xf32>,
          tpu.vector_store %arg9[%swap3A_321], %get3A_318 {strides = array<i32>} : memref<16384xf32, #tpu.memory_space<vmem>>, vector<16xf32>,
          %add3A_323 = arith.constant 32 : i32
          %add3A_324 = arith.addi %add3A_306, %add3A_323 : i32
          %add3A_325 = arith.constant 33 : i32
          %add3A_326 = arith.addi %add3A_308, %add3A_325 : i32
          %scan3A_327 = arith.constant 11 : i32
          %scan3A_328 = arith.addi %scan3A_130, %scan3A_327 : i32
          %get3A_329 = arith.index_cast %add3A_326 : i32 to index
          %get3A_330 = tpu.vector_load %arg7[%get3A_329] {strides = array<i32>} : memref<16896xf32, #tpu.memory_space<vmem>>, vector<16xf32>,
          %swap3A_331 = arith.index_cast %add3A_324 : i32 to index
          %swap3A_332 = tpu.vector_load %arg9[%swap3A_331] {strides = array<i32>} : memref<16384xf32, #tpu.memory_space<vmem>>, vector<16xf32>,
          tpu.vector_store %arg9[%swap3A_331], %get3A_330 {strides = array<i32>} : memref<16384xf32, #tpu.memory_space<vmem>>, vector<16xf32>,
          %add3A_333 = arith.constant 16 : i32
          %add3A_334 = arith.addi %add3A_326, %add3A_333 : i32
          %get3A_335 = arith.index_cast %add3A_334 : i32 to index
          %get3A_336 = tpu.vector_load %arg7[%get3A_335] {strides = array<i32>} : memref<16896xf32, #tpu.memory_space<vmem>>, vector<16xf32>,
          %add3A_337 = arith.constant 16 : i32
          %add3A_338 = arith.addi %add3A_324, %add3A_337 : i32
          %swap3A_339 = arith.index_cast %add3A_338 : i32 to index
          %swap3A_340 = tpu.vector_load %arg9[%swap3A_339] {strides = array<i32>} : memref<16384xf32, #tpu.memory_space<vmem>>, vector<16xf32>,
          tpu.vector_store %arg9[%swap3A_339], %get3A_336 {strides = array<i32>} : memref<16384xf32, #tpu.memory_space<vmem>>, vector<16xf32>,
          %add3A_341 = arith.constant 32 : i32
          %add3A_342 = arith.addi %add3A_324, %add3A_341 : i32
          %add3A_343 = arith.constant 33 : i32
          %add3A_344 = arith.addi %add3A_326, %add3A_343 : i32
          %scan3A_345 = arith.constant 12 : i32
          %scan3A_346 = arith.addi %scan3A_130, %scan3A_345 : i32
          %get3A_347 = arith.index_cast %add3A_344 : i32 to index
          %get3A_348 = tpu.vector_load %arg7[%get3A_347] {strides = array<i32>} : memref<16896xf32, #tpu.memory_space<vmem>>, vector<16xf32>,
          %swap3A_349 = arith.index_cast %add3A_342 : i32 to index
          %swap3A_350 = tpu.vector_load %arg9[%swap3A_349] {strides = array<i32>} : memref<16384xf32, #tpu.memory_space<vmem>>, vector<16xf32>,
          tpu.vector_store %arg9[%swap3A_349], %get3A_348 {strides = array<i32>} : memref<16384xf32, #tpu.memory_space<vmem>>, vector<16xf32>,
          %add3A_351 = arith.constant 16 : i32
          %add3A_352 = arith.addi %add3A_344, %add3A_351 : i32
          %get3A_353 = arith.index_cast %add3A_352 : i32 to index
          %get3A_354 = tpu.vector_load %arg7[%get3A_353] {strides = array<i32>} : memref<16896xf32, #tpu.memory_space<vmem>>, vector<16xf32>,
          %add3A_355 = arith.constant 16 : i32
          %add3A_356 = arith.addi %add3A_342, %add3A_355 : i32
          %swap3A_357 = arith.index_cast %add3A_356 : i32 to index
          %swap3A_358 = tpu.vector_load %arg9[%swap3A_357] {strides = array<i32>} : memref<16384xf32, #tpu.memory_space<vmem>>, vector<16xf32>,
          tpu.vector_store %arg9[%swap3A_357], %get3A_354 {strides = array<i32>} : memref<16384xf32, #tpu.memory_space<vmem>>, vector<16xf32>,
          %add3A_359 = arith.constant 32 : i32
          %add3A_360 = arith.addi %add3A_342, %add3A_359 : i32
          %add3A_361 = arith.constant 33 : i32
          %add3A_362 = arith.addi %add3A_344, %add3A_361 : i32
          %scan3A_363 = arith.constant 13 : i32
          %scan3A_364 = arith.addi %scan3A_130, %scan3A_363 : i32
          %get3A_365 = arith.index_cast %add3A_362 : i32 to index
          %get3A_366 = tpu.vector_load %arg7[%get3A_365] {strides = array<i32>} : memref<16896xf32, #tpu.memory_space<vmem>>, vector<16xf32>,
          %swap3A_367 = arith.index_cast %add3A_360 : i32 to index
          %swap3A_368 = tpu.vector_load %arg9[%swap3A_367] {strides = array<i32>} : memref<16384xf32, #tpu.memory_space<vmem>>, vector<16xf32>,
          tpu.vector_store %arg9[%swap3A_367], %get3A_366 {strides = array<i32>} : memref<16384xf32, #tpu.memory_space<vmem>>, vector<16xf32>,
          %add3A_369 = arith.constant 16 : i32
          %add3A_370 = arith.addi %add3A_362, %add3A_369 : i32
          %get3A_371 = arith.index_cast %add3A_370 : i32 to index
          %get3A_372 = tpu.vector_load %arg7[%get3A_371] {strides = array<i32>} : memref<16896xf32, #tpu.memory_space<vmem>>, vector<16xf32>,
          %add3A_373 = arith.constant 16 : i32
          %add3A_374 = arith.addi %add3A_360, %add3A_373 : i32
          %swap3A_375 = arith.index_cast %add3A_374 : i32 to index
          %swap3A_376 = tpu.vector_load %arg9[%swap3A_375] {strides = array<i32>} : memref<16384xf32, #tpu.memory_space<vmem>>, vector<16xf32>,
          tpu.vector_store %arg9[%swap3A_375], %get3A_372 {strides = array<i32>} : memref<16384xf32, #tpu.memory_space<vmem>>, vector<16xf32>,
          %add3A_377 = arith.constant 32 : i32
          %add3A_378 = arith.addi %add3A_360, %add3A_377 : i32
          %add3A_379 = arith.constant 33 : i32
          %add3A_380 = arith.addi %add3A_362, %add3A_379 : i32
          %scan3A_381 = arith.constant 14 : i32
          %scan3A_382 = arith.addi %scan3A_130, %scan3A_381 : i32
          %get3A_383 = arith.index_cast %add3A_380 : i32 to index
          %get3A_384 = tpu.vector_load %arg7[%get3A_383] {strides = array<i32>} : memref<16896xf32, #tpu.memory_space<vmem>>, vector<16xf32>,
          %swap3A_385 = arith.index_cast %add3A_378 : i32 to index
          %swap3A_386 = tpu.vector_load %arg9[%swap3A_385] {strides = array<i32>} : memref<16384xf32, #tpu.memory_space<vmem>>, vector<16xf32>,
          tpu.vector_store %arg9[%swap3A_385], %get3A_384 {strides = array<i32>} : memref<16384xf32, #tpu.memory_space<vmem>>, vector<16xf32>,
          %add3A_387 = arith.constant 16 : i32
          %add3A_388 = arith.addi %add3A_380, %add3A_387 : i32
          %get3A_389 = arith.index_cast %add3A_388 : i32 to index
          %get3A_390 = tpu.vector_load %arg7[%get3A_389] {strides = array<i32>} : memref<16896xf32, #tpu.memory_space<vmem>>, vector<16xf32>,
          %add3A_391 = arith.constant 16 : i32
          %add3A_392 = arith.addi %add3A_378, %add3A_391 : i32
          %swap3A_393 = arith.index_cast %add3A_392 : i32 to index
          %swap3A_394 = tpu.vector_load %arg9[%swap3A_393] {strides = array<i32>} : memref<16384xf32, #tpu.memory_space<vmem>>, vector<16xf32>,
          tpu.vector_store %arg9[%swap3A_393], %get3A_390 {strides = array<i32>} : memref<16384xf32, #tpu.memory_space<vmem>>, vector<16xf32>,
          %add3A_395 = arith.constant 32 : i32
          %add3A_396 = arith.addi %add3A_378, %add3A_395 : i32
          %add3A_397 = arith.constant 33 : i32
          %add3A_398 = arith.addi %add3A_380, %add3A_397 : i32
          %scan3A_399 = arith.constant 15 : i32
          %scan3A_400 = arith.addi %scan3A_130, %scan3A_399 : i32
          %get3A_401 = arith.index_cast %add3A_398 : i32 to index
          %get3A_402 = tpu.vector_load %arg7[%get3A_401] {strides = array<i32>} : memref<16896xf32, #tpu.memory_space<vmem>>, vector<16xf32>,
          %swap3A_403 = arith.index_cast %add3A_396 : i32 to index
          %swap3A_404 = tpu.vector_load %arg9[%swap3A_403] {strides = array<i32>} : memref<16384xf32, #tpu.memory_space<vmem>>, vector<16xf32>,
          tpu.vector_store %arg9[%swap3A_403], %get3A_402 {strides = array<i32>} : memref<16384xf32, #tpu.memory_space<vmem>>, vector<16xf32>,
          %add3A_405 = arith.constant 16 : i32
          %add3A_406 = arith.addi %add3A_398, %add3A_405 : i32
          %get3A_407 = arith.index_cast %add3A_406 : i32 to index
          %get3A_408 = tpu.vector_load %arg7[%get3A_407] {strides = array<i32>} : memref<16896xf32, #tpu.memory_space<vmem>>, vector<16xf32>,
          %add3A_409 = arith.constant 16 : i32
          %add3A_410 = arith.addi %add3A_396, %add3A_409 : i32
          %swap3A_411 = arith.index_cast %add3A_410 : i32 to index
          %swap3A_412 = tpu.vector_load %arg9[%swap3A_411] {strides = array<i32>} : memref<16384xf32, #tpu.memory_space<vmem>>, vector<16xf32>,
          tpu.vector_store %arg9[%swap3A_411], %get3A_408 {strides = array<i32>} : memref<16384xf32, #tpu.memory_space<vmem>>, vector<16xf32>,
          %add3A_413 = arith.constant 32 : i32
          %add3A_414 = arith.addi %add3A_396, %add3A_413 : i32
          %add3A_415 = arith.constant 33 : i32
          %add3A_416 = arith.addi %add3A_398, %add3A_415 : i32
          scf.yield %add3A_414, %add3A_416 : i32, i32
        }
        %scan3A_109 = arith.constant 512 : i32
        %mul3A_110 = arith.constant 16384 : i32
        %mul3A_111 = arith.muli %add3A_74, %mul3A_110 : i32
        %dma_start3A_112 = tpu.memref_slice %arg3[%mul3A_111] : memref<32000000xf32, #tpu.memory_space<hbm>> -> memref<16384xf32, #tpu.memory_space<hbm>>
        %dma_start3A_113 = tpu.memref_slice %arg3[%mul3A_111] : memref<32000000xf32, #tpu.memory_space<hbm>> -> memref<16384xf32, #tpu.memory_space<hbm>>
        tpu.enqueue_dma source(%arg9 : memref<16384xf32, #tpu.memory_space<vmem>>) target(%dma_start3A_113 : memref<16384xf32, #tpu.memory_space<hbm>>) target_semaphore(%arg15 : memref<!tpu.dma_semaphore, #tpu.memory_space<semaphore_mem>>)
        %mul3A_114 = arith.constant 512 : i32
        %mul3A_115 = arith.muli %add3A_74, %mul3A_114 : i32
        %dma_wait3A_116 = arith.constant 0 : i32
        %dma_wait3A_117 = tpu.memref_slice %arg4[%dma_wait3A_116, %mul3A_115] : memref<32x1000000xf32, #tpu.memory_space<hbm>> -> memref<32x512xf32, #tpu.memory_space<hbm>>
        %dma_wait3A_118 = arith.constant 0 : i32
        %dma_wait3A_119 = tpu.memref_slice %arg4[%dma_wait3A_118, %mul3A_115] : memref<32x1000000xf32, #tpu.memory_space<hbm>> -> memref<32x512xf32, #tpu.memory_space<hbm>>
        tpu.wait_dma2 semaphore(%arg17 : memref<!tpu.dma_semaphore, #tpu.memory_space<semaphore_mem>>) src(%arg6 : memref<32x512xf32, #tpu.memory_space<vmem>>) dst(%dma_wait3A_119 : memref<32x512xf32, #tpu.memory_space<hbm>>)
        %add3A_120 = arith.constant 2 : i32
        %add3A_121 = arith.addi %add3A_71, %add3A_120 : i32
        %mul3A_122 = arith.constant 32 : i32
        %mul3A_123 = arith.muli %add3A_121, %mul3A_122 : i32
        %add3A_124 = arith.addi %add3A, %mul3A_123 : i32
        %lt3A_125 = arith.constant 1953 : i32
        %lt3A_126 = arith.cmpi slt, %add3A_124, %lt3A_125 : i32
        %convert_element_type3A_127 = arith.extui %lt3A_126 : i1 to i32
        %cond3A_128 = arith.constant 0 : i32
        %cond3A_129 = arith.cmpi ne, %convert_element_type3A_127, %cond3A_128 : i32
        scf.if %cond3A_129 {
          %mul3A_130 = arith.constant 512 : i32
          %mul3A_131 = arith.muli %add3A_124, %mul3A_130 : i32
          %dma_start3A_132 = arith.constant 0 : i32
          %dma_start3A_133 = tpu.memref_slice %arg2[%dma_start3A_132, %mul3A_131] : memref<32x1000000xf32, #tpu.memory_space<hbm>> -> memref<32x512xf32, #tpu.memory_space<hbm>>
          %dma_start3A_134 = arith.constant 0 : i32
          %dma_start3A_135 = tpu.memref_slice %arg2[%dma_start3A_134, %mul3A_131] : memref<32x1000000xf32, #tpu.memory_space<hbm>> -> memref<32x512xf32, #tpu.memory_space<hbm>>
          tpu.enqueue_dma source(%dma_start3A_135 : memref<32x512xf32, #tpu.memory_space<hbm>>) target(%arg6 : memref<32x512xf32, #tpu.memory_space<vmem>>) target_semaphore(%arg13 : memref<!tpu.dma_semaphore, #tpu.memory_space<semaphore_mem>>)
        } else {
        }
      } else {
      }
    }
    %scan3A_41 = arith.constant 31 : i32
    %ge3A = arith.constant 1 : i32
    %ge3A_42 = arith.cmpi sge, %select_n3A, %ge3A : i32
    %convert_element_type3A_43 = arith.extui %ge3A_42 : i1 to i32
    %cond3A_44 = arith.constant 0 : i32
    %cond3A_45 = arith.cmpi ne, %convert_element_type3A_43, %cond3A_44 : i32
    scf.if %cond3A_45 {
      %dma_wait3A = arith.constant 0 : i32
      %dma_wait3A_55 = tpu.memref_slice %arg3[%dma_wait3A] : memref<32000000xf32, #tpu.memory_space<hbm>> -> memref<16384xf32, #tpu.memory_space<hbm>>
      %dma_wait3A_56 = arith.constant 0 : i32
      %dma_wait3A_57 = tpu.memref_slice %arg3[%dma_wait3A_56] : memref<32000000xf32, #tpu.memory_space<hbm>> -> memref<16384xf32, #tpu.memory_space<hbm>>
      tpu.wait_dma2 semaphore(%arg14 : memref<!tpu.dma_semaphore, #tpu.memory_space<semaphore_mem>>) src(%arg8 : memref<16384xf32, #tpu.memory_space<vmem>>) dst(%dma_wait3A_57 : memref<16384xf32, #tpu.memory_space<hbm>>)
    } else {
    }
    %ge3A_46 = arith.constant 2 : i32
    %ge3A_47 = arith.cmpi sge, %select_n3A, %ge3A_46 : i32
    %convert_element_type3A_48 = arith.extui %ge3A_47 : i1 to i32
    %cond3A_49 = arith.constant 0 : i32
    %cond3A_50 = arith.cmpi ne, %convert_element_type3A_48, %cond3A_49 : i32
    scf.if %cond3A_50 {
      %dma_wait3A = arith.constant 0 : i32
      %dma_wait3A_55 = tpu.memref_slice %arg3[%dma_wait3A] : memref<32000000xf32, #tpu.memory_space<hbm>> -> memref<16384xf32, #tpu.memory_space<hbm>>
      %dma_wait3A_56 = arith.constant 0 : i32
      %dma_wait3A_57 = tpu.memref_slice %arg3[%dma_wait3A_56] : memref<32000000xf32, #tpu.memory_space<hbm>> -> memref<16384xf32, #tpu.memory_space<hbm>>
      tpu.wait_dma2 semaphore(%arg15 : memref<!tpu.dma_semaphore, #tpu.memory_space<semaphore_mem>>) src(%arg9 : memref<16384xf32, #tpu.memory_space<vmem>>) dst(%dma_wait3A_57 : memref<16384xf32, #tpu.memory_space<hbm>>)
    } else {
    }
    %eq3A = arith.constant 31 : i32
    %eq3A_51 = arith.cmpi eq, %add3A, %eq3A : i32
    %convert_element_type3A_52 = arith.extui %eq3A_51 : i1 to i32
    %cond3A_53 = arith.constant 0 : i32
    %cond3A_54 = arith.cmpi ne, %convert_element_type3A_52, %cond3A_53 : i32
    scf.if %cond3A_54 {
      "tpu.region"() ({
        %run_scoped3A = tpu.sem_alloc : memref<!tpu.dma_semaphore, #tpu.memory_space<semaphore_mem>>
        %dma_start3A = arith.constant 0 : i32
        %dma_start3A_70 = arith.constant 999936 : i32
        %dma_start3A_71 = tpu.memref_slice %arg2[%dma_start3A, %dma_start3A_70] : memref<32x1000000xf32, #tpu.memory_space<hbm>> -> memref<32x64xf32, #tpu.memory_space<hbm>>
        %dma_start3A_72 = arith.constant 0 : i32
        %dma_start3A_73 = arith.constant 999936 : i32
        %dma_start3A_74 = tpu.memref_slice %arg2[%dma_start3A_72, %dma_start3A_73] : memref<32x1000000xf32, #tpu.memory_space<hbm>> -> memref<32x64xf32, #tpu.memory_space<hbm>>
        tpu.enqueue_dma source(%dma_start3A_74 : memref<32x64xf32, #tpu.memory_space<hbm>>) target(%arg10 : memref<32x64xf32, #tpu.memory_space<vmem>>) target_semaphore(%run_scoped3A : memref<!tpu.dma_semaphore, #tpu.memory_space<semaphore_mem>>)
        %dma_wait3A = arith.constant 0 : i32
        %dma_wait3A_75 = arith.constant 999936 : i32
        %dma_wait3A_76 = tpu.memref_slice %arg2[%dma_wait3A, %dma_wait3A_75] : memref<32x1000000xf32, #tpu.memory_space<hbm>> -> memref<32x64xf32, #tpu.memory_space<hbm>>
        %dma_wait3A_77 = arith.constant 0 : i32
        %dma_wait3A_78 = arith.constant 999936 : i32
        %dma_wait3A_79 = tpu.memref_slice %arg2[%dma_wait3A_77, %dma_wait3A_78] : memref<32x1000000xf32, #tpu.memory_space<hbm>> -> memref<32x64xf32, #tpu.memory_space<hbm>>
        tpu.wait_dma2 semaphore(%run_scoped3A : memref<!tpu.dma_semaphore, #tpu.memory_space<semaphore_mem>>) src(%dma_wait3A_79 : memref<32x64xf32, #tpu.memory_space<hbm>>) dst(%arg10 : memref<32x64xf32, #tpu.memory_space<vmem>>)
        tpu.yield
      }) : () -> ()
      "tpu.region"() ({
        %run_scoped3A = tpu.sem_alloc : memref<!tpu.dma_semaphore, #tpu.memory_space<semaphore_mem>>
        %dma_start3A = arith.constant 0 : i32
        %dma_start3A_70 = arith.constant 999936 : i32
        %dma_start3A_71 = tpu.memref_slice %arg4[%dma_start3A, %dma_start3A_70] : memref<32x1000000xf32, #tpu.memory_space<hbm>> -> memref<32x64xf32, #tpu.memory_space<hbm>>
        %dma_start3A_72 = arith.constant 0 : i32
        %dma_start3A_73 = arith.constant 999936 : i32
        %dma_start3A_74 = tpu.memref_slice %arg4[%dma_start3A_72, %dma_start3A_73] : memref<32x1000000xf32, #tpu.memory_space<hbm>> -> memref<32x64xf32, #tpu.memory_space<hbm>>
        tpu.enqueue_dma source(%arg10 : memref<32x64xf32, #tpu.memory_space<vmem>>) target(%dma_start3A_74 : memref<32x64xf32, #tpu.memory_space<hbm>>) target_semaphore(%run_scoped3A : memref<!tpu.dma_semaphore, #tpu.memory_space<semaphore_mem>>)
        %dma_wait3A = arith.constant 0 : i32
        %dma_wait3A_75 = arith.constant 999936 : i32
        %dma_wait3A_76 = tpu.memref_slice %arg4[%dma_wait3A, %dma_wait3A_75] : memref<32x1000000xf32, #tpu.memory_space<hbm>> -> memref<32x64xf32, #tpu.memory_space<hbm>>
        %dma_wait3A_77 = arith.constant 0 : i32
        %dma_wait3A_78 = arith.constant 999936 : i32
        %dma_wait3A_79 = tpu.memref_slice %arg4[%dma_wait3A_77, %dma_wait3A_78] : memref<32x1000000xf32, #tpu.memory_space<hbm>> -> memref<32x64xf32, #tpu.memory_space<hbm>>
        tpu.wait_dma2 semaphore(%run_scoped3A : memref<!tpu.dma_semaphore, #tpu.memory_space<semaphore_mem>>) src(%arg10 : memref<32x64xf32, #tpu.memory_space<vmem>>) dst(%dma_wait3A_79 : memref<32x64xf32, #tpu.memory_space<hbm>>)
        tpu.yield
      }) : () -> ()
      %scan3A_55 = arith.constant 0 : i32
      %scan3A_56 = arith.constant 0 : i32
      %scan3A_57 = arith.constant 4 : i32
      %scan3A_58 = arith.addi %scan3A_56, %scan3A_57 : i32
      %scan3A_59 = arith.constant 1 : i32
      %scan3A_60:2 = scf.for %scan3A_70 = %scan3A_56 to %scan3A_58 step %scan3A_59 iter_args(%scan3A_71 = %scan3A_55, %scan3A_72 = %mul3A_3) -> (i32, vector<16xi32>)  : i32 {
        %scan3A_73 = arith.constant 0 : i32
        %scan3A_74 = arith.constant 32 : i32
        %scan3A_75 = arith.addi %scan3A_73, %scan3A_74 : i32
        %scan3A_76 = arith.constant 16 : i32
        %scan3A_77 = scf.for %scan3A_84 = %scan3A_73 to %scan3A_75 step %scan3A_76 iter_args(%scan3A_85 = %scan3A_72) -> (vector<16xi32>)  : i32 {
          %get3A = arith.index_cast %scan3A_84 : i32 to index
          %get3A_86 = arith.index_cast %scan3A_71 : i32 to index
          %get3A_87 = tpu.vector_load %arg10[%get3A, %get3A_86] {strides = array<i32>} : memref<32x64xf32, #tpu.memory_space<vmem>>, vector<16xf32>,
          tpu.vector_store_idx %arg7[%scan3A_85], %get3A_87 : memref<16896xf32, #tpu.memory_space<vmem>>[vector<16xi32>], vector<16xf32>,
          %add3A_88 = arith.constant 1 : i32
          %add3A_89 = vector.broadcast %add3A_88 : i32 to vector<16xi32>
          %add3A_90 = arith.addi %scan3A_85, %add3A_89 : vector<16xi32>
          %scan3A_91 = arith.constant 1 : i32
          %scan3A_92 = arith.addi %scan3A_84, %scan3A_91 : i32
          %get3A_93 = arith.index_cast %scan3A_92 : i32 to index
          %get3A_94 = arith.index_cast %scan3A_71 : i32 to index
          %get3A_95 = tpu.vector_load %arg10[%get3A_93, %get3A_94] {strides = array<i32>} : memref<32x64xf32, #tpu.memory_space<vmem>>, vector<16xf32>,
          tpu.vector_store_idx %arg7[%add3A_90], %get3A_95 : memref<16896xf32, #tpu.memory_space<vmem>>[vector<16xi32>], vector<16xf32>,
          %add3A_96 = arith.constant 1 : i32
          %add3A_97 = vector.broadcast %add3A_96 : i32 to vector<16xi32>
          %add3A_98 = arith.addi %add3A_90, %add3A_97 : vector<16xi32>
          %scan3A_99 = arith.constant 2 : i32
          %scan3A_100 = arith.addi %scan3A_84, %scan3A_99 : i32
          %get3A_101 = arith.index_cast %scan3A_100 : i32 to index
          %get3A_102 = arith.index_cast %scan3A_71 : i32 to index
          %get3A_103 = tpu.vector_load %arg10[%get3A_101, %get3A_102] {strides = array<i32>} : memref<32x64xf32, #tpu.memory_space<vmem>>, vector<16xf32>,
          tpu.vector_store_idx %arg7[%add3A_98], %get3A_103 : memref<16896xf32, #tpu.memory_space<vmem>>[vector<16xi32>], vector<16xf32>,
          %add3A_104 = arith.constant 1 : i32
          %add3A_105 = vector.broadcast %add3A_104 : i32 to vector<16xi32>
          %add3A_106 = arith.addi %add3A_98, %add3A_105 : vector<16xi32>
          %scan3A_107 = arith.constant 3 : i32
          %scan3A_108 = arith.addi %scan3A_84, %scan3A_107 : i32
          %get3A_109 = arith.index_cast %scan3A_108 : i32 to index
          %get3A_110 = arith.index_cast %scan3A_71 : i32 to index
          %get3A_111 = tpu.vector_load %arg10[%get3A_109, %get3A_110] {strides = array<i32>} : memref<32x64xf32, #tpu.memory_space<vmem>>, vector<16xf32>,
          tpu.vector_store_idx %arg7[%add3A_106], %get3A_111 : memref<16896xf32, #tpu.memory_space<vmem>>[vector<16xi32>], vector<16xf32>,
          %add3A_112 = arith.constant 1 : i32
          %add3A_113 = vector.broadcast %add3A_112 : i32 to vector<16xi32>
          %add3A_114 = arith.addi %add3A_106, %add3A_113 : vector<16xi32>
          %scan3A_115 = arith.constant 4 : i32
          %scan3A_116 = arith.addi %scan3A_84, %scan3A_115 : i32
          %get3A_117 = arith.index_cast %scan3A_116 : i32 to index
          %get3A_118 = arith.index_cast %scan3A_71 : i32 to index
          %get3A_119 = tpu.vector_load %arg10[%get3A_117, %get3A_118] {strides = array<i32>} : memref<32x64xf32, #tpu.memory_space<vmem>>, vector<16xf32>,
          tpu.vector_store_idx %arg7[%add3A_114], %get3A_119 : memref<16896xf32, #tpu.memory_space<vmem>>[vector<16xi32>], vector<16xf32>,
          %add3A_120 = arith.constant 1 : i32
          %add3A_121 = vector.broadcast %add3A_120 : i32 to vector<16xi32>
          %add3A_122 = arith.addi %add3A_114, %add3A_121 : vector<16xi32>
          %scan3A_123 = arith.constant 5 : i32
          %scan3A_124 = arith.addi %scan3A_84, %scan3A_123 : i32
          %get3A_125 = arith.index_cast %scan3A_124 : i32 to index
          %get3A_126 = arith.index_cast %scan3A_71 : i32 to index
          %get3A_127 = tpu.vector_load %arg10[%get3A_125, %get3A_126] {strides = array<i32>} : memref<32x64xf32, #tpu.memory_space<vmem>>, vector<16xf32>,
          tpu.vector_store_idx %arg7[%add3A_122], %get3A_127 : memref<16896xf32, #tpu.memory_space<vmem>>[vector<16xi32>], vector<16xf32>,
          %add3A_128 = arith.constant 1 : i32
          %add3A_129 = vector.broadcast %add3A_128 : i32 to vector<16xi32>
          %add3A_130 = arith.addi %add3A_122, %add3A_129 : vector<16xi32>
          %scan3A_131 = arith.constant 6 : i32
          %scan3A_132 = arith.addi %scan3A_84, %scan3A_131 : i32
          %get3A_133 = arith.index_cast %scan3A_132 : i32 to index
          %get3A_134 = arith.index_cast %scan3A_71 : i32 to index
          %get3A_135 = tpu.vector_load %arg10[%get3A_133, %get3A_134] {strides = array<i32>} : memref<32x64xf32, #tpu.memory_space<vmem>>, vector<16xf32>,
          tpu.vector_store_idx %arg7[%add3A_130], %get3A_135 : memref<16896xf32, #tpu.memory_space<vmem>>[vector<16xi32>], vector<16xf32>,
          %add3A_136 = arith.constant 1 : i32
          %add3A_137 = vector.broadcast %add3A_136 : i32 to vector<16xi32>
          %add3A_138 = arith.addi %add3A_130, %add3A_137 : vector<16xi32>
          %scan3A_139 = arith.constant 7 : i32
          %scan3A_140 = arith.addi %scan3A_84, %scan3A_139 : i32
          %get3A_141 = arith.index_cast %scan3A_140 : i32 to index
          %get3A_142 = arith.index_cast %scan3A_71 : i32 to index
          %get3A_143 = tpu.vector_load %arg10[%get3A_141, %get3A_142] {strides = array<i32>} : memref<32x64xf32, #tpu.memory_space<vmem>>, vector<16xf32>,
          tpu.vector_store_idx %arg7[%add3A_138], %get3A_143 : memref<16896xf32, #tpu.memory_space<vmem>>[vector<16xi32>], vector<16xf32>,
          %add3A_144 = arith.constant 1 : i32
          %add3A_145 = vector.broadcast %add3A_144 : i32 to vector<16xi32>
          %add3A_146 = arith.addi %add3A_138, %add3A_145 : vector<16xi32>
          %scan3A_147 = arith.constant 8 : i32
          %scan3A_148 = arith.addi %scan3A_84, %scan3A_147 : i32
          %get3A_149 = arith.index_cast %scan3A_148 : i32 to index
          %get3A_150 = arith.index_cast %scan3A_71 : i32 to index
          %get3A_151 = tpu.vector_load %arg10[%get3A_149, %get3A_150] {strides = array<i32>} : memref<32x64xf32, #tpu.memory_space<vmem>>, vector<16xf32>,
          tpu.vector_store_idx %arg7[%add3A_146], %get3A_151 : memref<16896xf32, #tpu.memory_space<vmem>>[vector<16xi32>], vector<16xf32>,
          %add3A_152 = arith.constant 1 : i32
          %add3A_153 = vector.broadcast %add3A_152 : i32 to vector<16xi32>
          %add3A_154 = arith.addi %add3A_146, %add3A_153 : vector<16xi32>
          %scan3A_155 = arith.constant 9 : i32
          %scan3A_156 = arith.addi %scan3A_84, %scan3A_155 : i32
          %get3A_157 = arith.index_cast %scan3A_156 : i32 to index
          %get3A_158 = arith.index_cast %scan3A_71 : i32 to index
          %get3A_159 = tpu.vector_load %arg10[%get3A_157, %get3A_158] {strides = array<i32>} : memref<32x64xf32, #tpu.memory_space<vmem>>, vector<16xf32>,
          tpu.vector_store_idx %arg7[%add3A_154], %get3A_159 : memref<16896xf32, #tpu.memory_space<vmem>>[vector<16xi32>], vector<16xf32>,
          %add3A_160 = arith.constant 1 : i32
          %add3A_161 = vector.broadcast %add3A_160 : i32 to vector<16xi32>
          %add3A_162 = arith.addi %add3A_154, %add3A_161 : vector<16xi32>
          %scan3A_163 = arith.constant 10 : i32
          %scan3A_164 = arith.addi %scan3A_84, %scan3A_163 : i32
          %get3A_165 = arith.index_cast %scan3A_164 : i32 to index
          %get3A_166 = arith.index_cast %scan3A_71 : i32 to index
          %get3A_167 = tpu.vector_load %arg10[%get3A_165, %get3A_166] {strides = array<i32>} : memref<32x64xf32, #tpu.memory_space<vmem>>, vector<16xf32>,
          tpu.vector_store_idx %arg7[%add3A_162], %get3A_167 : memref<16896xf32, #tpu.memory_space<vmem>>[vector<16xi32>], vector<16xf32>,
          %add3A_168 = arith.constant 1 : i32
          %add3A_169 = vector.broadcast %add3A_168 : i32 to vector<16xi32>
          %add3A_170 = arith.addi %add3A_162, %add3A_169 : vector<16xi32>
          %scan3A_171 = arith.constant 11 : i32
          %scan3A_172 = arith.addi %scan3A_84, %scan3A_171 : i32
          %get3A_173 = arith.index_cast %scan3A_172 : i32 to index
          %get3A_174 = arith.index_cast %scan3A_71 : i32 to index
          %get3A_175 = tpu.vector_load %arg10[%get3A_173, %get3A_174] {strides = array<i32>} : memref<32x64xf32, #tpu.memory_space<vmem>>, vector<16xf32>,
          tpu.vector_store_idx %arg7[%add3A_170], %get3A_175 : memref<16896xf32, #tpu.memory_space<vmem>>[vector<16xi32>], vector<16xf32>,
          %add3A_176 = arith.constant 1 : i32
          %add3A_177 = vector.broadcast %add3A_176 : i32 to vector<16xi32>
          %add3A_178 = arith.addi %add3A_170, %add3A_177 : vector<16xi32>
          %scan3A_179 = arith.constant 12 : i32
          %scan3A_180 = arith.addi %scan3A_84, %scan3A_179 : i32
          %get3A_181 = arith.index_cast %scan3A_180 : i32 to index
          %get3A_182 = arith.index_cast %scan3A_71 : i32 to index
          %get3A_183 = tpu.vector_load %arg10[%get3A_181, %get3A_182] {strides = array<i32>} : memref<32x64xf32, #tpu.memory_space<vmem>>, vector<16xf32>,
          tpu.vector_store_idx %arg7[%add3A_178], %get3A_183 : memref<16896xf32, #tpu.memory_space<vmem>>[vector<16xi32>], vector<16xf32>,
          %add3A_184 = arith.constant 1 : i32
          %add3A_185 = vector.broadcast %add3A_184 : i32 to vector<16xi32>
          %add3A_186 = arith.addi %add3A_178, %add3A_185 : vector<16xi32>
          %scan3A_187 = arith.constant 13 : i32
          %scan3A_188 = arith.addi %scan3A_84, %scan3A_187 : i32
          %get3A_189 = arith.index_cast %scan3A_188 : i32 to index
          %get3A_190 = arith.index_cast %scan3A_71 : i32 to index
          %get3A_191 = tpu.vector_load %arg10[%get3A_189, %get3A_190] {strides = array<i32>} : memref<32x64xf32, #tpu.memory_space<vmem>>, vector<16xf32>,
          tpu.vector_store_idx %arg7[%add3A_186], %get3A_191 : memref<16896xf32, #tpu.memory_space<vmem>>[vector<16xi32>], vector<16xf32>,
          %add3A_192 = arith.constant 1 : i32
          %add3A_193 = vector.broadcast %add3A_192 : i32 to vector<16xi32>
          %add3A_194 = arith.addi %add3A_186, %add3A_193 : vector<16xi32>
          %scan3A_195 = arith.constant 14 : i32
          %scan3A_196 = arith.addi %scan3A_84, %scan3A_195 : i32
          %get3A_197 = arith.index_cast %scan3A_196 : i32 to index
          %get3A_198 = arith.index_cast %scan3A_71 : i32 to index
          %get3A_199 = tpu.vector_load %arg10[%get3A_197, %get3A_198] {strides = array<i32>} : memref<32x64xf32, #tpu.memory_space<vmem>>, vector<16xf32>,
          tpu.vector_store_idx %arg7[%add3A_194], %get3A_199 : memref<16896xf32, #tpu.memory_space<vmem>>[vector<16xi32>], vector<16xf32>,
          %add3A_200 = arith.constant 1 : i32
          %add3A_201 = vector.broadcast %add3A_200 : i32 to vector<16xi32>
          %add3A_202 = arith.addi %add3A_194, %add3A_201 : vector<16xi32>
          %scan3A_203 = arith.constant 15 : i32
          %scan3A_204 = arith.addi %scan3A_84, %scan3A_203 : i32
          %get3A_205 = arith.index_cast %scan3A_204 : i32 to index
          %get3A_206 = arith.index_cast %scan3A_71 : i32 to index
          %get3A_207 = tpu.vector_load %arg10[%get3A_205, %get3A_206] {strides = array<i32>} : memref<32x64xf32, #tpu.memory_space<vmem>>, vector<16xf32>,
          tpu.vector_store_idx %arg7[%add3A_202], %get3A_207 : memref<16896xf32, #tpu.memory_space<vmem>>[vector<16xi32>], vector<16xf32>,
          %add3A_208 = arith.constant 1 : i32
          %add3A_209 = vector.broadcast %add3A_208 : i32 to vector<16xi32>
          %add3A_210 = arith.addi %add3A_202, %add3A_209 : vector<16xi32>
          scf.yield %add3A_210 : vector<16xi32>
        }
        %scan3A_78 = arith.constant 32 : i32
        %add3A_79 = arith.constant 16 : i32
        %add3A_80 = arith.addi %scan3A_71, %add3A_79 : i32
        %add3A_81 = arith.constant 528 : i32
        %add3A_82 = vector.broadcast %add3A_81 : i32 to vector<16xi32>
        %add3A_83 = arith.addi %scan3A_72, %add3A_82 : vector<16xi32>
        scf.yield %add3A_80, %add3A_83 : i32, vector<16xi32>
      }
      %scan3A_61 = arith.constant 4 : i32
      %scan3A_62 = arith.constant 0 : i32
      %scan3A_63 = arith.constant 0 : i32
      %scan3A_64 = arith.constant 0 : i32
      %scan3A_65 = arith.constant 64 : i32
      %scan3A_66 = arith.addi %scan3A_64, %scan3A_65 : i32
      %scan3A_67 = arith.constant 16 : i32
      %scan3A_68:2 = scf.for %scan3A_70 = %scan3A_64 to %scan3A_66 step %scan3A_67 iter_args(%scan3A_71 = %scan3A_62, %scan3A_72 = %scan3A_63) -> (i32, i32)  : i32 {
        %get3A = arith.index_cast %scan3A_72 : i32 to index
        %get3A_73 = tpu.vector_load %arg7[%get3A] {strides = array<i32>} : memref<16896xf32, #tpu.memory_space<vmem>>, vector<16xf32>,
        %swap3A = arith.index_cast %scan3A_71 : i32 to index
        %swap3A_74 = tpu.vector_load %arg11[%swap3A] {strides = array<i32>} : memref<2048xf32, #tpu.memory_space<vmem>>, vector<16xf32>,
        tpu.vector_store %arg11[%swap3A], %get3A_73 {strides = array<i32>} : memref<2048xf32, #tpu.memory_space<vmem>>, vector<16xf32>,
        %add3A_75 = arith.constant 16 : i32
        %add3A_76 = arith.addi %scan3A_72, %add3A_75 : i32
        %get3A_77 = arith.index_cast %add3A_76 : i32 to index
        %get3A_78 = tpu.vector_load %arg7[%get3A_77] {strides = array<i32>} : memref<16896xf32, #tpu.memory_space<vmem>>, vector<16xf32>,
        %add3A_79 = arith.constant 16 : i32
        %add3A_80 = arith.addi %scan3A_71, %add3A_79 : i32
        %swap3A_81 = arith.index_cast %add3A_80 : i32 to index
        %swap3A_82 = tpu.vector_load %arg11[%swap3A_81] {strides = array<i32>} : memref<2048xf32, #tpu.memory_space<vmem>>, vector<16xf32>,
        tpu.vector_store %arg11[%swap3A_81], %get3A_78 {strides = array<i32>} : memref<2048xf32, #tpu.memory_space<vmem>>, vector<16xf32>,
        %add3A_83 = arith.constant 32 : i32
        %add3A_84 = arith.addi %scan3A_71, %add3A_83 : i32
        %add3A_85 = arith.constant 33 : i32
        %add3A_86 = arith.addi %scan3A_72, %add3A_85 : i32
        %scan3A_87 = arith.constant 1 : i32
        %scan3A_88 = arith.addi %scan3A_70, %scan3A_87 : i32
        %get3A_89 = arith.index_cast %add3A_86 : i32 to index
        %get3A_90 = tpu.vector_load %arg7[%get3A_89] {strides = array<i32>} : memref<16896xf32, #tpu.memory_space<vmem>>, vector<16xf32>,
        %swap3A_91 = arith.index_cast %add3A_84 : i32 to index
        %swap3A_92 = tpu.vector_load %arg11[%swap3A_91] {strides = array<i32>} : memref<2048xf32, #tpu.memory_space<vmem>>, vector<16xf32>,
        tpu.vector_store %arg11[%swap3A_91], %get3A_90 {strides = array<i32>} : memref<2048xf32, #tpu.memory_space<vmem>>, vector<16xf32>,
        %add3A_93 = arith.constant 16 : i32
        %add3A_94 = arith.addi %add3A_86, %add3A_93 : i32
        %get3A_95 = arith.index_cast %add3A_94 : i32 to index
        %get3A_96 = tpu.vector_load %arg7[%get3A_95] {strides = array<i32>} : memref<16896xf32, #tpu.memory_space<vmem>>, vector<16xf32>,
        %add3A_97 = arith.constant 16 : i32
        %add3A_98 = arith.addi %add3A_84, %add3A_97 : i32
        %swap3A_99 = arith.index_cast %add3A_98 : i32 to index
        %swap3A_100 = tpu.vector_load %arg11[%swap3A_99] {strides = array<i32>} : memref<2048xf32, #tpu.memory_space<vmem>>, vector<16xf32>,
        tpu.vector_store %arg11[%swap3A_99], %get3A_96 {strides = array<i32>} : memref<2048xf32, #tpu.memory_space<vmem>>, vector<16xf32>,
        %add3A_101 = arith.constant 32 : i32
        %add3A_102 = arith.addi %add3A_84, %add3A_101 : i32
        %add3A_103 = arith.constant 33 : i32
        %add3A_104 = arith.addi %add3A_86, %add3A_103 : i32
        %scan3A_105 = arith.constant 2 : i32
        %scan3A_106 = arith.addi %scan3A_70, %scan3A_105 : i32
        %get3A_107 = arith.index_cast %add3A_104 : i32 to index
        %get3A_108 = tpu.vector_load %arg7[%get3A_107] {strides = array<i32>} : memref<16896xf32, #tpu.memory_space<vmem>>, vector<16xf32>,
        %swap3A_109 = arith.index_cast %add3A_102 : i32 to index
        %swap3A_110 = tpu.vector_load %arg11[%swap3A_109] {strides = array<i32>} : memref<2048xf32, #tpu.memory_space<vmem>>, vector<16xf32>,
        tpu.vector_store %arg11[%swap3A_109], %get3A_108 {strides = array<i32>} : memref<2048xf32, #tpu.memory_space<vmem>>, vector<16xf32>,
        %add3A_111 = arith.constant 16 : i32
        %add3A_112 = arith.addi %add3A_104, %add3A_111 : i32
        %get3A_113 = arith.index_cast %add3A_112 : i32 to index
        %get3A_114 = tpu.vector_load %arg7[%get3A_113] {strides = array<i32>} : memref<16896xf32, #tpu.memory_space<vmem>>, vector<16xf32>,
        %add3A_115 = arith.constant 16 : i32
        %add3A_116 = arith.addi %add3A_102, %add3A_115 : i32
        %swap3A_117 = arith.index_cast %add3A_116 : i32 to index
        %swap3A_118 = tpu.vector_load %arg11[%swap3A_117] {strides = array<i32>} : memref<2048xf32, #tpu.memory_space<vmem>>, vector<16xf32>,
        tpu.vector_store %arg11[%swap3A_117], %get3A_114 {strides = array<i32>} : memref<2048xf32, #tpu.memory_space<vmem>>, vector<16xf32>,
        %add3A_119 = arith.constant 32 : i32
        %add3A_120 = arith.addi %add3A_102, %add3A_119 : i32
        %add3A_121 = arith.constant 33 : i32
        %add3A_122 = arith.addi %add3A_104, %add3A_121 : i32
        %scan3A_123 = arith.constant 3 : i32
        %scan3A_124 = arith.addi %scan3A_70, %scan3A_123 : i32
        %get3A_125 = arith.index_cast %add3A_122 : i32 to index
        %get3A_126 = tpu.vector_load %arg7[%get3A_125] {strides = array<i32>} : memref<16896xf32, #tpu.memory_space<vmem>>, vector<16xf32>,
        %swap3A_127 = arith.index_cast %add3A_120 : i32 to index
        %swap3A_128 = tpu.vector_load %arg11[%swap3A_127] {strides = array<i32>} : memref<2048xf32, #tpu.memory_space<vmem>>, vector<16xf32>,
        tpu.vector_store %arg11[%swap3A_127], %get3A_126 {strides = array<i32>} : memref<2048xf32, #tpu.memory_space<vmem>>, vector<16xf32>,
        %add3A_129 = arith.constant 16 : i32
        %add3A_130 = arith.addi %add3A_122, %add3A_129 : i32
        %get3A_131 = arith.index_cast %add3A_130 : i32 to index
        %get3A_132 = tpu.vector_load %arg7[%get3A_131] {strides = array<i32>} : memref<16896xf32, #tpu.memory_space<vmem>>, vector<16xf32>,
        %add3A_133 = arith.constant 16 : i32
        %add3A_134 = arith.addi %add3A_120, %add3A_133 : i32
        %swap3A_135 = arith.index_cast %add3A_134 : i32 to index
        %swap3A_136 = tpu.vector_load %arg11[%swap3A_135] {strides = array<i32>} : memref<2048xf32, #tpu.memory_space<vmem>>, vector<16xf32>,
        tpu.vector_store %arg11[%swap3A_135], %get3A_132 {strides = array<i32>} : memref<2048xf32, #tpu.memory_space<vmem>>, vector<16xf32>,
        %add3A_137 = arith.constant 32 : i32
        %add3A_138 = arith.addi %add3A_120, %add3A_137 : i32
        %add3A_139 = arith.constant 33 : i32
        %add3A_140 = arith.addi %add3A_122, %add3A_139 : i32
        %scan3A_141 = arith.constant 4 : i32
        %scan3A_142 = arith.addi %scan3A_70, %scan3A_141 : i32
        %get3A_143 = arith.index_cast %add3A_140 : i32 to index
        %get3A_144 = tpu.vector_load %arg7[%get3A_143] {strides = array<i32>} : memref<16896xf32, #tpu.memory_space<vmem>>, vector<16xf32>,
        %swap3A_145 = arith.index_cast %add3A_138 : i32 to index
        %swap3A_146 = tpu.vector_load %arg11[%swap3A_145] {strides = array<i32>} : memref<2048xf32, #tpu.memory_space<vmem>>, vector<16xf32>,
        tpu.vector_store %arg11[%swap3A_145], %get3A_144 {strides = array<i32>} : memref<2048xf32, #tpu.memory_space<vmem>>, vector<16xf32>,
        %add3A_147 = arith.constant 16 : i32
        %add3A_148 = arith.addi %add3A_140, %add3A_147 : i32
        %get3A_149 = arith.index_cast %add3A_148 : i32 to index
        %get3A_150 = tpu.vector_load %arg7[%get3A_149] {strides = array<i32>} : memref<16896xf32, #tpu.memory_space<vmem>>, vector<16xf32>,
        %add3A_151 = arith.constant 16 : i32
        %add3A_152 = arith.addi %add3A_138, %add3A_151 : i32
        %swap3A_153 = arith.index_cast %add3A_152 : i32 to index
        %swap3A_154 = tpu.vector_load %arg11[%swap3A_153] {strides = array<i32>} : memref<2048xf32, #tpu.memory_space<vmem>>, vector<16xf32>,
        tpu.vector_store %arg11[%swap3A_153], %get3A_150 {strides = array<i32>} : memref<2048xf32, #tpu.memory_space<vmem>>, vector<16xf32>,
        %add3A_155 = arith.constant 32 : i32
        %add3A_156 = arith.addi %add3A_138, %add3A_155 : i32
        %add3A_157 = arith.constant 33 : i32
        %add3A_158 = arith.addi %add3A_140, %add3A_157 : i32
        %scan3A_159 = arith.constant 5 : i32
        %scan3A_160 = arith.addi %scan3A_70, %scan3A_159 : i32
        %get3A_161 = arith.index_cast %add3A_158 : i32 to index
        %get3A_162 = tpu.vector_load %arg7[%get3A_161] {strides = array<i32>} : memref<16896xf32, #tpu.memory_space<vmem>>, vector<16xf32>,
        %swap3A_163 = arith.index_cast %add3A_156 : i32 to index
        %swap3A_164 = tpu.vector_load %arg11[%swap3A_163] {strides = array<i32>} : memref<2048xf32, #tpu.memory_space<vmem>>, vector<16xf32>,
        tpu.vector_store %arg11[%swap3A_163], %get3A_162 {strides = array<i32>} : memref<2048xf32, #tpu.memory_space<vmem>>, vector<16xf32>,
        %add3A_165 = arith.constant 16 : i32
        %add3A_166 = arith.addi %add3A_158, %add3A_165 : i32
        %get3A_167 = arith.index_cast %add3A_166 : i32 to index
        %get3A_168 = tpu.vector_load %arg7[%get3A_167] {strides = array<i32>} : memref<16896xf32, #tpu.memory_space<vmem>>, vector<16xf32>,
        %add3A_169 = arith.constant 16 : i32
        %add3A_170 = arith.addi %add3A_156, %add3A_169 : i32
        %swap3A_171 = arith.index_cast %add3A_170 : i32 to index
        %swap3A_172 = tpu.vector_load %arg11[%swap3A_171] {strides = array<i32>} : memref<2048xf32, #tpu.memory_space<vmem>>, vector<16xf32>,
        tpu.vector_store %arg11[%swap3A_171], %get3A_168 {strides = array<i32>} : memref<2048xf32, #tpu.memory_space<vmem>>, vector<16xf32>,
        %add3A_173 = arith.constant 32 : i32
        %add3A_174 = arith.addi %add3A_156, %add3A_173 : i32
        %add3A_175 = arith.constant 33 : i32
        %add3A_176 = arith.addi %add3A_158, %add3A_175 : i32
        %scan3A_177 = arith.constant 6 : i32
        %scan3A_178 = arith.addi %scan3A_70, %scan3A_177 : i32
        %get3A_179 = arith.index_cast %add3A_176 : i32 to index
        %get3A_180 = tpu.vector_load %arg7[%get3A_179] {strides = array<i32>} : memref<16896xf32, #tpu.memory_space<vmem>>, vector<16xf32>,
        %swap3A_181 = arith.index_cast %add3A_174 : i32 to index
        %swap3A_182 = tpu.vector_load %arg11[%swap3A_181] {strides = array<i32>} : memref<2048xf32, #tpu.memory_space<vmem>>, vector<16xf32>,
        tpu.vector_store %arg11[%swap3A_181], %get3A_180 {strides = array<i32>} : memref<2048xf32, #tpu.memory_space<vmem>>, vector<16xf32>,
        %add3A_183 = arith.constant 16 : i32
        %add3A_184 = arith.addi %add3A_176, %add3A_183 : i32
        %get3A_185 = arith.index_cast %add3A_184 : i32 to index
        %get3A_186 = tpu.vector_load %arg7[%get3A_185] {strides = array<i32>} : memref<16896xf32, #tpu.memory_space<vmem>>, vector<16xf32>,
        %add3A_187 = arith.constant 16 : i32
        %add3A_188 = arith.addi %add3A_174, %add3A_187 : i32
        %swap3A_189 = arith.index_cast %add3A_188 : i32 to index
        %swap3A_190 = tpu.vector_load %arg11[%swap3A_189] {strides = array<i32>} : memref<2048xf32, #tpu.memory_space<vmem>>, vector<16xf32>,
        tpu.vector_store %arg11[%swap3A_189], %get3A_186 {strides = array<i32>} : memref<2048xf32, #tpu.memory_space<vmem>>, vector<16xf32>,
        %add3A_191 = arith.constant 32 : i32
        %add3A_192 = arith.addi %add3A_174, %add3A_191 : i32
        %add3A_193 = arith.constant 33 : i32
        %add3A_194 = arith.addi %add3A_176, %add3A_193 : i32
        %scan3A_195 = arith.constant 7 : i32
        %scan3A_196 = arith.addi %scan3A_70, %scan3A_195 : i32
        %get3A_197 = arith.index_cast %add3A_194 : i32 to index
        %get3A_198 = tpu.vector_load %arg7[%get3A_197] {strides = array<i32>} : memref<16896xf32, #tpu.memory_space<vmem>>, vector<16xf32>,
        %swap3A_199 = arith.index_cast %add3A_192 : i32 to index
        %swap3A_200 = tpu.vector_load %arg11[%swap3A_199] {strides = array<i32>} : memref<2048xf32, #tpu.memory_space<vmem>>, vector<16xf32>,
        tpu.vector_store %arg11[%swap3A_199], %get3A_198 {strides = array<i32>} : memref<2048xf32, #tpu.memory_space<vmem>>, vector<16xf32>,
        %add3A_201 = arith.constant 16 : i32
        %add3A_202 = arith.addi %add3A_194, %add3A_201 : i32
        %get3A_203 = arith.index_cast %add3A_202 : i32 to index
        %get3A_204 = tpu.vector_load %arg7[%get3A_203] {strides = array<i32>} : memref<16896xf32, #tpu.memory_space<vmem>>, vector<16xf32>,
        %add3A_205 = arith.constant 16 : i32
        %add3A_206 = arith.addi %add3A_192, %add3A_205 : i32
        %swap3A_207 = arith.index_cast %add3A_206 : i32 to index
        %swap3A_208 = tpu.vector_load %arg11[%swap3A_207] {strides = array<i32>} : memref<2048xf32, #tpu.memory_space<vmem>>, vector<16xf32>,
        tpu.vector_store %arg11[%swap3A_207], %get3A_204 {strides = array<i32>} : memref<2048xf32, #tpu.memory_space<vmem>>, vector<16xf32>,
        %add3A_209 = arith.constant 32 : i32
        %add3A_210 = arith.addi %add3A_192, %add3A_209 : i32
        %add3A_211 = arith.constant 33 : i32
        %add3A_212 = arith.addi %add3A_194, %add3A_211 : i32
        %scan3A_213 = arith.constant 8 : i32
        %scan3A_214 = arith.addi %scan3A_70, %scan3A_213 : i32
        %get3A_215 = arith.index_cast %add3A_212 : i32 to index
        %get3A_216 = tpu.vector_load %arg7[%get3A_215] {strides = array<i32>} : memref<16896xf32, #tpu.memory_space<vmem>>, vector<16xf32>,
        %swap3A_217 = arith.index_cast %add3A_210 : i32 to index
        %swap3A_218 = tpu.vector_load %arg11[%swap3A_217] {strides = array<i32>} : memref<2048xf32, #tpu.memory_space<vmem>>, vector<16xf32>,
        tpu.vector_store %arg11[%swap3A_217], %get3A_216 {strides = array<i32>} : memref<2048xf32, #tpu.memory_space<vmem>>, vector<16xf32>,
        %add3A_219 = arith.constant 16 : i32
        %add3A_220 = arith.addi %add3A_212, %add3A_219 : i32
        %get3A_221 = arith.index_cast %add3A_220 : i32 to index
        %get3A_222 = tpu.vector_load %arg7[%get3A_221] {strides = array<i32>} : memref<16896xf32, #tpu.memory_space<vmem>>, vector<16xf32>,
        %add3A_223 = arith.constant 16 : i32
        %add3A_224 = arith.addi %add3A_210, %add3A_223 : i32
        %swap3A_225 = arith.index_cast %add3A_224 : i32 to index
        %swap3A_226 = tpu.vector_load %arg11[%swap3A_225] {strides = array<i32>} : memref<2048xf32, #tpu.memory_space<vmem>>, vector<16xf32>,
        tpu.vector_store %arg11[%swap3A_225], %get3A_222 {strides = array<i32>} : memref<2048xf32, #tpu.memory_space<vmem>>, vector<16xf32>,
        %add3A_227 = arith.constant 32 : i32
        %add3A_228 = arith.addi %add3A_210, %add3A_227 : i32
        %add3A_229 = arith.constant 33 : i32
        %add3A_230 = arith.addi %add3A_212, %add3A_229 : i32
        %scan3A_231 = arith.constant 9 : i32
        %scan3A_232 = arith.addi %scan3A_70, %scan3A_231 : i32
        %get3A_233 = arith.index_cast %add3A_230 : i32 to index
        %get3A_234 = tpu.vector_load %arg7[%get3A_233] {strides = array<i32>} : memref<16896xf32, #tpu.memory_space<vmem>>, vector<16xf32>,
        %swap3A_235 = arith.index_cast %add3A_228 : i32 to index
        %swap3A_236 = tpu.vector_load %arg11[%swap3A_235] {strides = array<i32>} : memref<2048xf32, #tpu.memory_space<vmem>>, vector<16xf32>,
        tpu.vector_store %arg11[%swap3A_235], %get3A_234 {strides = array<i32>} : memref<2048xf32, #tpu.memory_space<vmem>>, vector<16xf32>,
        %add3A_237 = arith.constant 16 : i32
        %add3A_238 = arith.addi %add3A_230, %add3A_237 : i32
        %get3A_239 = arith.index_cast %add3A_238 : i32 to index
        %get3A_240 = tpu.vector_load %arg7[%get3A_239] {strides = array<i32>} : memref<16896xf32, #tpu.memory_space<vmem>>, vector<16xf32>,
        %add3A_241 = arith.constant 16 : i32
        %add3A_242 = arith.addi %add3A_228, %add3A_241 : i32
        %swap3A_243 = arith.index_cast %add3A_242 : i32 to index
        %swap3A_244 = tpu.vector_load %arg11[%swap3A_243] {strides = array<i32>} : memref<2048xf32, #tpu.memory_space<vmem>>, vector<16xf32>,
        tpu.vector_store %arg11[%swap3A_243], %get3A_240 {strides = array<i32>} : memref<2048xf32, #tpu.memory_space<vmem>>, vector<16xf32>,
        %add3A_245 = arith.constant 32 : i32
        %add3A_246 = arith.addi %add3A_228, %add3A_245 : i32
        %add3A_247 = arith.constant 33 : i32
        %add3A_248 = arith.addi %add3A_230, %add3A_247 : i32
        %scan3A_249 = arith.constant 10 : i32
        %scan3A_250 = arith.addi %scan3A_70, %scan3A_249 : i32
        %get3A_251 = arith.index_cast %add3A_248 : i32 to index
        %get3A_252 = tpu.vector_load %arg7[%get3A_251] {strides = array<i32>} : memref<16896xf32, #tpu.memory_space<vmem>>, vector<16xf32>,
        %swap3A_253 = arith.index_cast %add3A_246 : i32 to index
        %swap3A_254 = tpu.vector_load %arg11[%swap3A_253] {strides = array<i32>} : memref<2048xf32, #tpu.memory_space<vmem>>, vector<16xf32>,
        tpu.vector_store %arg11[%swap3A_253], %get3A_252 {strides = array<i32>} : memref<2048xf32, #tpu.memory_space<vmem>>, vector<16xf32>,
        %add3A_255 = arith.constant 16 : i32
        %add3A_256 = arith.addi %add3A_248, %add3A_255 : i32
        %get3A_257 = arith.index_cast %add3A_256 : i32 to index
        %get3A_258 = tpu.vector_load %arg7[%get3A_257] {strides = array<i32>} : memref<16896xf32, #tpu.memory_space<vmem>>, vector<16xf32>,
        %add3A_259 = arith.constant 16 : i32
        %add3A_260 = arith.addi %add3A_246, %add3A_259 : i32
        %swap3A_261 = arith.index_cast %add3A_260 : i32 to index
        %swap3A_262 = tpu.vector_load %arg11[%swap3A_261] {strides = array<i32>} : memref<2048xf32, #tpu.memory_space<vmem>>, vector<16xf32>,
        tpu.vector_store %arg11[%swap3A_261], %get3A_258 {strides = array<i32>} : memref<2048xf32, #tpu.memory_space<vmem>>, vector<16xf32>,
        %add3A_263 = arith.constant 32 : i32
        %add3A_264 = arith.addi %add3A_246, %add3A_263 : i32
        %add3A_265 = arith.constant 33 : i32
        %add3A_266 = arith.addi %add3A_248, %add3A_265 : i32
        %scan3A_267 = arith.constant 11 : i32
        %scan3A_268 = arith.addi %scan3A_70, %scan3A_267 : i32
        %get3A_269 = arith.index_cast %add3A_266 : i32 to index
        %get3A_270 = tpu.vector_load %arg7[%get3A_269] {strides = array<i32>} : memref<16896xf32, #tpu.memory_space<vmem>>, vector<16xf32>,
        %swap3A_271 = arith.index_cast %add3A_264 : i32 to index
        %swap3A_272 = tpu.vector_load %arg11[%swap3A_271] {strides = array<i32>} : memref<2048xf32, #tpu.memory_space<vmem>>, vector<16xf32>,
        tpu.vector_store %arg11[%swap3A_271], %get3A_270 {strides = array<i32>} : memref<2048xf32, #tpu.memory_space<vmem>>, vector<16xf32>,
        %add3A_273 = arith.constant 16 : i32
        %add3A_274 = arith.addi %add3A_266, %add3A_273 : i32
        %get3A_275 = arith.index_cast %add3A_274 : i32 to index
        %get3A_276 = tpu.vector_load %arg7[%get3A_275] {strides = array<i32>} : memref<16896xf32, #tpu.memory_space<vmem>>, vector<16xf32>,
        %add3A_277 = arith.constant 16 : i32
        %add3A_278 = arith.addi %add3A_264, %add3A_277 : i32
        %swap3A_279 = arith.index_cast %add3A_278 : i32 to index
        %swap3A_280 = tpu.vector_load %arg11[%swap3A_279] {strides = array<i32>} : memref<2048xf32, #tpu.memory_space<vmem>>, vector<16xf32>,
        tpu.vector_store %arg11[%swap3A_279], %get3A_276 {strides = array<i32>} : memref<2048xf32, #tpu.memory_space<vmem>>, vector<16xf32>,
        %add3A_281 = arith.constant 32 : i32
        %add3A_282 = arith.addi %add3A_264, %add3A_281 : i32
        %add3A_283 = arith.constant 33 : i32
        %add3A_284 = arith.addi %add3A_266, %add3A_283 : i32
        %scan3A_285 = arith.constant 12 : i32
        %scan3A_286 = arith.addi %scan3A_70, %scan3A_285 : i32
        %get3A_287 = arith.index_cast %add3A_284 : i32 to index
        %get3A_288 = tpu.vector_load %arg7[%get3A_287] {strides = array<i32>} : memref<16896xf32, #tpu.memory_space<vmem>>, vector<16xf32>,
        %swap3A_289 = arith.index_cast %add3A_282 : i32 to index
        %swap3A_290 = tpu.vector_load %arg11[%swap3A_289] {strides = array<i32>} : memref<2048xf32, #tpu.memory_space<vmem>>, vector<16xf32>,
        tpu.vector_store %arg11[%swap3A_289], %get3A_288 {strides = array<i32>} : memref<2048xf32, #tpu.memory_space<vmem>>, vector<16xf32>,
        %add3A_291 = arith.constant 16 : i32
        %add3A_292 = arith.addi %add3A_284, %add3A_291 : i32
        %get3A_293 = arith.index_cast %add3A_292 : i32 to index
        %get3A_294 = tpu.vector_load %arg7[%get3A_293] {strides = array<i32>} : memref<16896xf32, #tpu.memory_space<vmem>>, vector<16xf32>,
        %add3A_295 = arith.constant 16 : i32
        %add3A_296 = arith.addi %add3A_282, %add3A_295 : i32
        %swap3A_297 = arith.index_cast %add3A_296 : i32 to index
        %swap3A_298 = tpu.vector_load %arg11[%swap3A_297] {strides = array<i32>} : memref<2048xf32, #tpu.memory_space<vmem>>, vector<16xf32>,
        tpu.vector_store %arg11[%swap3A_297], %get3A_294 {strides = array<i32>} : memref<2048xf32, #tpu.memory_space<vmem>>, vector<16xf32>,
        %add3A_299 = arith.constant 32 : i32
        %add3A_300 = arith.addi %add3A_282, %add3A_299 : i32
        %add3A_301 = arith.constant 33 : i32
        %add3A_302 = arith.addi %add3A_284, %add3A_301 : i32
        %scan3A_303 = arith.constant 13 : i32
        %scan3A_304 = arith.addi %scan3A_70, %scan3A_303 : i32
        %get3A_305 = arith.index_cast %add3A_302 : i32 to index
        %get3A_306 = tpu.vector_load %arg7[%get3A_305] {strides = array<i32>} : memref<16896xf32, #tpu.memory_space<vmem>>, vector<16xf32>,
        %swap3A_307 = arith.index_cast %add3A_300 : i32 to index
        %swap3A_308 = tpu.vector_load %arg11[%swap3A_307] {strides = array<i32>} : memref<2048xf32, #tpu.memory_space<vmem>>, vector<16xf32>,
        tpu.vector_store %arg11[%swap3A_307], %get3A_306 {strides = array<i32>} : memref<2048xf32, #tpu.memory_space<vmem>>, vector<16xf32>,
        %add3A_309 = arith.constant 16 : i32
        %add3A_310 = arith.addi %add3A_302, %add3A_309 : i32
        %get3A_311 = arith.index_cast %add3A_310 : i32 to index
        %get3A_312 = tpu.vector_load %arg7[%get3A_311] {strides = array<i32>} : memref<16896xf32, #tpu.memory_space<vmem>>, vector<16xf32>,
        %add3A_313 = arith.constant 16 : i32
        %add3A_314 = arith.addi %add3A_300, %add3A_313 : i32
        %swap3A_315 = arith.index_cast %add3A_314 : i32 to index
        %swap3A_316 = tpu.vector_load %arg11[%swap3A_315] {strides = array<i32>} : memref<2048xf32, #tpu.memory_space<vmem>>, vector<16xf32>,
        tpu.vector_store %arg11[%swap3A_315], %get3A_312 {strides = array<i32>} : memref<2048xf32, #tpu.memory_space<vmem>>, vector<16xf32>,
        %add3A_317 = arith.constant 32 : i32
        %add3A_318 = arith.addi %add3A_300, %add3A_317 : i32
        %add3A_319 = arith.constant 33 : i32
        %add3A_320 = arith.addi %add3A_302, %add3A_319 : i32
        %scan3A_321 = arith.constant 14 : i32
        %scan3A_322 = arith.addi %scan3A_70, %scan3A_321 : i32
        %get3A_323 = arith.index_cast %add3A_320 : i32 to index
        %get3A_324 = tpu.vector_load %arg7[%get3A_323] {strides = array<i32>} : memref<16896xf32, #tpu.memory_space<vmem>>, vector<16xf32>,
        %swap3A_325 = arith.index_cast %add3A_318 : i32 to index
        %swap3A_326 = tpu.vector_load %arg11[%swap3A_325] {strides = array<i32>} : memref<2048xf32, #tpu.memory_space<vmem>>, vector<16xf32>,
        tpu.vector_store %arg11[%swap3A_325], %get3A_324 {strides = array<i32>} : memref<2048xf32, #tpu.memory_space<vmem>>, vector<16xf32>,
        %add3A_327 = arith.constant 16 : i32
        %add3A_328 = arith.addi %add3A_320, %add3A_327 : i32
        %get3A_329 = arith.index_cast %add3A_328 : i32 to index
        %get3A_330 = tpu.vector_load %arg7[%get3A_329] {strides = array<i32>} : memref<16896xf32, #tpu.memory_space<vmem>>, vector<16xf32>,
        %add3A_331 = arith.constant 16 : i32
        %add3A_332 = arith.addi %add3A_318, %add3A_331 : i32
        %swap3A_333 = arith.index_cast %add3A_332 : i32 to index
        %swap3A_334 = tpu.vector_load %arg11[%swap3A_333] {strides = array<i32>} : memref<2048xf32, #tpu.memory_space<vmem>>, vector<16xf32>,
        tpu.vector_store %arg11[%swap3A_333], %get3A_330 {strides = array<i32>} : memref<2048xf32, #tpu.memory_space<vmem>>, vector<16xf32>,
        %add3A_335 = arith.constant 32 : i32
        %add3A_336 = arith.addi %add3A_318, %add3A_335 : i32
        %add3A_337 = arith.constant 33 : i32
        %add3A_338 = arith.addi %add3A_320, %add3A_337 : i32
        %scan3A_339 = arith.constant 15 : i32
        %scan3A_340 = arith.addi %scan3A_70, %scan3A_339 : i32
        %get3A_341 = arith.index_cast %add3A_338 : i32 to index
        %get3A_342 = tpu.vector_load %arg7[%get3A_341] {strides = array<i32>} : memref<16896xf32, #tpu.memory_space<vmem>>, vector<16xf32>,
        %swap3A_343 = arith.index_cast %add3A_336 : i32 to index
        %swap3A_344 = tpu.vector_load %arg11[%swap3A_343] {strides = array<i32>} : memref<2048xf32, #tpu.memory_space<vmem>>, vector<16xf32>,
        tpu.vector_store %arg11[%swap3A_343], %get3A_342 {strides = array<i32>} : memref<2048xf32, #tpu.memory_space<vmem>>, vector<16xf32>,
        %add3A_345 = arith.constant 16 : i32
        %add3A_346 = arith.addi %add3A_338, %add3A_345 : i32
        %get3A_347 = arith.index_cast %add3A_346 : i32 to index
        %get3A_348 = tpu.vector_load %arg7[%get3A_347] {strides = array<i32>} : memref<16896xf32, #tpu.memory_space<vmem>>, vector<16xf32>,
        %add3A_349 = arith.constant 16 : i32
        %add3A_350 = arith.addi %add3A_336, %add3A_349 : i32
        %swap3A_351 = arith.index_cast %add3A_350 : i32 to index
        %swap3A_352 = tpu.vector_load %arg11[%swap3A_351] {strides = array<i32>} : memref<2048xf32, #tpu.memory_space<vmem>>, vector<16xf32>,
        tpu.vector_store %arg11[%swap3A_351], %get3A_348 {strides = array<i32>} : memref<2048xf32, #tpu.memory_space<vmem>>, vector<16xf32>,
        %add3A_353 = arith.constant 32 : i32
        %add3A_354 = arith.addi %add3A_336, %add3A_353 : i32
        %add3A_355 = arith.constant 33 : i32
        %add3A_356 = arith.addi %add3A_338, %add3A_355 : i32
        scf.yield %add3A_354, %add3A_356 : i32, i32
      }
      %scan3A_69 = arith.constant 64 : i32
      "tpu.region"() ({
        %run_scoped3A = tpu.sem_alloc : memref<!tpu.dma_semaphore, #tpu.memory_space<semaphore_mem>>
        %dma_start3A = arith.constant 31997952 : i32
        %dma_start3A_70 = tpu.memref_slice %arg3[%dma_start3A] : memref<32000000xf32, #tpu.memory_space<hbm>> -> memref<2048xf32, #tpu.memory_space<hbm>>
        %dma_start3A_71 = arith.constant 31997952 : i32
        %dma_start3A_72 = tpu.memref_slice %arg3[%dma_start3A_71] : memref<32000000xf32, #tpu.memory_space<hbm>> -> memref<2048xf32, #tpu.memory_space<hbm>>
        tpu.enqueue_dma source(%arg11 : memref<2048xf32, #tpu.memory_space<vmem>>) target(%dma_start3A_72 : memref<2048xf32, #tpu.memory_space<hbm>>) target_semaphore(%run_scoped3A : memref<!tpu.dma_semaphore, #tpu.memory_space<semaphore_mem>>)
        %dma_wait3A = arith.constant 31997952 : i32
        %dma_wait3A_73 = tpu.memref_slice %arg3[%dma_wait3A] : memref<32000000xf32, #tpu.memory_space<hbm>> -> memref<2048xf32, #tpu.memory_space<hbm>>
        %dma_wait3A_74 = arith.constant 31997952 : i32
        %dma_wait3A_75 = tpu.memref_slice %arg3[%dma_wait3A_74] : memref<32000000xf32, #tpu.memory_space<hbm>> -> memref<2048xf32, #tpu.memory_space<hbm>>
        tpu.wait_dma2 semaphore(%run_scoped3A : memref<!tpu.dma_semaphore, #tpu.memory_space<semaphore_mem>>) src(%arg11 : memref<2048xf32, #tpu.memory_space<vmem>>) dst(%dma_wait3A_75 : memref<2048xf32, #tpu.memory_space<hbm>>)
        tpu.yield
      }) : () -> ()
    } else {
    }
    return
  }
}

</mosaic_0001>

<sc_bundles>
// kernel: kernel.4.cloned.1.call-start
scs
__scs_entry_jumppad:
0x0: {  	(pc) =	sbr.rel $0x88, $3  }
0x1: {  	(tag) =	ssettag $0x0;
	lr =	simm.s32 $0x1  }
0x2: {  	[smem:$0x3F9F] =	sst lr;
	_ =	strace $0xD0000000  }
0x3: {  	_ = 	snop  }
0x4: {  	_ = 	snop  }
0x5: {  	_ = 	snop  }
0x6: {  	_ = 	snop  }
0x7: {  	_ = 	snop  }
__scs_overlays_trampoline_lowered:
0x8: {  	[smem:$0x3FAE] =	sst s0  }
0x9: {  	[smem:$0x3FAF] =	sst s1  }
0xa: {  	[smem:$0x3FB0] =	sst s2  }
0xb: {  	[smem:$0x3FB1] =	sst s3  }
0xc: {  	[smem:$0x3FB2] =	sst s4  }
0xd: {  	[smem:$0x3FB3] =	sst s5  }
0xe: {  	[smem:$0x3FB4] =	sst s6  }
0xf: {  	[smem:$0x3FB5] =	sst s7  }
0x10: {  	[smem:$0x3FB6] =	sst s8  }
0x11: {  	[smem:$0x3FB7] =	sst s9;
	s0 =	simm.s32 @!p0 $0x0  }
0x12: {  	s1 =	sld [smem:$0x3F9D];
	s0 =	simm.s32 @p0 $0x1  }
0x13: {  	[smem:$0x3FB8] =	sst s0;
	s0 =	simm.s32 @!p1 $0x0  }
0x14: {  	s2 =	sld [smem:$0x3F9C];
	s0 =	simm.s32 @p1 $0x1  }
0x15: {  	[smem:$0x3FB9] =	sst s0;
	s0 =	simm.s32 @!p2 $0x0  }
0x16: {  	s3 =	sld [smem:$0x3FDB];
	s0 =	simm.s32 @p2 $0x1  }
0x17: {  	s4 =	simm.s32 $0x1BF5;
	[smem:$0x3FBB] =	sst s0  }
0x18: {  	s0 =	sld [smem:$0x3F9E];
	_ =	swait.ge [sflag:s4], $0x0  }
0x19: {  	s7 =	sld [smem:$0x3F9F]  }
0x1a: {  	s8 =	sadd.s32 $0xFFFFE003, lr  }
0x1b: {  	s9 =	sadd.s32 $0xFFFFFEF7, lr;
	s5 =	simm.s32 $0xFFFFFFFF;
	p2 =	slt.u32 s8, $0xFFFFF086  }
0x1c: {  	p1 =	slt.u32 s9, $0xF7A;
	s5 =	simm.s32 @!p2 $0x0  }
0x1d: {  	s5 =	simm.s32 @p1 $0x1;
	p0 =	seq.s32 s7, s2  }
0x1e: {  	s7 =	smul.u32 @!p0 $0xF7A, s2;
	p2 =	seq.s32 @!p0 s5, $0x0  }
0x1f: {  	s9 =	smul.u32 $0xF7A, s1;
	s8 =	simm.s32 @!p0 $0x1BF5;
	p2 =	por !p2, p0  }
0x20: {  	[sflag:s8] =	ssyncset.s32 @!p0 $0xFFFFF086;
	s6 =	sadd.s32 @!p0 s3, s7;
	s7 =	simm.s32 @!p0 $0x108  }
0x21: {  	s3 =	sadd.s32 s3, s9;
	s6 =	sadd.s32 @!p0 $0x88, s6;
	s7 =	simm.s32 @p2 $0x1082  }
0x22: {  	[simem:s7], [sflag:s8] =	dma.local @!p0 [hbm:s6], $0xF7A  }
0x23: {  	s9 =	sor.u32 $0xD0000000, s2;
	s6 =	simm.s32 $0x108;
	_ =	swait.ge @!p0 [sflag:s8], $0x0  }
0x24: {  	s3 =	sadd.s32 $0x88, s3;
	s6 =	simm.s32 @!p1 $0x1082;
	[sflag:s4] =	ssyncset.s32 $0xFFFFF086  }
0x25: {  	[simem:s6], [sflag:s4] =	dma.local [hbm:s3], $0xF7A  }
0x26: {  	[smem:$0x3F9F] =	sst s1;
	(tag) =	ssettag s2;
	_ =	strace s9  }
0x27: {  	s1 =	sld [smem:$0x3FAF]  }
0x28: {  	s2 =	sld [smem:$0x3FB0]  }
0x29: {  	s4 =	sld [smem:$0x3FB2]  }
0x2a: {  	p0 =	seq.s32 s5, $0x0;
	s5 =	sld [smem:$0x3FB3]  }
0x2b: {  	s6 =	sld [smem:$0x3FB4]  }
0x2c: {  	s7 =	sld [smem:$0x3FB5]  }
0x2d: {  	s3 =	simm.s32 $0x108;
	s8 =	sld [smem:$0x3FB6]  }
0x2e: {  	s3 =	simm.s32 @!p0 $0x1082;
	s9 =	sld [smem:$0x3FB7]  }
0x2f: {  	lr =	sadd.s32 s0, s3;
	s0 =	sld [smem:$0x3FAE]  }
0x30: {  	s3 =	sld [smem:$0x3FB1]  }
0x31: {  	[smem:$0x3FBA] =	sst s10  }
0x32: {  	s10 =	sld [smem:$0x3FB8];
	_ =	sdelay $0x3  }
0x33: {  	p0 =	seq.s32 s10, $0x1;
	s10 =	sld [smem:$0x3FBA];
	_ =	sdelay $0x3  }
0x34: {  	[smem:$0x3FBA] =	sst s10  }
0x35: {  	s10 =	sld [smem:$0x3FB9];
	_ =	sdelay $0x3  }
0x36: {  	p1 =	seq.s32 s10, $0x1;
	s10 =	sld [smem:$0x3FBA];
	_ =	sdelay $0x3  }
0x37: {  	[smem:$0x3FBA] =	sst s10  }
0x38: {  	s10 =	sld [smem:$0x3FBB]  }
0x39: {  	_ = 	snop;
	(pc) =	sbr.ind lr, $3  }
0x3a: {  	_ = 	snop  }
0x3b: {  	_ = 	snop  }
0x3c: {  	p2 =	seq.s32 s10, $0x1;
	s10 =	sld [smem:$0x3FBA]  }
0x3d: {  	_ =	shalt  }
0x3e: {  	_ =	shalt  }
0x3f: {  	_ =	shalt  }
0x40: {  	_ =	shalt  }
0x41: {  	_ =	shalt  }
0x42: {  	_ =	shalt  }
0x43: {  	_ =	shalt  }
0x44: {  	_ =	shalt  }
0x45: {  	_ =	shalt  }
0x46: {  	_ =	shalt  }
0x47: {  	_ =	shalt  }
0x48: {  	_ =	shalt  }
0x49: {  	_ =	shalt  }
0x4a: {  	_ =	shalt  }
0x4b: {  	_ =	shalt  }
0x4c: {  	_ =	shalt  }
0x4d: {  	_ =	shalt  }
0x4e: {  	_ =	shalt  }
0x4f: {  	_ =	shalt  }
0x50: {  	_ =	shalt  }
0x51: {  	_ =	shalt  }
0x52: {  	_ =	shalt  }
0x53: {  	_ =	shalt  }
0x54: {  	_ =	shalt  }
0x55: {  	_ =	shalt  }
0x56: {  	_ =	shalt  }
0x57: {  	_ =	shalt  }
0x58: {  	_ =	shalt  }
0x59: {  	_ =	shalt  }
0x5a: {  	_ =	shalt  }
0x5b: {  	_ =	shalt  }
0x5c: {  	_ =	shalt  }
0x5d: {  	_ =	shalt  }
0x5e: {  	_ =	shalt  }
0x5f: {  	_ =	shalt  }
0x60: {  	_ =	shalt  }
0x61: {  	_ =	shalt  }
0x62: {  	_ =	shalt  }
0x63: {  	_ =	shalt  }
0x64: {  	_ =	shalt  }
0x65: {  	_ =	shalt  }
0x66: {  	_ =	shalt  }
0x67: {  	_ =	shalt  }
0x68: {  	_ =	shalt  }
0x69: {  	_ =	shalt  }
0x6a: {  	_ =	shalt  }
0x6b: {  	_ =	shalt  }
0x6c: {  	_ =	shalt  }
0x6d: {  	_ =	shalt  }
0x6e: {  	_ =	shalt  }
0x6f: {  	_ =	shalt  }
0x70: {  	_ =	shalt  }
0x71: {  	_ =	shalt  }
0x72: {  	_ =	shalt  }
0x73: {  	_ =	shalt  }
0x74: {  	_ =	shalt  }
0x75: {  	_ =	shalt  }
0x76: {  	_ =	shalt  }
0x77: {  	_ =	shalt  }
0x78: {  	_ =	shalt  }
0x79: {  	_ =	shalt  }
0x7a: {  	_ =	shalt  }
0x7b: {  	_ =	shalt  }
0x7c: {  	_ =	shalt  }
0x7d: {  	_ =	shalt  }
0x7e: {  	_ =	shalt  }
0x7f: {  	_ =	shalt  }
0x80: {  	_ =	shalt  }
0x81: {  	_ =	shalt  }
0x82: {  	_ =	shalt  }
0x83: {  	_ =	shalt  }
0x84: {  	_ =	shalt  }
0x85: {  	_ =	shalt  }
0x86: {  	_ =	shalt  }
0x87: {  	_ =	shalt  }
.Lfunc_end0:
.L_simem_size_0:
called_computation.1_lowered:
.L_overlay_start_0:
0x88: {  	s2 =	sld [smem:$0x3FD9]  }
0x89: {  	s3 =	sld [smem:$0x3FFE];
	_ =	sdelay $0x1  }
0x8a: {  	s1 =	srdreg.scid  }
0x8b: {  	s0 =	sand.u32 $0x1, s1  }
0x8c: {  	s14 =	sshll.u32 s0, $0xA;
	s2 =	sadd.s32 s3, s2  }
0x8d: {  	s2 =	sadd.s32 s2, s14  }
0x8e: {  	[smem:$0x3FC6] =	sst s2  }
0x8f: {  	_ = 	snop  }
0x90: {  	s2 =	sld [smem:$0x3FD0];
	_ =	sdelay $0x2  }
0x91: {  	s4 =	simm.s32 $0xA;
	s5 =	simm.s32 $0x10;
	s15 =	sld [smem:$0x3FC8]  }
0x92: {  	[smem:s5], [sflag:s4] =	dma.local [hbm:s2], $0x1  }
0x93: {  	_ =	swait.eq [sflag:s4], $0x1  }
0x94: {  	[sflag:s4] =	ssyncset.done $0x0  }
0x95: {  	[sflag:s4] =	ssyncadd.s32 $0xFFFFFFFF  }
0x96: {  	s16 =	sld [smem:$0x11];
	(tm) =	ssettm $0x1  }
0x97: {  	s17 =	sld [smem:$0x3FFB];
	_ =	sdelay $0x3  }
0x98: {  	_ =	strace s17  }
0x99: {  	s4 =	sld [smem:$0x3FFC];
	_ =	sdelay $0x3  }
0x9a: {  	_ =	strace s4  }
0x9b: {  	s4 =	sld [smem:$0x3FFD];
	_ =	sdelay $0x3  }
0x9c: {  	_ =	strace s4  }
0x9d: {  	_ =	strace $0x8FFFFFFF  }
0x9e: {  	s18 =	sld [smem:$0x3FDB];
	_ =	sdelay $0x1  }
0x9f: {  	s19 =	simm.s32 $_scs_section_size  }
0xa0: {  	s6 =	simm.s32 $_size__tile_overlayer_lowered;
	s7 =	simm.s32 $_tile_overlayer_lowered  }
0xa1: {  	s22 =	simm.s32 $0x1BFF;
	s21 =	sshll.u32 s7, $0x1;
	s4 =	sadd.s32 s19, s18  }
0xa2: {  	s8 =	simm.s32 $0x0;
	s20 =	sshll.u32 s6, $0x1;
	s6 =	sadd.s32 s21, s4  }
0xa3: {  	[timem:s8], [sflag:s22] =	dma.local [hbm:s6], s20  }
0xa4: {  	_ =	swait.ge [sflag:s22], s20  }
0xa5: {  	s5 =	ssub.s32 $0x0, s20;
	[sflag:s22] =	ssyncset.done $0x0  }
0xa6: {  	[sflag:s22] =	ssyncadd.s32 s5;
	_ =	sdelay $0x1  }
0xa7: {  	s23 =	simm.s32 $0x1B8B  }
0xa8: {  	_ =	swait.ge [sflag:s23], $0x1  }
0xa9: {  	[sflag:s23] =	ssyncset.done $0x0  }
0xaa: {  	s25 =	simm.s32 $0x1B8E;
	s24 =	sld [smem:$0x3FFE];
	[sflag:s23] =	ssyncadd.s32 $0xFFFFFFFF  }
0xab: {  	s26 =	simm.s32 $execute0_lowered;
	[smem:$0x3FD2] =	sst s25  }
0xac: {  	s6 =	sshll.u32 s26, $0x1;
	_ =	strace $0x80000046;
	[dreg:$0x1] =	wrdreg $0xFFFFFFFF  }
0xad: {  	s28 =	simm.s32 $_size_execute0_lowered;
	s4 =	sadd.s32 s4, s6;
	[dreg:$0x0] =	wrdreg $0x0  }
0xae: {  	s6 =	sshll.u32 s28, $0x1;
	[dreg:$0x2] =	wrdreg s4  }
0xaf: {  	[dreg:$0x3] =	wrdreg s6  }
0xb0: {  	[dreg:$0x4] =	wrdreg $0xC0  }
0xb1: {  	_ =	task [dreg:s8], $0x5FFFF  }
0xb2: {  	[dreg:$0x1] =	wrdreg $0xFFFFFFFF  }
0xb3: {  	[dreg:$0x0] =	wrdreg $0x60  }
0xb4: {  	[dreg:$0x2] =	wrdreg s15  }
0xb5: {  	[dreg:$0x3] =	wrdreg s24  }
0xb6: {  	[dreg:$0x4] =	wrdreg s16  }
0xb7: {  	[dreg:$0x5] =	wrdreg $0x9  }
0xb8: {  	_ =	task.clear_ibuf [dreg:s8], $0x6FFFF;
	_ =	strace $0x90000046  }
0xb9: {  	s29 =	simm.s32 $0x9;
	_ =	strace $0x80000048  }
0xba: {  	_ =	swait.ge [sflag:s29], $0x1  }
0xbb: {  	[sflag:s29] =	ssyncadd.s32 $0xFFFFFFFF  }
0xbc: {  	_ =	strace $0x90000048  }
0xbd: {  	_ =	sfence  }
0xbe: {  	s30 =	sld [smem:$0x0];
	_ =	sdelay $0x2  }
0xbf: {  	s31 =	sshll.u32 s1, $0xD;
	s1 =	sshrl.u32 s1, $0x2  }
0xc0: {  	s3 =	sand.u32 $0x4000, s31;
	s1 =	sadd.s32 s1, s30  }
0xc1: {  	s0 =	sor.u32 s3, s0;
	s1 =	sshll.u32 s1, $0x11  }
0xc2: {  	s0 =	sor.u32 s1, s0  }
0xc3: {  	s0 =	sadd.s32 $0x8F2B, s0  }
0xc4: {  	[sflag:s0] =	ssyncadd.remote.s32 $0x1  }
0xc5: {  	_ =	sfence.sel $0xFFFF  }
0xc6: {  	[dreg:$0x0] =	wrdreg $0xFFFFFFFF;
	(pc) =	sbr.abs _section_cstart, $3  }
0xc7: {  	[dreg:$0x1] =	wrdreg $0xFFFFFFFF  }
0xc8: {  	_ =	task.clear_ibuf [dreg:s8], $0x2FFFF;
	_ =	strace $0x9FFFFFFF  }
0xc9: {  	(tm) =	ssettm $0x7FFFFFFF  }
tec
execute0_lowered:
.L_overlay_start_1:
0x0: {  	(tag) =	ssettag $0x1  }
0x1: {  	s1 =	rddreg [dreg:$0x0]  }
0x2: {  	s0 =	rddreg [dreg:$0x1]  }
0x3: {  	s2 =	srdreg.scid;
	s4 =	stileid.u32  }
0x4: {  	s3 =	rddreg [dreg:$0x2];
	s15 =	simm.s32 $0x1000;
	s16 =	simm.s32 $0x7A1400  }
0x5: {  	s17 =	simm.s32 $0x4000;
	s18 =	simm.s32 $0x1;
	s19 =	simm.s32 $0x8000  }
0x6: {  	s20 =	simm.s32 $0xC200;
	s21 =	simm.s32 $0x5;
	s22 =	simm.s32 $0x2  }
0x7: {  	s23 =	simm.s32 $0x10200;
	s24 =	simm.s32 $0x6;
	s25 =	simm.s32 $0x3  }
0x8: {  	s26 =	simm.s32 $0x4;
	s30 =	simm.s32 $0x7;
	s2 =	sand.u32 $0x1, s2  }
0x9: {  	s5 =	sshll.u32 s4, $0x1;
	s4 =	simm.s32 $0x0;
	s7 =	sadd.s32 $0x1200, s0  }
0xa: {  	s11 =	sadd.s32 $0xF4200, s1;
	s31 =	sadd.s32 $0xF4200, s3;
	s0 =	sadd.s32 $0x3D1A00, s0  }
0xb: {  	s5 =	sor.u32 s2, s5;
	[smem:$0x7FF] =	sst s4;
	s2 =	ssub.s32 $0x2, s2  }
.Ltmp0:
0xc: {  	_ =	strace $0x80000047;
	[dreg:$0x4] =	wrdreg s11;
	(pc) =	sbr.rel .LBB2_1-.Ltmp0, $4  }
0xd: {  	s6 =	sshll.u32 s5, $0x9;
	s8 =	sshrl.u32 s2, $0x1;
	[dreg:$0x5] =	wrdreg s31  }
0xe: {  	s9 =	sor.u32 $0x40, s5;
	s10 =	sor.u32 $0x60, s5;
	[dreg:$0x6] =	wrdreg s0  }
0xf: {  	v0 =	vlaneseq.u32;
	p0 =	sne.s32 s5, $0x1F;
	s6 =	sadd.s32 s1, s6;
	s2 =	ssub.s32 s2, s8  }
0x10: {  	v0 =	vmul.u32 $0x21, v0;
	s8 =	sadd.s32 $0x4000, s6;
	s14 =	smax.u32 s2, $0x1;
	s2 =	simm.s32 $0x0  }
.LBB2_21:
0x11: {  	s2 =	sadd.s32 $0x1, s2  }
0x12: {  	p1 =	sne.s32 s2, s14  }
.Ltmp1:
0x13: {  	_ = 	snop;
	(pc) =	sbr.rel @!p1 .LBB2_22-.Ltmp1, $1  }
0x14: {  	_ =	sdelay $0x3  }
.LBB2_1:
.Ltmp2:
0x15: {  	(pc) =	sbr.rel .LBB2_2-.Ltmp2, $4  }
0x16: {  	_ = 	snop  }
0x17: {  	[tilespmem:s4], [sflag:$0x1] =	stream.strided.gather [hbm4b:s6+s15], $0x4000, s16, s15, $0x38;
	[tilespmem:$0x15A00] =	vst v63  }
0x18: {  	s0 =	simm.s32 $0x0  }
0x19: {  	[tilespmem:s17], [sflag:$0x2] =	stream.strided.gather [hbm4b:s8+s15], $0x4000, s16, s15, $0x38;
	[tilespmem:$0x15A00] =	vst v63  }
.LBB2_12:
0x1a: {  	s0 =	sadd.s32 $0x1, s0  }
0x1b: {  	p1 =	sne.s32 s0, $0x1F  }
.Ltmp3:
0x1c: {  	_ = 	snop;
	(pc) =	sbr.rel @!p1 .LBB2_13-.Ltmp3, $1  }
0x1d: {  	_ =	sdelay $0x3  }
.LBB2_2:
0x1e: {  	p1 =	seq.s32 s0, $0x0  }
0x1f: {  	s11 =	simm.s32 @!p1 $0x3  }
0x20: {  	_ =	swait.ge @!p1 [sflag:s11], $0x4000  }
0x21: {  	[sflag:s11] =	ssyncset.done @!p1 $0x0  }
0x22: {  	s31 =	sshll.u32 s0, $0x6;
	[sflag:s11] =	ssyncadd.s32 @!p1 $0xFFFFC000  }
0x23: {  	s28 =	sor.u32 s5, s31;
	_ =	swait.ge [sflag:s18], $0x4000  }
0x24: {  	s12 =	sshll.u32 s28, $0x9;
	[sflag:s18] =	ssyncset.done $0x0  }
0x25: {  	s11 =	sadd.s32 s3, s12;
	s12 =	simm.s32 $0x0;
	[sflag:s18] =	ssyncadd.s32 $0xFFFFC000  }
0x26: {  	[hbm4b:s11+s15] =	stream.strided.scatter [tilespmem:s12], [sflag:$0x5], $0x4000, s16, s15, $0x38;
	[tilespmem:$0x15A00] =	vst v63  }
0x27: {  	s13 =	sand.u32 $0x70, s12;
	s12 =	sand.u32 $0xFFFFFC00, s12  }
0x28: {  	s11 =	sor.u32 s13, s12  }
0x29: {  	v1 =	vld [tilespmem:s11+$0x0];
	_ =	sdelay $0x4  }
0x2a: {  	[tilespmem:v0+s19+$0x0] =	vst.idx.msk $0xffff, v1  }
0x2b: {  	v1 =	vadd.s32 $0x1, v0;
	v2 =	vld [tilespmem:s11+$0x80];
	_ =	sdelay $0x4  }
0x2c: {  	[tilespmem:v1+s19+$0x0] =	vst.idx.msk $0xffff, v2  }
0x2d: {  	v2 =	vadd.s32 $0x2, v0;
	v3 =	vld [tilespmem:s11+$0x100];
	_ =	sdelay $0x4  }
0x2e: {  	[tilespmem:v2+s19+$0x0] =	vst.idx.msk $0xffff, v3  }
0x2f: {  	v3 =	vadd.s32 $0x3, v0;
	v4 =	vld [tilespmem:s11+$0x180];
	_ =	sdelay $0x4  }
0x30: {  	[tilespmem:v3+s19+$0x0] =	vst.idx.msk $0xffff, v4  }
0x31: {  	v4 =	vadd.s32 $0x4, v0;
	v5 =	vld [tilespmem:s11+$0x200];
	_ =	sdelay $0x4  }
0x32: {  	[tilespmem:v4+s19+$0x0] =	vst.idx.msk $0xffff, v5  }
0x33: {  	v5 =	vadd.s32 $0x5, v0;
	v6 =	vld [tilespmem:s11+$0x280];
	_ =	sdelay $0x4  }
0x34: {  	[tilespmem:v5+s19+$0x0] =	vst.idx.msk $0xffff, v6  }
0x35: {  	v6 =	vadd.s32 $0x6, v0;
	v7 =	vld [tilespmem:s11+$0x300];
	_ =	sdelay $0x4  }
0x36: {  	[tilespmem:v6+s19+$0x0] =	vst.idx.msk $0xffff, v7  }
0x37: {  	v7 =	vadd.s32 $0x7, v0;
	v8 =	vld [tilespmem:s11+$0x380];
	_ =	sdelay $0x4  }
0x38: {  	[tilespmem:v7+s19+$0x0] =	vst.idx.msk $0xffff, v8  }
0x39: {  	v8 =	vadd.s32 $0x8, v0;
	v9 =	vld [tilespmem:s11+$0x1000];
	_ =	sdelay $0x4  }
0x3a: {  	[tilespmem:v8+s19+$0x0] =	vst.idx.msk $0xffff, v9  }
0x3b: {  	v9 =	vadd.s32 $0x9, v0;
	v10 =	vld [tilespmem:s11+$0x1080];
	_ =	sdelay $0x4  }
0x3c: {  	[tilespmem:v9+s19+$0x0] =	vst.idx.msk $0xffff, v10  }
0x3d: {  	v10 =	vadd.s32 $0xA, v0;
	v11 =	vld [tilespmem:s11+$0x1100];
	_ =	sdelay $0x4  }
0x3e: {  	[tilespmem:v10+s19+$0x0] =	vst.idx.msk $0xffff, v11  }
0x3f: {  	v11 =	vadd.s32 $0xB, v0;
	v12 =	vld [tilespmem:s11+$0x1180];
	_ =	sdelay $0x4  }
0x40: {  	[tilespmem:v11+s19+$0x0] =	vst.idx.msk $0xffff, v12  }
0x41: {  	v12 =	vadd.s32 $0xC, v0;
	v13 =	vld [tilespmem:s11+$0x1200];
	_ =	sdelay $0x4  }
0x42: {  	[tilespmem:v12+s19+$0x0] =	vst.idx.msk $0xffff, v13  }
0x43: {  	v13 =	vadd.s32 $0xD, v0;
	v14 =	vld [tilespmem:s11+$0x1280];
	_ =	sdelay $0x4  }
0x44: {  	[tilespmem:v13+s19+$0x0] =	vst.idx.msk $0xffff, v14  }
0x45: {  	v14 =	vadd.s32 $0xE, v0;
	v15 =	vld [tilespmem:s11+$0x1300];
	_ =	sdelay $0x4  }
0x46: {  	[tilespmem:v14+s19+$0x0] =	vst.idx.msk $0xffff, v15  }
0x47: {  	v15 =	vadd.s32 $0xF, v0;
	v16 =	vld [tilespmem:s11+$0x1380];
	_ =	sdelay $0x4  }
0x48: {  	[tilespmem:v15+s19+$0x0] =	vst.idx.msk $0xffff, v16  }
0x49: {  	v16 =	vadd.s32 $0x10, v0;
	v17 =	vld [tilespmem:s11+$0x2000];
	_ =	sdelay $0x4  }
0x4a: {  	[tilespmem:v16+s19+$0x0] =	vst.idx.msk $0xffff, v17  }
0x4b: {  	v17 =	vadd.s32 $0x11, v0;
	v18 =	vld [tilespmem:s11+$0x2080];
	_ =	sdelay $0x4  }
0x4c: {  	[tilespmem:v17+s19+$0x0] =	vst.idx.msk $0xffff, v18  }
0x4d: {  	v18 =	vadd.s32 $0x12, v0;
	v19 =	vld [tilespmem:s11+$0x2100];
	_ =	sdelay $0x4  }
0x4e: {  	[tilespmem:v18+s19+$0x0] =	vst.idx.msk $0xffff, v19  }
0x4f: {  	v19 =	vadd.s32 $0x13, v0;
	v20 =	vld [tilespmem:s11+$0x2180];
	_ =	sdelay $0x4  }
0x50: {  	[tilespmem:v19+s19+$0x0] =	vst.idx.msk $0xffff, v20  }
0x51: {  	v20 =	vadd.s32 $0x14, v0;
	v21 =	vld [tilespmem:s11+$0x2200];
	_ =	sdelay $0x4  }
0x52: {  	[tilespmem:v20+s19+$0x0] =	vst.idx.msk $0xffff, v21  }
0x53: {  	v21 =	vadd.s32 $0x15, v0;
	v22 =	vld [tilespmem:s11+$0x2280];
	_ =	sdelay $0x4  }
0x54: {  	[tilespmem:v21+s19+$0x0] =	vst.idx.msk $0xffff, v22  }
0x55: {  	v22 =	vadd.s32 $0x16, v0;
	v23 =	vld [tilespmem:s11+$0x2300];
	_ =	sdelay $0x4  }
0x56: {  	[tilespmem:v22+s19+$0x0] =	vst.idx.msk $0xffff, v23  }
0x57: {  	v23 =	vadd.s32 $0x17, v0;
	v24 =	vld [tilespmem:s11+$0x2380];
	_ =	sdelay $0x4  }
0x58: {  	[tilespmem:v23+s19+$0x0] =	vst.idx.msk $0xffff, v24  }
0x59: {  	v24 =	vadd.s32 $0x18, v0;
	v25 =	vld [tilespmem:s11+$0x3000];
	_ =	sdelay $0x4  }
0x5a: {  	[tilespmem:v24+s19+$0x0] =	vst.idx.msk $0xffff, v25  }
0x5b: {  	v25 =	vadd.s32 $0x19, v0;
	v26 =	vld [tilespmem:s11+$0x3080];
	_ =	sdelay $0x4  }
0x5c: {  	[tilespmem:v25+s19+$0x0] =	vst.idx.msk $0xffff, v26  }
0x5d: {  	v26 =	vadd.s32 $0x1A, v0;
	v27 =	vld [tilespmem:s11+$0x3100];
	_ =	sdelay $0x4  }
0x5e: {  	[tilespmem:v26+s19+$0x0] =	vst.idx.msk $0xffff, v27  }
0x5f: {  	v27 =	vadd.s32 $0x1B, v0;
	v28 =	vld [tilespmem:s11+$0x3180];
	_ =	sdelay $0x4  }
0x60: {  	[tilespmem:v27+s19+$0x0] =	vst.idx.msk $0xffff, v28  }
0x61: {  	v28 =	vadd.s32 $0x1C, v0;
	v29 =	vld [tilespmem:s11+$0x3200];
	_ =	sdelay $0x4  }
0x62: {  	[tilespmem:v28+s19+$0x0] =	vst.idx.msk $0xffff, v29  }
0x63: {  	v29 =	vadd.s32 $0x1D, v0;
	v30 =	vld [tilespmem:s11+$0x3280];
	_ =	sdelay $0x4  }
0x64: {  	[tilespmem:v29+s19+$0x0] =	vst.idx.msk $0xffff, v30  }
0x65: {  	v30 =	vadd.s32 $0x1E, v0;
	v31 =	vld [tilespmem:s11+$0x3300];
	_ =	sdelay $0x4  }
0x66: {  	[tilespmem:v30+s19+$0x0] =	vst.idx.msk $0xffff, v31  }
0x67: {  	v32 =	vadd.s32 $0x1F, v0;
	v33 =	vld [tilespmem:s11+$0x3380];
	_ =	sdelay $0x2  }
0x68: {  	s29 =	simm.s32 $0x80;
	s13 =	simm.s32 $0x10  }
0x69: {  	s12 =	sand.u32 $0x70, s13;
	s13 =	sand.u32 $0xFFFFFC00, s29;
	v31 =	vmov v0;
	s11 =	simm.s32 $0x20  }
.LBB2_3:
0x6a: {  	p2 =	sne.s32 s11, $0x1F0;
	s12 =	sor.u32 s12, s13;
	[tilespmem:v32+s19+$0x0] =	vst.idx.msk $0xffff, v33  }
0x6b: {  	v31 =	vadd.s32 $0x210, v31;
	v32 =	vld [tilespmem:s12+$0x0];
	_ =	sdelay $0x4  }
0x6c: {  	[tilespmem:v31+s19+$0x0] =	vst.idx.msk $0xffff, v32  }
0x6d: {  	v32 =	vadd.s32 $0x1, v31;
	v33 =	vld [tilespmem:s12+$0x80];
	_ =	sdelay $0x4  }
0x6e: {  	[tilespmem:v32+s19+$0x0] =	vst.idx.msk $0xffff, v33  }
0x6f: {  	v32 =	vadd.s32 $0x2, v31;
	v33 =	vld [tilespmem:s12+$0x100];
	_ =	sdelay $0x4  }
0x70: {  	[tilespmem:v32+s19+$0x0] =	vst.idx.msk $0xffff, v33  }
0x71: {  	v32 =	vadd.s32 $0x3, v31;
	v33 =	vld [tilespmem:s12+$0x180];
	_ =	sdelay $0x4  }
0x72: {  	[tilespmem:v32+s19+$0x0] =	vst.idx.msk $0xffff, v33  }
0x73: {  	v32 =	vadd.s32 $0x4, v31;
	v33 =	vld [tilespmem:s12+$0x200];
	_ =	sdelay $0x4  }
0x74: {  	[tilespmem:v32+s19+$0x0] =	vst.idx.msk $0xffff, v33  }
0x75: {  	v32 =	vadd.s32 $0x5, v31;
	v33 =	vld [tilespmem:s12+$0x280];
	_ =	sdelay $0x4  }
0x76: {  	[tilespmem:v32+s19+$0x0] =	vst.idx.msk $0xffff, v33  }
0x77: {  	v32 =	vadd.s32 $0x6, v31;
	v33 =	vld [tilespmem:s12+$0x300];
	_ =	sdelay $0x4  }
0x78: {  	[tilespmem:v32+s19+$0x0] =	vst.idx.msk $0xffff, v33  }
0x79: {  	v32 =	vadd.s32 $0x7, v31;
	v33 =	vld [tilespmem:s12+$0x380];
	_ =	sdelay $0x4  }
0x7a: {  	[tilespmem:v32+s19+$0x0] =	vst.idx.msk $0xffff, v33  }
0x7b: {  	v32 =	vadd.s32 $0x8, v31;
	v33 =	vld [tilespmem:s12+$0x1000];
	_ =	sdelay $0x4  }
0x7c: {  	[tilespmem:v32+s19+$0x0] =	vst.idx.msk $0xffff, v33  }
0x7d: {  	v32 =	vadd.s32 $0x9, v31;
	v33 =	vld [tilespmem:s12+$0x1080];
	_ =	sdelay $0x4  }
0x7e: {  	[tilespmem:v32+s19+$0x0] =	vst.idx.msk $0xffff, v33  }
0x7f: {  	v32 =	vadd.s32 $0xA, v31;
	v33 =	vld [tilespmem:s12+$0x1100];
	_ =	sdelay $0x4  }
0x80: {  	[tilespmem:v32+s19+$0x0] =	vst.idx.msk $0xffff, v33  }
0x81: {  	v32 =	vadd.s32 $0xB, v31;
	v33 =	vld [tilespmem:s12+$0x1180];
	_ =	sdelay $0x4  }
0x82: {  	[tilespmem:v32+s19+$0x0] =	vst.idx.msk $0xffff, v33  }
0x83: {  	v32 =	vadd.s32 $0xC, v31;
	v33 =	vld [tilespmem:s12+$0x1200];
	_ =	sdelay $0x4  }
0x84: {  	[tilespmem:v32+s19+$0x0] =	vst.idx.msk $0xffff, v33  }
0x85: {  	v32 =	vadd.s32 $0xD, v31;
	v33 =	vld [tilespmem:s12+$0x1280];
	_ =	sdelay $0x4  }
0x86: {  	[tilespmem:v32+s19+$0x0] =	vst.idx.msk $0xffff, v33  }
0x87: {  	v32 =	vadd.s32 $0xE, v31;
	v33 =	vld [tilespmem:s12+$0x1300];
	_ =	sdelay $0x4  }
0x88: {  	[tilespmem:v32+s19+$0x0] =	vst.idx.msk $0xffff, v33  }
0x89: {  	v32 =	vadd.s32 $0xF, v31;
	v33 =	vld [tilespmem:s12+$0x1380];
	_ =	sdelay $0x4  }
0x8a: {  	[tilespmem:v32+s19+$0x0] =	vst.idx.msk $0xffff, v33  }
0x8b: {  	v32 =	vadd.s32 $0x10, v31;
	v33 =	vld [tilespmem:s12+$0x2000];
	_ =	sdelay $0x4  }
0x8c: {  	[tilespmem:v32+s19+$0x0] =	vst.idx.msk $0xffff, v33  }
0x8d: {  	v32 =	vadd.s32 $0x11, v31;
	v33 =	vld [tilespmem:s12+$0x2080];
	_ =	sdelay $0x4  }
0x8e: {  	[tilespmem:v32+s19+$0x0] =	vst.idx.msk $0xffff, v33  }
0x8f: {  	v32 =	vadd.s32 $0x12, v31;
	v33 =	vld [tilespmem:s12+$0x2100];
	_ =	sdelay $0x4  }
0x90: {  	[tilespmem:v32+s19+$0x0] =	vst.idx.msk $0xffff, v33  }
0x91: {  	v32 =	vadd.s32 $0x13, v31;
	v33 =	vld [tilespmem:s12+$0x2180];
	_ =	sdelay $0x4  }
0x92: {  	[tilespmem:v32+s19+$0x0] =	vst.idx.msk $0xffff, v33  }
0x93: {  	v32 =	vadd.s32 $0x14, v31;
	v33 =	vld [tilespmem:s12+$0x2200];
	_ =	sdelay $0x4  }
0x94: {  	[tilespmem:v32+s19+$0x0] =	vst.idx.msk $0xffff, v33  }
0x95: {  	v32 =	vadd.s32 $0x15, v31;
	v33 =	vld [tilespmem:s12+$0x2280];
	_ =	sdelay $0x4  }
0x96: {  	[tilespmem:v32+s19+$0x0] =	vst.idx.msk $0xffff, v33  }
0x97: {  	v32 =	vadd.s32 $0x16, v31;
	v33 =	vld [tilespmem:s12+$0x2300];
	_ =	sdelay $0x4  }
0x98: {  	[tilespmem:v32+s19+$0x0] =	vst.idx.msk $0xffff, v33  }
0x99: {  	v32 =	vadd.s32 $0x17, v31;
	v33 =	vld [tilespmem:s12+$0x2380];
	_ =	sdelay $0x4  }
0x9a: {  	[tilespmem:v32+s19+$0x0] =	vst.idx.msk $0xffff, v33  }
0x9b: {  	v32 =	vadd.s32 $0x18, v31;
	v33 =	vld [tilespmem:s12+$0x3000];
	_ =	sdelay $0x4  }
0x9c: {  	[tilespmem:v32+s19+$0x0] =	vst.idx.msk $0xffff, v33  }
0x9d: {  	v32 =	vadd.s32 $0x19, v31;
	v33 =	vld [tilespmem:s12+$0x3080];
	_ =	sdelay $0x4  }
0x9e: {  	[tilespmem:v32+s19+$0x0] =	vst.idx.msk $0xffff, v33  }
0x9f: {  	v32 =	vadd.s32 $0x1A, v31;
	v33 =	vld [tilespmem:s12+$0x3100];
	_ =	sdelay $0x4  }
0xa0: {  	[tilespmem:v32+s19+$0x0] =	vst.idx.msk $0xffff, v33  }
0xa1: {  	v32 =	vadd.s32 $0x1B, v31;
	v33 =	vld [tilespmem:s12+$0x3180];
	_ =	sdelay $0x4  }
0xa2: {  	[tilespmem:v32+s19+$0x0] =	vst.idx.msk $0xffff, v33  }
0xa3: {  	v32 =	vadd.s32 $0x1C, v31;
	v33 =	vld [tilespmem:s12+$0x3200];
	_ =	sdelay $0x4  }
0xa4: {  	[tilespmem:v32+s19+$0x0] =	vst.idx.msk $0xffff, v33  }
0xa5: {  	v32 =	vadd.s32 $0x1D, v31;
	v33 =	vld [tilespmem:s12+$0x3280];
	_ =	sdelay $0x4  }
0xa6: {  	[tilespmem:v32+s19+$0x0] =	vst.idx.msk $0xffff, v33  }
0xa7: {  	v32 =	vadd.s32 $0x1E, v31;
	v33 =	vld [tilespmem:s12+$0x3300];
	_ =	sdelay $0x4  }
0xa8: {  	[tilespmem:v32+s19+$0x0] =	vst.idx.msk $0xffff, v33  }
.Ltmp4:
0xa9: {  	v32 =	vadd.s32 $0x1F, v31;
	v33 =	vld [tilespmem:s12+$0x3380];
	(pc) =	sbr.rel @p2 .LBB2_3-.Ltmp4, $3  }
0xaa: {  	_ =	sdelay $0x1  }
0xab: {  	s29 =	sadd.s32 $0x80, s29  }
0xac: {  	s13 =	sand.u32 $0xFFFFFC00, s29;
	s12 =	sand.u32 $0x70, s11;
	s11 =	sadd.s32 $0x10, s11  }
0xad: {  	_ =	sdelay $0x3  }
0xae: {  	s11 =	sor.u32 s12, s13;
	[tilespmem:v32+s19+$0x0] =	vst.idx.msk $0xffff, v33  }
0xaf: {  	v31 =	vadd.s32 $0x210, v31;
	v32 =	vld [tilespmem:s11+$0x0];
	_ =	sdelay $0x4  }
0xb0: {  	[tilespmem:v31+s19+$0x0] =	vst.idx.msk $0xffff, v32  }
0xb1: {  	v62 =	vadd.s32 $0x1, v31;
	v33 =	vld [tilespmem:s11+$0x80];
	_ =	sdelay $0x4  }
0xb2: {  	[tilespmem:v62+s19+$0x0] =	vst.idx.msk $0xffff, v33  }
0xb3: {  	v63 =	vadd.s32 $0x2, v31;
	v33 =	vld [tilespmem:s11+$0x100];
	_ =	sdelay $0x4  }
0xb4: {  	[tilespmem:v63+s19+$0x0] =	vst.idx.msk $0xffff, v33  }
0xb5: {  	v36 =	vadd.s32 $0x3, v31;
	v33 =	vld [tilespmem:s11+$0x180];
	_ =	sdelay $0x4  }
0xb6: {  	[tilespmem:v36+s19+$0x0] =	vst.idx.msk $0xffff, v33  }
0xb7: {  	v37 =	vadd.s32 $0x4, v31;
	v33 =	vld [tilespmem:s11+$0x200];
	_ =	sdelay $0x4  }
0xb8: {  	[tilespmem:v37+s19+$0x0] =	vst.idx.msk $0xffff, v33  }
0xb9: {  	v38 =	vadd.s32 $0x5, v31;
	v33 =	vld [tilespmem:s11+$0x280];
	_ =	sdelay $0x4  }
0xba: {  	[tilespmem:v38+s19+$0x0] =	vst.idx.msk $0xffff, v33  }
0xbb: {  	v39 =	vadd.s32 $0x6, v31;
	v33 =	vld [tilespmem:s11+$0x300];
	_ =	sdelay $0x4  }
0xbc: {  	[tilespmem:v39+s19+$0x0] =	vst.idx.msk $0xffff, v33  }
0xbd: {  	v40 =	vadd.s32 $0x7, v31;
	v33 =	vld [tilespmem:s11+$0x380];
	_ =	sdelay $0x4  }
0xbe: {  	[tilespmem:v40+s19+$0x0] =	vst.idx.msk $0xffff, v33  }
0xbf: {  	v41 =	vadd.s32 $0x8, v31;
	v33 =	vld [tilespmem:s11+$0x1000];
	_ =	sdelay $0x4  }
0xc0: {  	[tilespmem:v41+s19+$0x0] =	vst.idx.msk $0xffff, v33  }
0xc1: {  	v42 =	vadd.s32 $0x9, v31;
	v33 =	vld [tilespmem:s11+$0x1080];
	_ =	sdelay $0x4  }
0xc2: {  	[tilespmem:v42+s19+$0x0] =	vst.idx.msk $0xffff, v33  }
0xc3: {  	v43 =	vadd.s32 $0xA, v31;
	v33 =	vld [tilespmem:s11+$0x1100];
	_ =	sdelay $0x4  }
0xc4: {  	[tilespmem:v43+s19+$0x0] =	vst.idx.msk $0xffff, v33  }
0xc5: {  	v44 =	vadd.s32 $0xB, v31;
	v33 =	vld [tilespmem:s11+$0x1180];
	_ =	sdelay $0x4  }
0xc6: {  	[tilespmem:v44+s19+$0x0] =	vst.idx.msk $0xffff, v33  }
0xc7: {  	v45 =	vadd.s32 $0xC, v31;
	v33 =	vld [tilespmem:s11+$0x1200];
	_ =	sdelay $0x4  }
0xc8: {  	[tilespmem:v45+s19+$0x0] =	vst.idx.msk $0xffff, v33  }
0xc9: {  	v46 =	vadd.s32 $0xD, v31;
	v33 =	vld [tilespmem:s11+$0x1280];
	_ =	sdelay $0x4  }
0xca: {  	[tilespmem:v46+s19+$0x0] =	vst.idx.msk $0xffff, v33  }
0xcb: {  	v47 =	vadd.s32 $0xE, v31;
	v33 =	vld [tilespmem:s11+$0x1300];
	_ =	sdelay $0x4  }
0xcc: {  	[tilespmem:v47+s19+$0x0] =	vst.idx.msk $0xffff, v33  }
0xcd: {  	v48 =	vadd.s32 $0xF, v31;
	v33 =	vld [tilespmem:s11+$0x1380];
	_ =	sdelay $0x4  }
0xce: {  	[tilespmem:v48+s19+$0x0] =	vst.idx.msk $0xffff, v33  }
0xcf: {  	v49 =	vadd.s32 $0x10, v31;
	v33 =	vld [tilespmem:s11+$0x2000];
	_ =	sdelay $0x4  }
0xd0: {  	[tilespmem:v49+s19+$0x0] =	vst.idx.msk $0xffff, v33  }
0xd1: {  	v50 =	vadd.s32 $0x11, v31;
	v33 =	vld [tilespmem:s11+$0x2080];
	_ =	sdelay $0x4  }
0xd2: {  	[tilespmem:v50+s19+$0x0] =	vst.idx.msk $0xffff, v33  }
0xd3: {  	v51 =	vadd.s32 $0x12, v31;
	v33 =	vld [tilespmem:s11+$0x2100];
	_ =	sdelay $0x4  }
0xd4: {  	[tilespmem:v51+s19+$0x0] =	vst.idx.msk $0xffff, v33  }
0xd5: {  	v52 =	vadd.s32 $0x13, v31;
	v33 =	vld [tilespmem:s11+$0x2180];
	_ =	sdelay $0x4  }
0xd6: {  	[tilespmem:v52+s19+$0x0] =	vst.idx.msk $0xffff, v33  }
0xd7: {  	v53 =	vadd.s32 $0x14, v31;
	v33 =	vld [tilespmem:s11+$0x2200];
	_ =	sdelay $0x4  }
0xd8: {  	[tilespmem:v53+s19+$0x0] =	vst.idx.msk $0xffff, v33  }
0xd9: {  	v54 =	vadd.s32 $0x15, v31;
	v33 =	vld [tilespmem:s11+$0x2280];
	_ =	sdelay $0x4  }
0xda: {  	[tilespmem:v54+s19+$0x0] =	vst.idx.msk $0xffff, v33  }
0xdb: {  	v55 =	vadd.s32 $0x16, v31;
	v33 =	vld [tilespmem:s11+$0x2300];
	_ =	sdelay $0x4  }
0xdc: {  	[tilespmem:v55+s19+$0x0] =	vst.idx.msk $0xffff, v33  }
0xdd: {  	v56 =	vadd.s32 $0x17, v31;
	v33 =	vld [tilespmem:s11+$0x2380];
	_ =	sdelay $0x4  }
0xde: {  	[tilespmem:v56+s19+$0x0] =	vst.idx.msk $0xffff, v33  }
0xdf: {  	v57 =	vadd.s32 $0x18, v31;
	v33 =	vld [tilespmem:s11+$0x3000];
	_ =	sdelay $0x4  }
0xe0: {  	[tilespmem:v57+s19+$0x0] =	vst.idx.msk $0xffff, v33  }
0xe1: {  	v58 =	vadd.s32 $0x19, v31;
	v33 =	vld [tilespmem:s11+$0x3080];
	_ =	sdelay $0x4  }
0xe2: {  	[tilespmem:v58+s19+$0x0] =	vst.idx.msk $0xffff, v33  }
0xe3: {  	v59 =	vadd.s32 $0x1A, v31;
	v33 =	vld [tilespmem:s11+$0x3100];
	_ =	sdelay $0x4  }
0xe4: {  	[tilespmem:v59+s19+$0x0] =	vst.idx.msk $0xffff, v33  }
0xe5: {  	v60 =	vadd.s32 $0x1B, v31;
	v33 =	vld [tilespmem:s11+$0x3180];
	_ =	sdelay $0x4  }
0xe6: {  	[tilespmem:v60+s19+$0x0] =	vst.idx.msk $0xffff, v33  }
0xe7: {  	v61 =	vadd.s32 $0x1C, v31;
	v33 =	vld [tilespmem:s11+$0x3200];
	_ =	sdelay $0x4  }
0xe8: {  	[tilespmem:v61+s19+$0x0] =	vst.idx.msk $0xffff, v33  }
0xe9: {  	v62 =	vadd.s32 $0x1D, v31;
	v33 =	vld [tilespmem:s11+$0x3280];
	_ =	sdelay $0x4  }
0xea: {  	[tilespmem:v62+s19+$0x0] =	vst.idx.msk $0xffff, v33  }
0xeb: {  	v63 =	vadd.s32 $0x1E, v31;
	v33 =	vld [tilespmem:s11+$0x3300];
	_ =	sdelay $0x4  }
0xec: {  	[tilespmem:v63+s19+$0x0] =	vst.idx.msk $0xffff, v33  }
0xed: {  	v31 =	vadd.s32 $0x1F, v31;
	v32 =	vld [tilespmem:s11+$0x3380];
	_ =	sdelay $0x4  }
0xee: {  	s13 =	simm.s32 $0x8108;
	[tilespmem:v31+s19+$0x0] =	vst.idx.msk $0xffff, v32  }
0xef: {  	v31 =	vld [tilespmem:s13+$0xFFFFFEF8];
	_ =	sdelay $0x3  }
0xf0: {  	s29 =	simm.s32 $0xC300  }
0xf1: {  	[tilespmem:s29+$0xFFFFFF00] =	vst v31  }
0xf2: {  	v31 =	vld [tilespmem:s13+$0xFFFFFF08];
	_ =	sdelay $0x4  }
0xf3: {  	[tilespmem:s29+$0xFFFFFF10] =	vst v31  }
0xf4: {  	v31 =	vld [tilespmem:s13+$0xFFFFFF19];
	_ =	sdelay $0x4  }
0xf5: {  	[tilespmem:s29+$0xFFFFFF20] =	vst v31  }
0xf6: {  	v31 =	vld [tilespmem:s13+$0xFFFFFF29];
	_ =	sdelay $0x4  }
0xf7: {  	[tilespmem:s29+$0xFFFFFF30] =	vst v31  }
0xf8: {  	v31 =	vld [tilespmem:s13+$0xFFFFFF3A];
	_ =	sdelay $0x4  }
0xf9: {  	[tilespmem:s29+$0xFFFFFF40] =	vst v31  }
0xfa: {  	v31 =	vld [tilespmem:s13+$0xFFFFFF4A];
	_ =	sdelay $0x4  }
0xfb: {  	[tilespmem:s29+$0xFFFFFF50] =	vst v31  }
0xfc: {  	v31 =	vld [tilespmem:s13+$0xFFFFFF5B];
	_ =	sdelay $0x4  }
0xfd: {  	[tilespmem:s29+$0xFFFFFF60] =	vst v31  }
0xfe: {  	v31 =	vld [tilespmem:s13+$0xFFFFFF6B];
	_ =	sdelay $0x4  }
0xff: {  	[tilespmem:s29+$0xFFFFFF70] =	vst v31  }
0x100: {  	v31 =	vld [tilespmem:s13+$0xFFFFFF7C];
	_ =	sdelay $0x4  }
0x101: {  	[tilespmem:s29+$0xFFFFFF80] =	vst v31  }
0x102: {  	v31 =	vld [tilespmem:s13+$0xFFFFFF8C];
	_ =	sdelay $0x4  }
0x103: {  	[tilespmem:s29+$0xFFFFFF90] =	vst v31  }
0x104: {  	v31 =	vld [tilespmem:s13+$0xFFFFFF9D];
	_ =	sdelay $0x4  }
0x105: {  	[tilespmem:s29+$0xFFFFFFA0] =	vst v31  }
0x106: {  	v31 =	vld [tilespmem:s13+$0xFFFFFFAD];
	_ =	sdelay $0x4  }
0x107: {  	[tilespmem:s29+$0xFFFFFFB0] =	vst v31  }
0x108: {  	v31 =	vld [tilespmem:s13+$0xFFFFFFBE];
	_ =	sdelay $0x4  }
0x109: {  	[tilespmem:s29+$0xFFFFFFC0] =	vst v31  }
0x10a: {  	v31 =	vld [tilespmem:s13+$0xFFFFFFCE];
	_ =	sdelay $0x4  }
0x10b: {  	[tilespmem:s29+$0xFFFFFFD0] =	vst v31  }
0x10c: {  	v31 =	vld [tilespmem:s13+$0xFFFFFFDF];
	_ =	sdelay $0x4  }
0x10d: {  	[tilespmem:s29+$0xFFFFFFE0] =	vst v31  }
0x10e: {  	v31 =	vld [tilespmem:s13+$0xFFFFFFEF];
	_ =	sdelay $0x4  }
0x10f: {  	[tilespmem:s29+$0xFFFFFFF0] =	vst v31  }
0x110: {  	v31 =	vld [tilespmem:s13+$0x0];
	_ =	sdelay $0x4  }
0x111: {  	[tilespmem:s29+$0x0] =	vst v31  }
0x112: {  	v31 =	vld [tilespmem:s13+$0x10];
	_ =	sdelay $0x4  }
0x113: {  	[tilespmem:s29+$0x10] =	vst v31  }
0x114: {  	v31 =	vld [tilespmem:s13+$0x21];
	_ =	sdelay $0x4  }
0x115: {  	[tilespmem:s29+$0x20] =	vst v31  }
0x116: {  	v31 =	vld [tilespmem:s13+$0x31];
	_ =	sdelay $0x4  }
0x117: {  	[tilespmem:s29+$0x30] =	vst v31  }
0x118: {  	v31 =	vld [tilespmem:s13+$0x42];
	_ =	sdelay $0x4  }
0x119: {  	[tilespmem:s29+$0x40] =	vst v31  }
0x11a: {  	v31 =	vld [tilespmem:s13+$0x52];
	_ =	sdelay $0x4  }
0x11b: {  	[tilespmem:s29+$0x50] =	vst v31  }
0x11c: {  	v31 =	vld [tilespmem:s13+$0x63];
	_ =	sdelay $0x4  }
0x11d: {  	[tilespmem:s29+$0x60] =	vst v31  }
0x11e: {  	v31 =	vld [tilespmem:s13+$0x73];
	_ =	sdelay $0x4  }
0x11f: {  	[tilespmem:s29+$0x70] =	vst v31  }
0x120: {  	v31 =	vld [tilespmem:s13+$0x84];
	_ =	sdelay $0x4  }
0x121: {  	[tilespmem:s29+$0x80] =	vst v31  }
0x122: {  	v31 =	vld [tilespmem:s13+$0x94];
	_ =	sdelay $0x4  }
0x123: {  	[tilespmem:s29+$0x90] =	vst v31  }
0x124: {  	v31 =	vld [tilespmem:s13+$0xA5];
	_ =	sdelay $0x4  }
0x125: {  	[tilespmem:s29+$0xA0] =	vst v31  }
0x126: {  	v31 =	vld [tilespmem:s13+$0xB5];
	_ =	sdelay $0x4  }
0x127: {  	[tilespmem:s29+$0xB0] =	vst v31  }
0x128: {  	v31 =	vld [tilespmem:s13+$0xC6];
	_ =	sdelay $0x4  }
0x129: {  	[tilespmem:s29+$0xC0] =	vst v31  }
0x12a: {  	v31 =	vld [tilespmem:s13+$0xD6];
	_ =	sdelay $0x4  }
0x12b: {  	[tilespmem:s29+$0xD0] =	vst v31  }
0x12c: {  	v31 =	vld [tilespmem:s13+$0xE7];
	_ =	sdelay $0x4  }
0x12d: {  	[tilespmem:s29+$0xE0] =	vst v31  }
0x12e: {  	v31 =	vld [tilespmem:s13+$0xF7];
	_ =	sdelay $0x4  }
0x12f: {  	s12 =	simm.s32 $0x8318;
	s11 =	simm.s32 $0x0;
	[tilespmem:s29+$0xF0] =	vst v31  }
.LBB2_5:
0x130: {  	v31 =	vld [tilespmem:s12+$0xFFFFFEF8];
	s11 =	sadd.s32 $0x10, s11  }
0x131: {  	p2 =	slt.u32 s11, $0x1F0;
	_ =	sdelay $0x2  }
0x132: {  	s29 =	sadd.s32 $0x200, s29  }
0x133: {  	[tilespmem:s29+$0xFFFFFF00] =	vst v31  }
0x134: {  	v31 =	vld [tilespmem:s12+$0xFFFFFF08];
	_ =	sdelay $0x4  }
0x135: {  	[tilespmem:s29+$0xFFFFFF10] =	vst v31  }
0x136: {  	v31 =	vld [tilespmem:s12+$0xFFFFFF19];
	_ =	sdelay $0x4  }
0x137: {  	[tilespmem:s29+$0xFFFFFF20] =	vst v31  }
0x138: {  	v31 =	vld [tilespmem:s12+$0xFFFFFF29];
	_ =	sdelay $0x4  }
0x139: {  	[tilespmem:s29+$0xFFFFFF30] =	vst v31  }
0x13a: {  	v31 =	vld [tilespmem:s12+$0xFFFFFF3A];
	_ =	sdelay $0x4  }
0x13b: {  	[tilespmem:s29+$0xFFFFFF40] =	vst v31  }
0x13c: {  	v31 =	vld [tilespmem:s12+$0xFFFFFF4A];
	_ =	sdelay $0x4  }
0x13d: {  	[tilespmem:s29+$0xFFFFFF50] =	vst v31  }
0x13e: {  	v31 =	vld [tilespmem:s12+$0xFFFFFF5B];
	_ =	sdelay $0x4  }
0x13f: {  	[tilespmem:s29+$0xFFFFFF60] =	vst v31  }
0x140: {  	v31 =	vld [tilespmem:s12+$0xFFFFFF6B];
	_ =	sdelay $0x4  }
0x141: {  	[tilespmem:s29+$0xFFFFFF70] =	vst v31  }
0x142: {  	v31 =	vld [tilespmem:s12+$0xFFFFFF7C];
	_ =	sdelay $0x4  }
0x143: {  	[tilespmem:s29+$0xFFFFFF80] =	vst v31  }
0x144: {  	v31 =	vld [tilespmem:s12+$0xFFFFFF8C];
	_ =	sdelay $0x4  }
0x145: {  	[tilespmem:s29+$0xFFFFFF90] =	vst v31  }
0x146: {  	v31 =	vld [tilespmem:s12+$0xFFFFFF9D];
	_ =	sdelay $0x4  }
0x147: {  	[tilespmem:s29+$0xFFFFFFA0] =	vst v31  }
0x148: {  	v31 =	vld [tilespmem:s12+$0xFFFFFFAD];
	_ =	sdelay $0x4  }
0x149: {  	[tilespmem:s29+$0xFFFFFFB0] =	vst v31  }
0x14a: {  	v31 =	vld [tilespmem:s12+$0xFFFFFFBE];
	_ =	sdelay $0x4  }
0x14b: {  	[tilespmem:s29+$0xFFFFFFC0] =	vst v31  }
0x14c: {  	v31 =	vld [tilespmem:s12+$0xFFFFFFCE];
	_ =	sdelay $0x4  }
0x14d: {  	[tilespmem:s29+$0xFFFFFFD0] =	vst v31  }
0x14e: {  	v31 =	vld [tilespmem:s12+$0xFFFFFFDF];
	_ =	sdelay $0x4  }
0x14f: {  	[tilespmem:s29+$0xFFFFFFE0] =	vst v31  }
0x150: {  	v31 =	vld [tilespmem:s12+$0xFFFFFFEF];
	_ =	sdelay $0x4  }
0x151: {  	[tilespmem:s29+$0xFFFFFFF0] =	vst v31  }
0x152: {  	v31 =	vld [tilespmem:s12+$0x0];
	_ =	sdelay $0x4  }
0x153: {  	[tilespmem:s29+$0x0] =	vst v31  }
0x154: {  	v31 =	vld [tilespmem:s12+$0x10];
	_ =	sdelay $0x4  }
0x155: {  	[tilespmem:s29+$0x10] =	vst v31  }
0x156: {  	v31 =	vld [tilespmem:s12+$0x21];
	_ =	sdelay $0x4  }
0x157: {  	[tilespmem:s29+$0x20] =	vst v31  }
0x158: {  	v31 =	vld [tilespmem:s12+$0x31];
	_ =	sdelay $0x4  }
0x159: {  	[tilespmem:s29+$0x30] =	vst v31  }
0x15a: {  	v31 =	vld [tilespmem:s12+$0x42];
	_ =	sdelay $0x4  }
0x15b: {  	[tilespmem:s29+$0x40] =	vst v31  }
0x15c: {  	v31 =	vld [tilespmem:s12+$0x52];
	_ =	sdelay $0x4  }
0x15d: {  	[tilespmem:s29+$0x50] =	vst v31  }
0x15e: {  	v31 =	vld [tilespmem:s12+$0x63];
	_ =	sdelay $0x4  }
0x15f: {  	[tilespmem:s29+$0x60] =	vst v31  }
0x160: {  	v31 =	vld [tilespmem:s12+$0x73];
	_ =	sdelay $0x4  }
0x161: {  	[tilespmem:s29+$0x70] =	vst v31  }
0x162: {  	v31 =	vld [tilespmem:s12+$0x84];
	_ =	sdelay $0x4  }
0x163: {  	[tilespmem:s29+$0x80] =	vst v31  }
0x164: {  	v31 =	vld [tilespmem:s12+$0x94];
	_ =	sdelay $0x4  }
0x165: {  	[tilespmem:s29+$0x90] =	vst v31  }
0x166: {  	v31 =	vld [tilespmem:s12+$0xA5];
	_ =	sdelay $0x4  }
0x167: {  	[tilespmem:s29+$0xA0] =	vst v31  }
0x168: {  	v31 =	vld [tilespmem:s12+$0xB5];
	_ =	sdelay $0x4  }
0x169: {  	[tilespmem:s29+$0xB0] =	vst v31  }
0x16a: {  	v31 =	vld [tilespmem:s12+$0xC6];
	_ =	sdelay $0x4  }
0x16b: {  	[tilespmem:s29+$0xC0] =	vst v31  }
0x16c: {  	v31 =	vld [tilespmem:s12+$0xD6];
	_ =	sdelay $0x4  }
0x16d: {  	[tilespmem:s29+$0xD0] =	vst v31  }
0x16e: {  	v31 =	vld [tilespmem:s12+$0xE7];
	_ =	sdelay $0x4  }
0x16f: {  	[tilespmem:s29+$0xE0] =	vst v31  }
0x170: {  	v31 =	vld [tilespmem:s12+$0xF7]  }
.Ltmp5:
0x171: {  	(pc) =	sbr.rel @p2 .LBB2_5-.Ltmp5, $2  }
0x172: {  	_ =	sdelay $0x2  }
0x173: {  	s12 =	sadd.s32 $0x210, s12;
	[tilespmem:s29+$0xF0] =	vst v31  }
0x174: {  	s11 =	sshll.u32 s28, $0xB  }
0x175: {  	s11 =	sadd.s32 s7, s11  }
0x176: {  	[hbm4b:s11+s4] =	stream.linear.scatter [tilespmem:s20], [sflag:$0x3], $0x4000, $0x38;
	[tilespmem:$0x15A00] =	vst v63  }
0x177: {  	s11 =	sadd.s32 s9, s31;
	_ =	swait.ge [sflag:s21], $0x4000  }
0x178: {  	s28 =	sor.u32 $0x20, s28;
	p2 =	sgt.u32 s11, $0x7A0;
	[sflag:s21] =	ssyncset.done $0x0  }
0x179: {  	s11 =	sshll.u32 @!p2 s11, $0x9;
	s12 =	simm.s32 @!p2 $0x1000;
	s13 =	simm.s32 @!p2 $0x7A1400  }
0x17a: {  	s29 =	simm.s32 @!p2 $0x0;
	[sflag:s21] =	ssyncadd.s32 $0xFFFFC000;
	s11 =	sadd.s32 @!p2 s1, s11  }
0x17b: {  	[tilespmem:s29], [sflag:$0x1] =	stream.strided.gather @!p2 [hbm4b:s11+s12], $0x4000, s13, s12, $0x38;
	[tilespmem:$0x15A00] =	vst v63  }
0x17c: {  	p2 =	sgt.u32 s28, $0x7A0  }
.Ltmp6:
0x17d: {  	_ = 	snop;
	(pc) =	sbr.rel @p2 .LBB2_12-.Ltmp6, $1  }
0x17e: {  	_ =	sdelay $0x3  }
0x17f: {  	s11 =	simm.s32 @!p1 $0x4  }
0x180: {  	_ =	swait.ge @!p1 [sflag:s11], $0x4000  }
0x181: {  	[sflag:s11] =	ssyncset.done @!p1 $0x0  }
0x182: {  	[sflag:s11] =	ssyncadd.s32 @!p1 $0xFFFFC000  }
0x183: {  	_ =	swait.ge [sflag:s22], $0x4000  }
0x184: {  	s12 =	sshll.u32 s28, $0x9;
	[sflag:s22] =	ssyncset.done $0x0  }
0x185: {  	s13 =	simm.s32 $0x0;
	s11 =	sadd.s32 s3, s12;
	[sflag:s22] =	ssyncadd.s32 $0xFFFFC000  }
0x186: {  	[hbm4b:s11+s15] =	stream.strided.scatter [tilespmem:s17], [sflag:$0x6], $0x4000, s16, s15, $0x38;
	[tilespmem:$0x15A00] =	vst v63  }
0x187: {  	s12 =	sand.u32 $0x70, s13;
	s11 =	sand.u32 $0xFFFFFC00, s13  }
0x188: {  	s11 =	sor.u32 s12, s11  }
0x189: {  	v31 =	vld [tilespmem:s11+$0x4000];
	_ =	sdelay $0x4  }
0x18a: {  	[tilespmem:v0+s19+$0x0] =	vst.idx.msk $0xffff, v31  }
0x18b: {  	v31 =	vld [tilespmem:s11+$0x4080];
	_ =	sdelay $0x4  }
0x18c: {  	[tilespmem:v1+s19+$0x0] =	vst.idx.msk $0xffff, v31  }
0x18d: {  	v1 =	vld [tilespmem:s11+$0x4100];
	_ =	sdelay $0x4  }
0x18e: {  	[tilespmem:v2+s19+$0x0] =	vst.idx.msk $0xffff, v1  }
0x18f: {  	v1 =	vld [tilespmem:s11+$0x4180];
	_ =	sdelay $0x4  }
0x190: {  	[tilespmem:v3+s19+$0x0] =	vst.idx.msk $0xffff, v1  }
0x191: {  	v1 =	vld [tilespmem:s11+$0x4200];
	_ =	sdelay $0x4  }
0x192: {  	[tilespmem:v4+s19+$0x0] =	vst.idx.msk $0xffff, v1  }
0x193: {  	v1 =	vld [tilespmem:s11+$0x4280];
	_ =	sdelay $0x4  }
0x194: {  	[tilespmem:v5+s19+$0x0] =	vst.idx.msk $0xffff, v1  }
0x195: {  	v1 =	vld [tilespmem:s11+$0x4300];
	_ =	sdelay $0x4  }
0x196: {  	[tilespmem:v6+s19+$0x0] =	vst.idx.msk $0xffff, v1  }
0x197: {  	v1 =	vld [tilespmem:s11+$0x4380];
	_ =	sdelay $0x4  }
0x198: {  	[tilespmem:v7+s19+$0x0] =	vst.idx.msk $0xffff, v1  }
0x199: {  	v1 =	vld [tilespmem:s11+$0x5000];
	_ =	sdelay $0x4  }
0x19a: {  	[tilespmem:v8+s19+$0x0] =	vst.idx.msk $0xffff, v1  }
0x19b: {  	v1 =	vld [tilespmem:s11+$0x5080];
	_ =	sdelay $0x4  }
0x19c: {  	[tilespmem:v9+s19+$0x0] =	vst.idx.msk $0xffff, v1  }
0x19d: {  	v1 =	vld [tilespmem:s11+$0x5100];
	_ =	sdelay $0x4  }
0x19e: {  	[tilespmem:v10+s19+$0x0] =	vst.idx.msk $0xffff, v1  }
0x19f: {  	v1 =	vld [tilespmem:s11+$0x5180];
	_ =	sdelay $0x4  }
0x1a0: {  	[tilespmem:v11+s19+$0x0] =	vst.idx.msk $0xffff, v1  }
0x1a1: {  	v1 =	vld [tilespmem:s11+$0x5200];
	_ =	sdelay $0x4  }
0x1a2: {  	[tilespmem:v12+s19+$0x0] =	vst.idx.msk $0xffff, v1  }
0x1a3: {  	v1 =	vld [tilespmem:s11+$0x5280];
	_ =	sdelay $0x4  }
0x1a4: {  	[tilespmem:v13+s19+$0x0] =	vst.idx.msk $0xffff, v1  }
0x1a5: {  	v1 =	vld [tilespmem:s11+$0x5300];
	_ =	sdelay $0x4  }
0x1a6: {  	[tilespmem:v14+s19+$0x0] =	vst.idx.msk $0xffff, v1  }
0x1a7: {  	v1 =	vld [tilespmem:s11+$0x5380];
	_ =	sdelay $0x4  }
0x1a8: {  	[tilespmem:v15+s19+$0x0] =	vst.idx.msk $0xffff, v1  }
0x1a9: {  	v1 =	vld [tilespmem:s11+$0x6000];
	_ =	sdelay $0x4  }
0x1aa: {  	[tilespmem:v16+s19+$0x0] =	vst.idx.msk $0xffff, v1  }
0x1ab: {  	v1 =	vld [tilespmem:s11+$0x6080];
	_ =	sdelay $0x4  }
0x1ac: {  	[tilespmem:v17+s19+$0x0] =	vst.idx.msk $0xffff, v1  }
0x1ad: {  	v1 =	vld [tilespmem:s11+$0x6100];
	_ =	sdelay $0x4  }
0x1ae: {  	[tilespmem:v18+s19+$0x0] =	vst.idx.msk $0xffff, v1  }
0x1af: {  	v1 =	vld [tilespmem:s11+$0x6180];
	_ =	sdelay $0x4  }
0x1b0: {  	[tilespmem:v19+s19+$0x0] =	vst.idx.msk $0xffff, v1  }
0x1b1: {  	v1 =	vld [tilespmem:s11+$0x6200];
	_ =	sdelay $0x4  }
0x1b2: {  	[tilespmem:v20+s19+$0x0] =	vst.idx.msk $0xffff, v1  }
0x1b3: {  	v1 =	vld [tilespmem:s11+$0x6280];
	_ =	sdelay $0x4  }
0x1b4: {  	[tilespmem:v21+s19+$0x0] =	vst.idx.msk $0xffff, v1  }
0x1b5: {  	v1 =	vld [tilespmem:s11+$0x6300];
	_ =	sdelay $0x4  }
0x1b6: {  	[tilespmem:v22+s19+$0x0] =	vst.idx.msk $0xffff, v1  }
0x1b7: {  	v1 =	vld [tilespmem:s11+$0x6380];
	_ =	sdelay $0x4  }
0x1b8: {  	[tilespmem:v23+s19+$0x0] =	vst.idx.msk $0xffff, v1  }
0x1b9: {  	v1 =	vld [tilespmem:s11+$0x7000];
	_ =	sdelay $0x4  }
0x1ba: {  	[tilespmem:v24+s19+$0x0] =	vst.idx.msk $0xffff, v1  }
0x1bb: {  	v1 =	vld [tilespmem:s11+$0x7080];
	_ =	sdelay $0x4  }
0x1bc: {  	[tilespmem:v25+s19+$0x0] =	vst.idx.msk $0xffff, v1  }
0x1bd: {  	v1 =	vld [tilespmem:s11+$0x7100];
	_ =	sdelay $0x4  }
0x1be: {  	[tilespmem:v26+s19+$0x0] =	vst.idx.msk $0xffff, v1  }
0x1bf: {  	v1 =	vld [tilespmem:s11+$0x7180];
	_ =	sdelay $0x4  }
0x1c0: {  	[tilespmem:v27+s19+$0x0] =	vst.idx.msk $0xffff, v1  }
0x1c1: {  	v1 =	vld [tilespmem:s11+$0x7200];
	_ =	sdelay $0x4  }
0x1c2: {  	[tilespmem:v28+s19+$0x0] =	vst.idx.msk $0xffff, v1  }
0x1c3: {  	v1 =	vld [tilespmem:s11+$0x7280];
	_ =	sdelay $0x4  }
0x1c4: {  	[tilespmem:v29+s19+$0x0] =	vst.idx.msk $0xffff, v1  }
0x1c5: {  	v1 =	vld [tilespmem:s11+$0x7300];
	_ =	sdelay $0x4  }
0x1c6: {  	[tilespmem:v30+s19+$0x0] =	vst.idx.msk $0xffff, v1  }
0x1c7: {  	v2 =	vadd.s32 $0x1F, v0;
	v3 =	vld [tilespmem:s11+$0x7380];
	_ =	sdelay $0x2  }
0x1c8: {  	s29 =	simm.s32 $0x80;
	s13 =	simm.s32 $0x10  }
0x1c9: {  	s12 =	sand.u32 $0x70, s13;
	s13 =	sand.u32 $0xFFFFFC00, s29;
	v1 =	vmov v0;
	s11 =	simm.s32 $0x20  }
.LBB2_8:
0x1ca: {  	p1 =	sne.s32 s11, $0x1F0;
	s12 =	sor.u32 s12, s13;
	[tilespmem:v2+s19+$0x0] =	vst.idx.msk $0xffff, v3  }
0x1cb: {  	v1 =	vadd.s32 $0x210, v1;
	v2 =	vld [tilespmem:s12+$0x4000];
	_ =	sdelay $0x4  }
0x1cc: {  	[tilespmem:v1+s19+$0x0] =	vst.idx.msk $0xffff, v2  }
0x1cd: {  	v2 =	vadd.s32 $0x1, v1;
	v3 =	vld [tilespmem:s12+$0x4080];
	_ =	sdelay $0x4  }
0x1ce: {  	[tilespmem:v2+s19+$0x0] =	vst.idx.msk $0xffff, v3  }
0x1cf: {  	v2 =	vadd.s32 $0x2, v1;
	v3 =	vld [tilespmem:s12+$0x4100];
	_ =	sdelay $0x4  }
0x1d0: {  	[tilespmem:v2+s19+$0x0] =	vst.idx.msk $0xffff, v3  }
0x1d1: {  	v2 =	vadd.s32 $0x3, v1;
	v3 =	vld [tilespmem:s12+$0x4180];
	_ =	sdelay $0x4  }
0x1d2: {  	[tilespmem:v2+s19+$0x0] =	vst.idx.msk $0xffff, v3  }
0x1d3: {  	v2 =	vadd.s32 $0x4, v1;
	v3 =	vld [tilespmem:s12+$0x4200];
	_ =	sdelay $0x4  }
0x1d4: {  	[tilespmem:v2+s19+$0x0] =	vst.idx.msk $0xffff, v3  }
0x1d5: {  	v2 =	vadd.s32 $0x5, v1;
	v3 =	vld [tilespmem:s12+$0x4280];
	_ =	sdelay $0x4  }
0x1d6: {  	[tilespmem:v2+s19+$0x0] =	vst.idx.msk $0xffff, v3  }
0x1d7: {  	v2 =	vadd.s32 $0x6, v1;
	v3 =	vld [tilespmem:s12+$0x4300];
	_ =	sdelay $0x4  }
0x1d8: {  	[tilespmem:v2+s19+$0x0] =	vst.idx.msk $0xffff, v3  }
0x1d9: {  	v2 =	vadd.s32 $0x7, v1;
	v3 =	vld [tilespmem:s12+$0x4380];
	_ =	sdelay $0x4  }
0x1da: {  	[tilespmem:v2+s19+$0x0] =	vst.idx.msk $0xffff, v3  }
0x1db: {  	v2 =	vadd.s32 $0x8, v1;
	v3 =	vld [tilespmem:s12+$0x5000];
	_ =	sdelay $0x4  }
0x1dc: {  	[tilespmem:v2+s19+$0x0] =	vst.idx.msk $0xffff, v3  }
0x1dd: {  	v2 =	vadd.s32 $0x9, v1;
	v3 =	vld [tilespmem:s12+$0x5080];
	_ =	sdelay $0x4  }
0x1de: {  	[tilespmem:v2+s19+$0x0] =	vst.idx.msk $0xffff, v3  }
0x1df: {  	v2 =	vadd.s32 $0xA, v1;
	v3 =	vld [tilespmem:s12+$0x5100];
	_ =	sdelay $0x4  }
0x1e0: {  	[tilespmem:v2+s19+$0x0] =	vst.idx.msk $0xffff, v3  }
0x1e1: {  	v2 =	vadd.s32 $0xB, v1;
	v3 =	vld [tilespmem:s12+$0x5180];
	_ =	sdelay $0x4  }
0x1e2: {  	[tilespmem:v2+s19+$0x0] =	vst.idx.msk $0xffff, v3  }
0x1e3: {  	v2 =	vadd.s32 $0xC, v1;
	v3 =	vld [tilespmem:s12+$0x5200];
	_ =	sdelay $0x4  }
0x1e4: {  	[tilespmem:v2+s19+$0x0] =	vst.idx.msk $0xffff, v3  }
0x1e5: {  	v2 =	vadd.s32 $0xD, v1;
	v3 =	vld [tilespmem:s12+$0x5280];
	_ =	sdelay $0x4  }
0x1e6: {  	[tilespmem:v2+s19+$0x0] =	vst.idx.msk $0xffff, v3  }
0x1e7: {  	v2 =	vadd.s32 $0xE, v1;
	v3 =	vld [tilespmem:s12+$0x5300];
	_ =	sdelay $0x4  }
0x1e8: {  	[tilespmem:v2+s19+$0x0] =	vst.idx.msk $0xffff, v3  }
0x1e9: {  	v2 =	vadd.s32 $0xF, v1;
	v3 =	vld [tilespmem:s12+$0x5380];
	_ =	sdelay $0x4  }
0x1ea: {  	[tilespmem:v2+s19+$0x0] =	vst.idx.msk $0xffff, v3  }
0x1eb: {  	v2 =	vadd.s32 $0x10, v1;
	v3 =	vld [tilespmem:s12+$0x6000];
	_ =	sdelay $0x4  }
0x1ec: {  	[tilespmem:v2+s19+$0x0] =	vst.idx.msk $0xffff, v3  }
0x1ed: {  	v2 =	vadd.s32 $0x11, v1;
	v3 =	vld [tilespmem:s12+$0x6080];
	_ =	sdelay $0x4  }
0x1ee: {  	[tilespmem:v2+s19+$0x0] =	vst.idx.msk $0xffff, v3  }
0x1ef: {  	v2 =	vadd.s32 $0x12, v1;
	v3 =	vld [tilespmem:s12+$0x6100];
	_ =	sdelay $0x4  }
0x1f0: {  	[tilespmem:v2+s19+$0x0] =	vst.idx.msk $0xffff, v3  }
0x1f1: {  	v2 =	vadd.s32 $0x13, v1;
	v3 =	vld [tilespmem:s12+$0x6180];
	_ =	sdelay $0x4  }
0x1f2: {  	[tilespmem:v2+s19+$0x0] =	vst.idx.msk $0xffff, v3  }
0x1f3: {  	v2 =	vadd.s32 $0x14, v1;
	v3 =	vld [tilespmem:s12+$0x6200];
	_ =	sdelay $0x4  }
0x1f4: {  	[tilespmem:v2+s19+$0x0] =	vst.idx.msk $0xffff, v3  }
0x1f5: {  	v2 =	vadd.s32 $0x15, v1;
	v3 =	vld [tilespmem:s12+$0x6280];
	_ =	sdelay $0x4  }
0x1f6: {  	[tilespmem:v2+s19+$0x0] =	vst.idx.msk $0xffff, v3  }
0x1f7: {  	v2 =	vadd.s32 $0x16, v1;
	v3 =	vld [tilespmem:s12+$0x6300];
	_ =	sdelay $0x4  }
0x1f8: {  	[tilespmem:v2+s19+$0x0] =	vst.idx.msk $0xffff, v3  }
0x1f9: {  	v2 =	vadd.s32 $0x17, v1;
	v3 =	vld [tilespmem:s12+$0x6380];
	_ =	sdelay $0x4  }
0x1fa: {  	[tilespmem:v2+s19+$0x0] =	vst.idx.msk $0xffff, v3  }
0x1fb: {  	v2 =	vadd.s32 $0x18, v1;
	v3 =	vld [tilespmem:s12+$0x7000];
	_ =	sdelay $0x4  }
0x1fc: {  	[tilespmem:v2+s19+$0x0] =	vst.idx.msk $0xffff, v3  }
0x1fd: {  	v2 =	vadd.s32 $0x19, v1;
	v3 =	vld [tilespmem:s12+$0x7080];
	_ =	sdelay $0x4  }
0x1fe: {  	[tilespmem:v2+s19+$0x0] =	vst.idx.msk $0xffff, v3  }
0x1ff: {  	v2 =	vadd.s32 $0x1A, v1;
	v3 =	vld [tilespmem:s12+$0x7100];
	_ =	sdelay $0x4  }
0x200: {  	[tilespmem:v2+s19+$0x0] =	vst.idx.msk $0xffff, v3  }
0x201: {  	v2 =	vadd.s32 $0x1B, v1;
	v3 =	vld [tilespmem:s12+$0x7180];
	_ =	sdelay $0x4  }
0x202: {  	[tilespmem:v2+s19+$0x0] =	vst.idx.msk $0xffff, v3  }
0x203: {  	v2 =	vadd.s32 $0x1C, v1;
	v3 =	vld [tilespmem:s12+$0x7200];
	_ =	sdelay $0x4  }
0x204: {  	[tilespmem:v2+s19+$0x0] =	vst.idx.msk $0xffff, v3  }
0x205: {  	v2 =	vadd.s32 $0x1D, v1;
	v3 =	vld [tilespmem:s12+$0x7280];
	_ =	sdelay $0x4  }
0x206: {  	[tilespmem:v2+s19+$0x0] =	vst.idx.msk $0xffff, v3  }
0x207: {  	v2 =	vadd.s32 $0x1E, v1;
	v3 =	vld [tilespmem:s12+$0x7300];
	_ =	sdelay $0x4  }
0x208: {  	[tilespmem:v2+s19+$0x0] =	vst.idx.msk $0xffff, v3  }
.Ltmp7:
0x209: {  	v2 =	vadd.s32 $0x1F, v1;
	v3 =	vld [tilespmem:s12+$0x7380];
	(pc) =	sbr.rel @p1 .LBB2_8-.Ltmp7, $3  }
0x20a: {  	_ =	sdelay $0x1  }
0x20b: {  	s29 =	sadd.s32 $0x80, s29  }
0x20c: {  	s13 =	sand.u32 $0xFFFFFC00, s29;
	s12 =	sand.u32 $0x70, s11;
	s11 =	sadd.s32 $0x10, s11  }
0x20d: {  	_ =	sdelay $0x3  }
0x20e: {  	s11 =	sor.u32 s12, s13;
	[tilespmem:v2+s19+$0x0] =	vst.idx.msk $0xffff, v3  }
0x20f: {  	v1 =	vadd.s32 $0x210, v1;
	v2 =	vld [tilespmem:s11+$0x4000];
	_ =	sdelay $0x4  }
0x210: {  	[tilespmem:v1+s19+$0x0] =	vst.idx.msk $0xffff, v2  }
0x211: {  	v2 =	vadd.s32 $0x1, v1;
	v3 =	vld [tilespmem:s11+$0x4080];
	_ =	sdelay $0x4  }
0x212: {  	[tilespmem:v2+s19+$0x0] =	vst.idx.msk $0xffff, v3  }
0x213: {  	v2 =	vadd.s32 $0x2, v1;
	v3 =	vld [tilespmem:s11+$0x4100];
	_ =	sdelay $0x4  }
0x214: {  	[tilespmem:v2+s19+$0x0] =	vst.idx.msk $0xffff, v3  }
0x215: {  	v2 =	vadd.s32 $0x3, v1;
	v3 =	vld [tilespmem:s11+$0x4180];
	_ =	sdelay $0x4  }
0x216: {  	[tilespmem:v2+s19+$0x0] =	vst.idx.msk $0xffff, v3  }
0x217: {  	v2 =	vadd.s32 $0x4, v1;
	v3 =	vld [tilespmem:s11+$0x4200];
	_ =	sdelay $0x4  }
0x218: {  	[tilespmem:v2+s19+$0x0] =	vst.idx.msk $0xffff, v3  }
0x219: {  	v2 =	vadd.s32 $0x5, v1;
	v3 =	vld [tilespmem:s11+$0x4280];
	_ =	sdelay $0x4  }
0x21a: {  	[tilespmem:v2+s19+$0x0] =	vst.idx.msk $0xffff, v3  }
0x21b: {  	v2 =	vadd.s32 $0x6, v1;
	v3 =	vld [tilespmem:s11+$0x4300];
	_ =	sdelay $0x4  }
0x21c: {  	[tilespmem:v2+s19+$0x0] =	vst.idx.msk $0xffff, v3  }
0x21d: {  	v2 =	vadd.s32 $0x7, v1;
	v3 =	vld [tilespmem:s11+$0x4380];
	_ =	sdelay $0x4  }
0x21e: {  	[tilespmem:v2+s19+$0x0] =	vst.idx.msk $0xffff, v3  }
0x21f: {  	v2 =	vadd.s32 $0x8, v1;
	v3 =	vld [tilespmem:s11+$0x5000];
	_ =	sdelay $0x4  }
0x220: {  	[tilespmem:v2+s19+$0x0] =	vst.idx.msk $0xffff, v3  }
0x221: {  	v2 =	vadd.s32 $0x9, v1;
	v3 =	vld [tilespmem:s11+$0x5080];
	_ =	sdelay $0x4  }
0x222: {  	[tilespmem:v2+s19+$0x0] =	vst.idx.msk $0xffff, v3  }
0x223: {  	v2 =	vadd.s32 $0xA, v1;
	v3 =	vld [tilespmem:s11+$0x5100];
	_ =	sdelay $0x4  }
0x224: {  	[tilespmem:v2+s19+$0x0] =	vst.idx.msk $0xffff, v3  }
0x225: {  	v2 =	vadd.s32 $0xB, v1;
	v3 =	vld [tilespmem:s11+$0x5180];
	_ =	sdelay $0x4  }
0x226: {  	[tilespmem:v2+s19+$0x0] =	vst.idx.msk $0xffff, v3  }
0x227: {  	v2 =	vadd.s32 $0xC, v1;
	v3 =	vld [tilespmem:s11+$0x5200];
	_ =	sdelay $0x4  }
0x228: {  	[tilespmem:v2+s19+$0x0] =	vst.idx.msk $0xffff, v3  }
0x229: {  	v2 =	vadd.s32 $0xD, v1;
	v3 =	vld [tilespmem:s11+$0x5280];
	_ =	sdelay $0x4  }
0x22a: {  	[tilespmem:v2+s19+$0x0] =	vst.idx.msk $0xffff, v3  }
0x22b: {  	v2 =	vadd.s32 $0xE, v1;
	v3 =	vld [tilespmem:s11+$0x5300];
	_ =	sdelay $0x4  }
0x22c: {  	[tilespmem:v2+s19+$0x0] =	vst.idx.msk $0xffff, v3  }
0x22d: {  	v2 =	vadd.s32 $0xF, v1;
	v3 =	vld [tilespmem:s11+$0x5380];
	_ =	sdelay $0x4  }
0x22e: {  	[tilespmem:v2+s19+$0x0] =	vst.idx.msk $0xffff, v3  }
0x22f: {  	v2 =	vadd.s32 $0x10, v1;
	v3 =	vld [tilespmem:s11+$0x6000];
	_ =	sdelay $0x4  }
0x230: {  	[tilespmem:v2+s19+$0x0] =	vst.idx.msk $0xffff, v3  }
0x231: {  	v2 =	vadd.s32 $0x11, v1;
	v3 =	vld [tilespmem:s11+$0x6080];
	_ =	sdelay $0x4  }
0x232: {  	[tilespmem:v2+s19+$0x0] =	vst.idx.msk $0xffff, v3  }
0x233: {  	v2 =	vadd.s32 $0x12, v1;
	v3 =	vld [tilespmem:s11+$0x6100];
	_ =	sdelay $0x4  }
0x234: {  	[tilespmem:v2+s19+$0x0] =	vst.idx.msk $0xffff, v3  }
0x235: {  	v2 =	vadd.s32 $0x13, v1;
	v3 =	vld [tilespmem:s11+$0x6180];
	_ =	sdelay $0x4  }
0x236: {  	[tilespmem:v2+s19+$0x0] =	vst.idx.msk $0xffff, v3  }
0x237: {  	v2 =	vadd.s32 $0x14, v1;
	v3 =	vld [tilespmem:s11+$0x6200];
	_ =	sdelay $0x4  }
0x238: {  	[tilespmem:v2+s19+$0x0] =	vst.idx.msk $0xffff, v3  }
0x239: {  	v2 =	vadd.s32 $0x15, v1;
	v3 =	vld [tilespmem:s11+$0x6280];
	_ =	sdelay $0x4  }
0x23a: {  	[tilespmem:v2+s19+$0x0] =	vst.idx.msk $0xffff, v3  }
0x23b: {  	v2 =	vadd.s32 $0x16, v1;
	v3 =	vld [tilespmem:s11+$0x6300];
	_ =	sdelay $0x4  }
0x23c: {  	[tilespmem:v2+s19+$0x0] =	vst.idx.msk $0xffff, v3  }
0x23d: {  	v2 =	vadd.s32 $0x17, v1;
	v3 =	vld [tilespmem:s11+$0x6380];
	_ =	sdelay $0x4  }
0x23e: {  	[tilespmem:v2+s19+$0x0] =	vst.idx.msk $0xffff, v3  }
0x23f: {  	v2 =	vadd.s32 $0x18, v1;
	v3 =	vld [tilespmem:s11+$0x7000];
	_ =	sdelay $0x4  }
0x240: {  	[tilespmem:v2+s19+$0x0] =	vst.idx.msk $0xffff, v3  }
0x241: {  	v2 =	vadd.s32 $0x19, v1;
	v3 =	vld [tilespmem:s11+$0x7080];
	_ =	sdelay $0x4  }
0x242: {  	[tilespmem:v2+s19+$0x0] =	vst.idx.msk $0xffff, v3  }
0x243: {  	v2 =	vadd.s32 $0x1A, v1;
	v3 =	vld [tilespmem:s11+$0x7100];
	_ =	sdelay $0x4  }
0x244: {  	[tilespmem:v2+s19+$0x0] =	vst.idx.msk $0xffff, v3  }
0x245: {  	v2 =	vadd.s32 $0x1B, v1;
	v3 =	vld [tilespmem:s11+$0x7180];
	_ =	sdelay $0x4  }
0x246: {  	[tilespmem:v2+s19+$0x0] =	vst.idx.msk $0xffff, v3  }
0x247: {  	v2 =	vadd.s32 $0x1C, v1;
	v3 =	vld [tilespmem:s11+$0x7200];
	_ =	sdelay $0x4  }
0x248: {  	[tilespmem:v2+s19+$0x0] =	vst.idx.msk $0xffff, v3  }
0x249: {  	v2 =	vadd.s32 $0x1D, v1;
	v3 =	vld [tilespmem:s11+$0x7280];
	_ =	sdelay $0x4  }
0x24a: {  	[tilespmem:v2+s19+$0x0] =	vst.idx.msk $0xffff, v3  }
0x24b: {  	v2 =	vadd.s32 $0x1E, v1;
	v3 =	vld [tilespmem:s11+$0x7300];
	_ =	sdelay $0x4  }
0x24c: {  	[tilespmem:v2+s19+$0x0] =	vst.idx.msk $0xffff, v3  }
0x24d: {  	v1 =	vadd.s32 $0x1F, v1;
	v2 =	vld [tilespmem:s11+$0x7380];
	_ =	sdelay $0x4  }
0x24e: {  	s13 =	simm.s32 $0x8108;
	[tilespmem:v1+s19+$0x0] =	vst.idx.msk $0xffff, v2  }
0x24f: {  	v1 =	vld [tilespmem:s13+$0xFFFFFEF8];
	_ =	sdelay $0x3  }
0x250: {  	s29 =	simm.s32 $0x10300  }
0x251: {  	[tilespmem:s29+$0xFFFFFF00] =	vst v1  }
0x252: {  	v1 =	vld [tilespmem:s13+$0xFFFFFF08];
	_ =	sdelay $0x4  }
0x253: {  	[tilespmem:s29+$0xFFFFFF10] =	vst v1  }
0x254: {  	v1 =	vld [tilespmem:s13+$0xFFFFFF19];
	_ =	sdelay $0x4  }
0x255: {  	[tilespmem:s29+$0xFFFFFF20] =	vst v1  }
0x256: {  	v1 =	vld [tilespmem:s13+$0xFFFFFF29];
	_ =	sdelay $0x4  }
0x257: {  	[tilespmem:s29+$0xFFFFFF30] =	vst v1  }
0x258: {  	v1 =	vld [tilespmem:s13+$0xFFFFFF3A];
	_ =	sdelay $0x4  }
0x259: {  	[tilespmem:s29+$0xFFFFFF40] =	vst v1  }
0x25a: {  	v1 =	vld [tilespmem:s13+$0xFFFFFF4A];
	_ =	sdelay $0x4  }
0x25b: {  	[tilespmem:s29+$0xFFFFFF50] =	vst v1  }
0x25c: {  	v1 =	vld [tilespmem:s13+$0xFFFFFF5B];
	_ =	sdelay $0x4  }
0x25d: {  	[tilespmem:s29+$0xFFFFFF60] =	vst v1  }
0x25e: {  	v1 =	vld [tilespmem:s13+$0xFFFFFF6B];
	_ =	sdelay $0x4  }
0x25f: {  	[tilespmem:s29+$0xFFFFFF70] =	vst v1  }
0x260: {  	v1 =	vld [tilespmem:s13+$0xFFFFFF7C];
	_ =	sdelay $0x4  }
0x261: {  	[tilespmem:s29+$0xFFFFFF80] =	vst v1  }
0x262: {  	v1 =	vld [tilespmem:s13+$0xFFFFFF8C];
	_ =	sdelay $0x4  }
0x263: {  	[tilespmem:s29+$0xFFFFFF90] =	vst v1  }
0x264: {  	v1 =	vld [tilespmem:s13+$0xFFFFFF9D];
	_ =	sdelay $0x4  }
0x265: {  	[tilespmem:s29+$0xFFFFFFA0] =	vst v1  }
0x266: {  	v1 =	vld [tilespmem:s13+$0xFFFFFFAD];
	_ =	sdelay $0x4  }
0x267: {  	[tilespmem:s29+$0xFFFFFFB0] =	vst v1  }
0x268: {  	v1 =	vld [tilespmem:s13+$0xFFFFFFBE];
	_ =	sdelay $0x4  }
0x269: {  	[tilespmem:s29+$0xFFFFFFC0] =	vst v1  }
0x26a: {  	v1 =	vld [tilespmem:s13+$0xFFFFFFCE];
	_ =	sdelay $0x4  }
0x26b: {  	[tilespmem:s29+$0xFFFFFFD0] =	vst v1  }
0x26c: {  	v1 =	vld [tilespmem:s13+$0xFFFFFFDF];
	_ =	sdelay $0x4  }
0x26d: {  	[tilespmem:s29+$0xFFFFFFE0] =	vst v1  }
0x26e: {  	v1 =	vld [tilespmem:s13+$0xFFFFFFEF];
	_ =	sdelay $0x4  }
0x26f: {  	[tilespmem:s29+$0xFFFFFFF0] =	vst v1  }
0x270: {  	v1 =	vld [tilespmem:s13+$0x0];
	_ =	sdelay $0x4  }
0x271: {  	[tilespmem:s29+$0x0] =	vst v1  }
0x272: {  	v1 =	vld [tilespmem:s13+$0x10];
	_ =	sdelay $0x4  }
0x273: {  	[tilespmem:s29+$0x10] =	vst v1  }
0x274: {  	v1 =	vld [tilespmem:s13+$0x21];
	_ =	sdelay $0x4  }
0x275: {  	[tilespmem:s29+$0x20] =	vst v1  }
0x276: {  	v1 =	vld [tilespmem:s13+$0x31];
	_ =	sdelay $0x4  }
0x277: {  	[tilespmem:s29+$0x30] =	vst v1  }
0x278: {  	v1 =	vld [tilespmem:s13+$0x42];
	_ =	sdelay $0x4  }
0x279: {  	[tilespmem:s29+$0x40] =	vst v1  }
0x27a: {  	v1 =	vld [tilespmem:s13+$0x52];
	_ =	sdelay $0x4  }
0x27b: {  	[tilespmem:s29+$0x50] =	vst v1  }
0x27c: {  	v1 =	vld [tilespmem:s13+$0x63];
	_ =	sdelay $0x4  }
0x27d: {  	[tilespmem:s29+$0x60] =	vst v1  }
0x27e: {  	v1 =	vld [tilespmem:s13+$0x73];
	_ =	sdelay $0x4  }
0x27f: {  	[tilespmem:s29+$0x70] =	vst v1  }
0x280: {  	v1 =	vld [tilespmem:s13+$0x84];
	_ =	sdelay $0x4  }
0x281: {  	[tilespmem:s29+$0x80] =	vst v1  }
0x282: {  	v1 =	vld [tilespmem:s13+$0x94];
	_ =	sdelay $0x4  }
0x283: {  	[tilespmem:s29+$0x90] =	vst v1  }
0x284: {  	v1 =	vld [tilespmem:s13+$0xA5];
	_ =	sdelay $0x4  }
0x285: {  	[tilespmem:s29+$0xA0] =	vst v1  }
0x286: {  	v1 =	vld [tilespmem:s13+$0xB5];
	_ =	sdelay $0x4  }
0x287: {  	[tilespmem:s29+$0xB0] =	vst v1  }
0x288: {  	v1 =	vld [tilespmem:s13+$0xC6];
	_ =	sdelay $0x4  }
0x289: {  	[tilespmem:s29+$0xC0] =	vst v1  }
0x28a: {  	v1 =	vld [tilespmem:s13+$0xD6];
	_ =	sdelay $0x4  }
0x28b: {  	[tilespmem:s29+$0xD0] =	vst v1  }
0x28c: {  	v1 =	vld [tilespmem:s13+$0xE7];
	_ =	sdelay $0x4  }
0x28d: {  	[tilespmem:s29+$0xE0] =	vst v1  }
0x28e: {  	v1 =	vld [tilespmem:s13+$0xF7];
	_ =	sdelay $0x4  }
0x28f: {  	s12 =	simm.s32 $0x8318;
	s11 =	simm.s32 $0x0;
	[tilespmem:s29+$0xF0] =	vst v1  }
.LBB2_10:
0x290: {  	v1 =	vld [tilespmem:s12+$0xFFFFFEF8];
	s11 =	sadd.s32 $0x10, s11  }
0x291: {  	p1 =	slt.u32 s11, $0x1F0;
	_ =	sdelay $0x2  }
0x292: {  	s29 =	sadd.s32 $0x200, s29  }
0x293: {  	[tilespmem:s29+$0xFFFFFF00] =	vst v1  }
0x294: {  	v1 =	vld [tilespmem:s12+$0xFFFFFF08];
	_ =	sdelay $0x4  }
0x295: {  	[tilespmem:s29+$0xFFFFFF10] =	vst v1  }
0x296: {  	v1 =	vld [tilespmem:s12+$0xFFFFFF19];
	_ =	sdelay $0x4  }
0x297: {  	[tilespmem:s29+$0xFFFFFF20] =	vst v1  }
0x298: {  	v1 =	vld [tilespmem:s12+$0xFFFFFF29];
	_ =	sdelay $0x4  }
0x299: {  	[tilespmem:s29+$0xFFFFFF30] =	vst v1  }
0x29a: {  	v1 =	vld [tilespmem:s12+$0xFFFFFF3A];
	_ =	sdelay $0x4  }
0x29b: {  	[tilespmem:s29+$0xFFFFFF40] =	vst v1  }
0x29c: {  	v1 =	vld [tilespmem:s12+$0xFFFFFF4A];
	_ =	sdelay $0x4  }
0x29d: {  	[tilespmem:s29+$0xFFFFFF50] =	vst v1  }
0x29e: {  	v1 =	vld [tilespmem:s12+$0xFFFFFF5B];
	_ =	sdelay $0x4  }
0x29f: {  	[tilespmem:s29+$0xFFFFFF60] =	vst v1  }
0x2a0: {  	v1 =	vld [tilespmem:s12+$0xFFFFFF6B];
	_ =	sdelay $0x4  }
0x2a1: {  	[tilespmem:s29+$0xFFFFFF70] =	vst v1  }
0x2a2: {  	v1 =	vld [tilespmem:s12+$0xFFFFFF7C];
	_ =	sdelay $0x4  }
0x2a3: {  	[tilespmem:s29+$0xFFFFFF80] =	vst v1  }
0x2a4: {  	v1 =	vld [tilespmem:s12+$0xFFFFFF8C];
	_ =	sdelay $0x4  }
0x2a5: {  	[tilespmem:s29+$0xFFFFFF90] =	vst v1  }
0x2a6: {  	v1 =	vld [tilespmem:s12+$0xFFFFFF9D];
	_ =	sdelay $0x4  }
0x2a7: {  	[tilespmem:s29+$0xFFFFFFA0] =	vst v1  }
0x2a8: {  	v1 =	vld [tilespmem:s12+$0xFFFFFFAD];
	_ =	sdelay $0x4  }
0x2a9: {  	[tilespmem:s29+$0xFFFFFFB0] =	vst v1  }
0x2aa: {  	v1 =	vld [tilespmem:s12+$0xFFFFFFBE];
	_ =	sdelay $0x4  }
0x2ab: {  	[tilespmem:s29+$0xFFFFFFC0] =	vst v1  }
0x2ac: {  	v1 =	vld [tilespmem:s12+$0xFFFFFFCE];
	_ =	sdelay $0x4  }
0x2ad: {  	[tilespmem:s29+$0xFFFFFFD0] =	vst v1  }
0x2ae: {  	v1 =	vld [tilespmem:s12+$0xFFFFFFDF];
	_ =	sdelay $0x4  }
0x2af: {  	[tilespmem:s29+$0xFFFFFFE0] =	vst v1  }
0x2b0: {  	v1 =	vld [tilespmem:s12+$0xFFFFFFEF];
	_ =	sdelay $0x4  }
0x2b1: {  	[tilespmem:s29+$0xFFFFFFF0] =	vst v1  }
0x2b2: {  	v1 =	vld [tilespmem:s12+$0x0];
	_ =	sdelay $0x4  }
0x2b3: {  	[tilespmem:s29+$0x0] =	vst v1  }
0x2b4: {  	v1 =	vld [tilespmem:s12+$0x10];
	_ =	sdelay $0x4  }
0x2b5: {  	[tilespmem:s29+$0x10] =	vst v1  }
0x2b6: {  	v1 =	vld [tilespmem:s12+$0x21];
	_ =	sdelay $0x4  }
0x2b7: {  	[tilespmem:s29+$0x20] =	vst v1  }
0x2b8: {  	v1 =	vld [tilespmem:s12+$0x31];
	_ =	sdelay $0x4  }
0x2b9: {  	[tilespmem:s29+$0x30] =	vst v1  }
0x2ba: {  	v1 =	vld [tilespmem:s12+$0x42];
	_ =	sdelay $0x4  }
0x2bb: {  	[tilespmem:s29+$0x40] =	vst v1  }
0x2bc: {  	v1 =	vld [tilespmem:s12+$0x52];
	_ =	sdelay $0x4  }
0x2bd: {  	[tilespmem:s29+$0x50] =	vst v1  }
0x2be: {  	v1 =	vld [tilespmem:s12+$0x63];
	_ =	sdelay $0x4  }
0x2bf: {  	[tilespmem:s29+$0x60] =	vst v1  }
0x2c0: {  	v1 =	vld [tilespmem:s12+$0x73];
	_ =	sdelay $0x4  }
0x2c1: {  	[tilespmem:s29+$0x70] =	vst v1  }
0x2c2: {  	v1 =	vld [tilespmem:s12+$0x84];
	_ =	sdelay $0x4  }
0x2c3: {  	[tilespmem:s29+$0x80] =	vst v1  }
0x2c4: {  	v1 =	vld [tilespmem:s12+$0x94];
	_ =	sdelay $0x4  }
0x2c5: {  	[tilespmem:s29+$0x90] =	vst v1  }
0x2c6: {  	v1 =	vld [tilespmem:s12+$0xA5];
	_ =	sdelay $0x4  }
0x2c7: {  	[tilespmem:s29+$0xA0] =	vst v1  }
0x2c8: {  	v1 =	vld [tilespmem:s12+$0xB5];
	_ =	sdelay $0x4  }
0x2c9: {  	[tilespmem:s29+$0xB0] =	vst v1  }
0x2ca: {  	v1 =	vld [tilespmem:s12+$0xC6];
	_ =	sdelay $0x4  }
0x2cb: {  	[tilespmem:s29+$0xC0] =	vst v1  }
0x2cc: {  	v1 =	vld [tilespmem:s12+$0xD6];
	_ =	sdelay $0x4  }
0x2cd: {  	[tilespmem:s29+$0xD0] =	vst v1  }
0x2ce: {  	v1 =	vld [tilespmem:s12+$0xE7];
	_ =	sdelay $0x4  }
0x2cf: {  	[tilespmem:s29+$0xE0] =	vst v1  }
0x2d0: {  	v1 =	vld [tilespmem:s12+$0xF7]  }
.Ltmp8:
0x2d1: {  	(pc) =	sbr.rel @p1 .LBB2_10-.Ltmp8, $2  }
0x2d2: {  	_ =	sdelay $0x2  }
0x2d3: {  	s12 =	sadd.s32 $0x210, s12;
	[tilespmem:s29+$0xF0] =	vst v1  }
0x2d4: {  	s11 =	sshll.u32 s28, $0xB  }
0x2d5: {  	s11 =	sadd.s32 s7, s11  }
0x2d6: {  	[hbm4b:s11+s4] =	stream.linear.scatter [tilespmem:s23], [sflag:$0x4], $0x4000, $0x38;
	[tilespmem:$0x15A00] =	vst v63  }
.Ltmp9:
0x2d7: {  	s11 =	sadd.s32 s10, s31;
	_ =	swait.ge [sflag:s24], $0x4000;
	(pc) =	sbr.rel .LBB2_12-.Ltmp9, $4  }
0x2d8: {  	p1 =	sgt.u32 s11, $0x7A0;
	[sflag:s24] =	ssyncset.done $0x0  }
0x2d9: {  	s11 =	sshll.u32 @!p1 s11, $0x9;
	s12 =	simm.s32 @!p1 $0x1000;
	s13 =	simm.s32 @!p1 $0x7A1400  }
0x2da: {  	s28 =	simm.s32 @!p1 $0x4000;
	[sflag:s24] =	ssyncadd.s32 $0xFFFFC000;
	s11 =	sadd.s32 @!p1 s1, s11  }
0x2db: {  	[tilespmem:s28], [sflag:$0x2] =	stream.strided.gather @!p1 [hbm4b:s11+s12], $0x4000, s13, s12, $0x38;
	[tilespmem:$0x15A00] =	vst v63  }
.LBB2_13:
0x2dc: {  	_ =	swait.ge [sflag:s25], $0x4000  }
.Ltmp10:
0x2dd: {  	[sflag:s25] =	ssyncset.done $0x0;
	(pc) =	sbr.rel @p0 .LBB2_21-.Ltmp10, $4  }
0x2de: {  	[sflag:s25] =	ssyncadd.s32 $0xFFFFC000  }
0x2df: {  	_ =	swait.ge [sflag:s26], $0x4000  }
0x2e0: {  	[sflag:s26] =	ssyncset.done $0x0  }
0x2e1: {  	[sflag:s26] =	ssyncadd.s32 $0xFFFFC000  }
0x2e2: {  	s0 =	rddreg [dreg:$0x4];
	s11 =	simm.s32 $0x400;
	s12 =	simm.s32 $0x14200  }
0x2e3: {  	[tilespmem:s12], [sflag:$0x7] =	stream.strided.gather [hbm4b:s0+s11], $0x1000, s16, s11, $0x38;
	[tilespmem:$0x15A00] =	vst v63  }
0x2e4: {  	_ =	swait.ge [sflag:s30], $0x1000  }
0x2e5: {  	[sflag:s30] =	ssyncset.done $0x0  }
0x2e6: {  	s31 =	rddreg [dreg:$0x5];
	[sflag:s30] =	ssyncadd.s32 $0xFFFFF000  }
0x2e7: {  	[hbm4b:s31+s11] =	stream.strided.scatter [tilespmem:s12], [sflag:$0x7], $0x1000, s16, s11, $0x38;
	[tilespmem:$0x15A00] =	vst v63  }
0x2e8: {  	_ =	swait.ge [sflag:s30], $0x1000  }
0x2e9: {  	[sflag:s30] =	ssyncset.done $0x0  }
0x2ea: {  	v1 =	vmov v0;
	s0 =	simm.s32 $0x0;
	s11 =	simm.s32 $0x0;
	[sflag:s30] =	ssyncadd.s32 $0xFFFFF000  }
.LBB2_15:
0x2eb: {  	v2 =	vmov s0;
	_ =	sdelay $0x1  }
0x2ec: {  	s12 =	sand.u32 $0x7FFFFF80, s0;
	p1 =	por $0x1, $0x1;
	v3 =	vmov v1;
	s13 =	simm.s32 $0x0  }
.LBB2_16:
0x2ed: {  	s13 =	sshra.s32 s13, $0x2  }
0x2ee: {  	s13 =	sadd.s32 s12, s13  }
0x2ef: {  	v4 =	vld.idx.msk [tilespmem:v2+s13+$0x14200 ss:$0x1], $0xffff;
	_ =	sdelay $0x4  }
0x2f0: {  	[tilespmem:v3+s19+$0x0] =	vst.idx.msk $0xffff, v4  }
0x2f1: {  	v4 =	vadd.s32 $0x1, v3;
	v5 =	vld.idx.msk [tilespmem:v2+s13+$0x14280 ss:$0x1], $0xffff;
	_ =	sdelay $0x4  }
0x2f2: {  	[tilespmem:v4+s19+$0x0] =	vst.idx.msk $0xffff, v5  }
0x2f3: {  	v4 =	vadd.s32 $0x2, v3;
	v5 =	vld.idx.msk [tilespmem:v2+s13+$0x14300 ss:$0x1], $0xffff;
	_ =	sdelay $0x4  }
0x2f4: {  	[tilespmem:v4+s19+$0x0] =	vst.idx.msk $0xffff, v5  }
0x2f5: {  	v4 =	vadd.s32 $0x3, v3;
	v5 =	vld.idx.msk [tilespmem:v2+s13+$0x14380 ss:$0x1], $0xffff;
	_ =	sdelay $0x4  }
0x2f6: {  	[tilespmem:v4+s19+$0x0] =	vst.idx.msk $0xffff, v5  }
0x2f7: {  	v4 =	vadd.s32 $0x4, v3;
	v5 =	vld.idx.msk [tilespmem:v2+s13+$0x14400 ss:$0x1], $0xffff;
	_ =	sdelay $0x4  }
0x2f8: {  	[tilespmem:v4+s19+$0x0] =	vst.idx.msk $0xffff, v5  }
0x2f9: {  	v4 =	vadd.s32 $0x5, v3;
	v5 =	vld.idx.msk [tilespmem:v2+s13+$0x14480 ss:$0x1], $0xffff;
	_ =	sdelay $0x4  }
0x2fa: {  	[tilespmem:v4+s19+$0x0] =	vst.idx.msk $0xffff, v5  }
0x2fb: {  	v4 =	vadd.s32 $0x6, v3;
	v5 =	vld.idx.msk [tilespmem:v2+s13+$0x14500 ss:$0x1], $0xffff;
	_ =	sdelay $0x4  }
0x2fc: {  	[tilespmem:v4+s19+$0x0] =	vst.idx.msk $0xffff, v5  }
0x2fd: {  	v4 =	vadd.s32 $0x7, v3;
	v5 =	vld.idx.msk [tilespmem:v2+s13+$0x14580 ss:$0x1], $0xffff;
	_ =	sdelay $0x4  }
0x2fe: {  	[tilespmem:v4+s19+$0x0] =	vst.idx.msk $0xffff, v5  }
0x2ff: {  	v4 =	vadd.s32 $0x8, v3;
	v5 =	vld.idx.msk [tilespmem:v2+s13+$0x14600 ss:$0x1], $0xffff;
	_ =	sdelay $0x4  }
0x300: {  	[tilespmem:v4+s19+$0x0] =	vst.idx.msk $0xffff, v5  }
0x301: {  	v4 =	vadd.s32 $0x9, v3;
	v5 =	vld.idx.msk [tilespmem:v2+s13+$0x14680 ss:$0x1], $0xffff;
	_ =	sdelay $0x4  }
0x302: {  	[tilespmem:v4+s19+$0x0] =	vst.idx.msk $0xffff, v5  }
0x303: {  	v4 =	vadd.s32 $0xA, v3;
	v5 =	vld.idx.msk [tilespmem:v2+s13+$0x14700 ss:$0x1], $0xffff;
	_ =	sdelay $0x4  }
0x304: {  	[tilespmem:v4+s19+$0x0] =	vst.idx.msk $0xffff, v5  }
0x305: {  	v4 =	vadd.s32 $0xB, v3;
	v5 =	vld.idx.msk [tilespmem:v2+s13+$0x14780 ss:$0x1], $0xffff;
	_ =	sdelay $0x4  }
0x306: {  	[tilespmem:v4+s19+$0x0] =	vst.idx.msk $0xffff, v5  }
0x307: {  	v4 =	vadd.s32 $0xC, v3;
	v5 =	vld.idx.msk [tilespmem:v2+s13+$0x14800 ss:$0x1], $0xffff;
	_ =	sdelay $0x4  }
0x308: {  	[tilespmem:v4+s19+$0x0] =	vst.idx.msk $0xffff, v5  }
0x309: {  	v4 =	vadd.s32 $0xD, v3;
	v5 =	vld.idx.msk [tilespmem:v2+s13+$0x14880 ss:$0x1], $0xffff;
	_ =	sdelay $0x4  }
0x30a: {  	[tilespmem:v4+s19+$0x0] =	vst.idx.msk $0xffff, v5  }
0x30b: {  	v4 =	vadd.s32 $0xE, v3;
	v5 =	vld.idx.msk [tilespmem:v2+s13+$0x14900 ss:$0x1], $0xffff;
	_ =	sdelay $0x4  }
0x30c: {  	[tilespmem:v4+s19+$0x0] =	vst.idx.msk $0xffff, v5  }
0x30d: {  	p2 =	por p1, p1;
	v4 =	vadd.s32 $0xF, v3;
	v5 =	vld.idx.msk [tilespmem:v2+s13+$0x14980 ss:$0x1], $0xffff  }
.Ltmp11:
0x30e: {  	_ = 	snop;
	(pc) =	sbr.rel @p2 .LBB2_16-.Ltmp11, $2  }
0x30f: {  	_ =	sdelay $0x2  }
0x310: {  	p1 =	por $0x0, $0x0;
	v3 =	vadd.s32 $0x10, v3;
	s13 =	simm.s32 $0x2000;
	[tilespmem:v4+s19+$0x0] =	vst.idx.msk $0xffff, v5  }
0x311: {  	s11 =	sadd.s32 $0x1, s11  }
0x312: {  	p1 =	sne.s32 s11, $0x4  }
.Ltmp12:
0x313: {  	_ = 	snop;
	(pc) =	sbr.rel @p1 .LBB2_15-.Ltmp12, $2  }
0x314: {  	_ =	sdelay $0x2  }
0x315: {  	s0 =	sadd.s32 $0x10, s0;
	v1 =	vadd.s32 $0x210, v1  }
0x316: {  	s11 =	simm.s32 $0x8108  }
0x317: {  	v1 =	vld [tilespmem:s11+$0xFFFFFEF8];
	_ =	sdelay $0x3  }
0x318: {  	s0 =	simm.s32 $0x15300  }
0x319: {  	[tilespmem:s0+$0xFFFFFF00] =	vst v1  }
0x31a: {  	v1 =	vld [tilespmem:s11+$0xFFFFFF08];
	_ =	sdelay $0x4  }
0x31b: {  	[tilespmem:s0+$0xFFFFFF10] =	vst v1  }
0x31c: {  	v1 =	vld [tilespmem:s11+$0xFFFFFF19];
	_ =	sdelay $0x4  }
0x31d: {  	[tilespmem:s0+$0xFFFFFF20] =	vst v1  }
0x31e: {  	v1 =	vld [tilespmem:s11+$0xFFFFFF29];
	_ =	sdelay $0x4  }
0x31f: {  	[tilespmem:s0+$0xFFFFFF30] =	vst v1  }
0x320: {  	v1 =	vld [tilespmem:s11+$0xFFFFFF3A];
	_ =	sdelay $0x4  }
0x321: {  	[tilespmem:s0+$0xFFFFFF40] =	vst v1  }
0x322: {  	v1 =	vld [tilespmem:s11+$0xFFFFFF4A];
	_ =	sdelay $0x4  }
0x323: {  	[tilespmem:s0+$0xFFFFFF50] =	vst v1  }
0x324: {  	v1 =	vld [tilespmem:s11+$0xFFFFFF5B];
	_ =	sdelay $0x4  }
0x325: {  	[tilespmem:s0+$0xFFFFFF60] =	vst v1  }
0x326: {  	v1 =	vld [tilespmem:s11+$0xFFFFFF6B];
	_ =	sdelay $0x4  }
0x327: {  	[tilespmem:s0+$0xFFFFFF70] =	vst v1  }
0x328: {  	v1 =	vld [tilespmem:s11+$0xFFFFFF7C];
	_ =	sdelay $0x4  }
0x329: {  	[tilespmem:s0+$0xFFFFFF80] =	vst v1  }
0x32a: {  	v1 =	vld [tilespmem:s11+$0xFFFFFF8C];
	_ =	sdelay $0x4  }
0x32b: {  	[tilespmem:s0+$0xFFFFFF90] =	vst v1  }
0x32c: {  	v1 =	vld [tilespmem:s11+$0xFFFFFF9D];
	_ =	sdelay $0x4  }
0x32d: {  	[tilespmem:s0+$0xFFFFFFA0] =	vst v1  }
0x32e: {  	v1 =	vld [tilespmem:s11+$0xFFFFFFAD];
	_ =	sdelay $0x4  }
0x32f: {  	[tilespmem:s0+$0xFFFFFFB0] =	vst v1  }
0x330: {  	v1 =	vld [tilespmem:s11+$0xFFFFFFBE];
	_ =	sdelay $0x4  }
0x331: {  	[tilespmem:s0+$0xFFFFFFC0] =	vst v1  }
0x332: {  	v1 =	vld [tilespmem:s11+$0xFFFFFFCE];
	_ =	sdelay $0x4  }
0x333: {  	[tilespmem:s0+$0xFFFFFFD0] =	vst v1  }
0x334: {  	v1 =	vld [tilespmem:s11+$0xFFFFFFDF];
	_ =	sdelay $0x4  }
0x335: {  	[tilespmem:s0+$0xFFFFFFE0] =	vst v1  }
0x336: {  	v1 =	vld [tilespmem:s11+$0xFFFFFFEF];
	_ =	sdelay $0x4  }
0x337: {  	[tilespmem:s0+$0xFFFFFFF0] =	vst v1  }
0x338: {  	v1 =	vld [tilespmem:s11+$0x0];
	_ =	sdelay $0x4  }
0x339: {  	[tilespmem:s0+$0x0] =	vst v1  }
0x33a: {  	v1 =	vld [tilespmem:s11+$0x10];
	_ =	sdelay $0x4  }
0x33b: {  	[tilespmem:s0+$0x10] =	vst v1  }
0x33c: {  	v1 =	vld [tilespmem:s11+$0x21];
	_ =	sdelay $0x4  }
0x33d: {  	[tilespmem:s0+$0x20] =	vst v1  }
0x33e: {  	v1 =	vld [tilespmem:s11+$0x31];
	_ =	sdelay $0x4  }
0x33f: {  	[tilespmem:s0+$0x30] =	vst v1  }
0x340: {  	v1 =	vld [tilespmem:s11+$0x42];
	_ =	sdelay $0x4  }
0x341: {  	[tilespmem:s0+$0x40] =	vst v1  }
0x342: {  	v1 =	vld [tilespmem:s11+$0x52];
	_ =	sdelay $0x4  }
0x343: {  	[tilespmem:s0+$0x50] =	vst v1  }
0x344: {  	v1 =	vld [tilespmem:s11+$0x63];
	_ =	sdelay $0x4  }
0x345: {  	[tilespmem:s0+$0x60] =	vst v1  }
0x346: {  	v1 =	vld [tilespmem:s11+$0x73];
	_ =	sdelay $0x4  }
0x347: {  	[tilespmem:s0+$0x70] =	vst v1  }
0x348: {  	v1 =	vld [tilespmem:s11+$0x84];
	_ =	sdelay $0x4  }
0x349: {  	[tilespmem:s0+$0x80] =	vst v1  }
0x34a: {  	v1 =	vld [tilespmem:s11+$0x94];
	_ =	sdelay $0x4  }
0x34b: {  	[tilespmem:s0+$0x90] =	vst v1  }
0x34c: {  	v1 =	vld [tilespmem:s11+$0xA5];
	_ =	sdelay $0x4  }
0x34d: {  	[tilespmem:s0+$0xA0] =	vst v1  }
0x34e: {  	v1 =	vld [tilespmem:s11+$0xB5];
	_ =	sdelay $0x4  }
0x34f: {  	[tilespmem:s0+$0xB0] =	vst v1  }
0x350: {  	v1 =	vld [tilespmem:s11+$0xC6];
	_ =	sdelay $0x4  }
0x351: {  	[tilespmem:s0+$0xC0] =	vst v1  }
0x352: {  	v1 =	vld [tilespmem:s11+$0xD6];
	_ =	sdelay $0x4  }
0x353: {  	[tilespmem:s0+$0xD0] =	vst v1  }
0x354: {  	v1 =	vld [tilespmem:s11+$0xE7];
	_ =	sdelay $0x4  }
0x355: {  	[tilespmem:s0+$0xE0] =	vst v1  }
0x356: {  	v1 =	vld [tilespmem:s11+$0xF7];
	_ =	sdelay $0x4  }
0x357: {  	s12 =	simm.s32 $0x8318;
	s11 =	simm.s32 $0x0;
	[tilespmem:s0+$0xF0] =	vst v1  }
.LBB2_19:
0x358: {  	v1 =	vld [tilespmem:s12+$0xFFFFFEF8];
	s11 =	sadd.s32 $0x10, s11  }
0x359: {  	p1 =	slt.u32 s11, $0x30;
	_ =	sdelay $0x2  }
0x35a: {  	s0 =	sadd.s32 $0x200, s0  }
0x35b: {  	[tilespmem:s0+$0xFFFFFF00] =	vst v1  }
0x35c: {  	v1 =	vld [tilespmem:s12+$0xFFFFFF08];
	_ =	sdelay $0x4  }
0x35d: {  	[tilespmem:s0+$0xFFFFFF10] =	vst v1  }
0x35e: {  	v1 =	vld [tilespmem:s12+$0xFFFFFF19];
	_ =	sdelay $0x4  }
0x35f: {  	[tilespmem:s0+$0xFFFFFF20] =	vst v1  }
0x360: {  	v1 =	vld [tilespmem:s12+$0xFFFFFF29];
	_ =	sdelay $0x4  }
0x361: {  	[tilespmem:s0+$0xFFFFFF30] =	vst v1  }
0x362: {  	v1 =	vld [tilespmem:s12+$0xFFFFFF3A];
	_ =	sdelay $0x4  }
0x363: {  	[tilespmem:s0+$0xFFFFFF40] =	vst v1  }
0x364: {  	v1 =	vld [tilespmem:s12+$0xFFFFFF4A];
	_ =	sdelay $0x4  }
0x365: {  	[tilespmem:s0+$0xFFFFFF50] =	vst v1  }
0x366: {  	v1 =	vld [tilespmem:s12+$0xFFFFFF5B];
	_ =	sdelay $0x4  }
0x367: {  	[tilespmem:s0+$0xFFFFFF60] =	vst v1  }
0x368: {  	v1 =	vld [tilespmem:s12+$0xFFFFFF6B];
	_ =	sdelay $0x4  }
0x369: {  	[tilespmem:s0+$0xFFFFFF70] =	vst v1  }
0x36a: {  	v1 =	vld [tilespmem:s12+$0xFFFFFF7C];
	_ =	sdelay $0x4  }
0x36b: {  	[tilespmem:s0+$0xFFFFFF80] =	vst v1  }
0x36c: {  	v1 =	vld [tilespmem:s12+$0xFFFFFF8C];
	_ =	sdelay $0x4  }
0x36d: {  	[tilespmem:s0+$0xFFFFFF90] =	vst v1  }
0x36e: {  	v1 =	vld [tilespmem:s12+$0xFFFFFF9D];
	_ =	sdelay $0x4  }
0x36f: {  	[tilespmem:s0+$0xFFFFFFA0] =	vst v1  }
0x370: {  	v1 =	vld [tilespmem:s12+$0xFFFFFFAD];
	_ =	sdelay $0x4  }
0x371: {  	[tilespmem:s0+$0xFFFFFFB0] =	vst v1  }
0x372: {  	v1 =	vld [tilespmem:s12+$0xFFFFFFBE];
	_ =	sdelay $0x4  }
0x373: {  	[tilespmem:s0+$0xFFFFFFC0] =	vst v1  }
0x374: {  	v1 =	vld [tilespmem:s12+$0xFFFFFFCE];
	_ =	sdelay $0x4  }
0x375: {  	[tilespmem:s0+$0xFFFFFFD0] =	vst v1  }
0x376: {  	v1 =	vld [tilespmem:s12+$0xFFFFFFDF];
	_ =	sdelay $0x4  }
0x377: {  	[tilespmem:s0+$0xFFFFFFE0] =	vst v1  }
0x378: {  	v1 =	vld [tilespmem:s12+$0xFFFFFFEF];
	_ =	sdelay $0x4  }
0x379: {  	[tilespmem:s0+$0xFFFFFFF0] =	vst v1  }
0x37a: {  	v1 =	vld [tilespmem:s12+$0x0];
	_ =	sdelay $0x4  }
0x37b: {  	[tilespmem:s0+$0x0] =	vst v1  }
0x37c: {  	v1 =	vld [tilespmem:s12+$0x10];
	_ =	sdelay $0x4  }
0x37d: {  	[tilespmem:s0+$0x10] =	vst v1  }
0x37e: {  	v1 =	vld [tilespmem:s12+$0x21];
	_ =	sdelay $0x4  }
0x37f: {  	[tilespmem:s0+$0x20] =	vst v1  }
0x380: {  	v1 =	vld [tilespmem:s12+$0x31];
	_ =	sdelay $0x4  }
0x381: {  	[tilespmem:s0+$0x30] =	vst v1  }
0x382: {  	v1 =	vld [tilespmem:s12+$0x42];
	_ =	sdelay $0x4  }
0x383: {  	[tilespmem:s0+$0x40] =	vst v1  }
0x384: {  	v1 =	vld [tilespmem:s12+$0x52];
	_ =	sdelay $0x4  }
0x385: {  	[tilespmem:s0+$0x50] =	vst v1  }
0x386: {  	v1 =	vld [tilespmem:s12+$0x63];
	_ =	sdelay $0x4  }
0x387: {  	[tilespmem:s0+$0x60] =	vst v1  }
0x388: {  	v1 =	vld [tilespmem:s12+$0x73];
	_ =	sdelay $0x4  }
0x389: {  	[tilespmem:s0+$0x70] =	vst v1  }
0x38a: {  	v1 =	vld [tilespmem:s12+$0x84];
	_ =	sdelay $0x4  }
0x38b: {  	[tilespmem:s0+$0x80] =	vst v1  }
0x38c: {  	v1 =	vld [tilespmem:s12+$0x94];
	_ =	sdelay $0x4  }
0x38d: {  	[tilespmem:s0+$0x90] =	vst v1  }
0x38e: {  	v1 =	vld [tilespmem:s12+$0xA5];
	_ =	sdelay $0x4  }
0x38f: {  	[tilespmem:s0+$0xA0] =	vst v1  }
0x390: {  	v1 =	vld [tilespmem:s12+$0xB5];
	_ =	sdelay $0x4  }
0x391: {  	[tilespmem:s0+$0xB0] =	vst v1  }
0x392: {  	v1 =	vld [tilespmem:s12+$0xC6];
	_ =	sdelay $0x4  }
0x393: {  	[tilespmem:s0+$0xC0] =	vst v1  }
0x394: {  	v1 =	vld [tilespmem:s12+$0xD6];
	_ =	sdelay $0x4  }
0x395: {  	[tilespmem:s0+$0xD0] =	vst v1  }
0x396: {  	v1 =	vld [tilespmem:s12+$0xE7];
	_ =	sdelay $0x4  }
0x397: {  	[tilespmem:s0+$0xE0] =	vst v1  }
0x398: {  	v1 =	vld [tilespmem:s12+$0xF7]  }
.Ltmp13:
0x399: {  	(pc) =	sbr.rel @p1 .LBB2_19-.Ltmp13, $2  }
0x39a: {  	_ =	sdelay $0x2  }
0x39b: {  	s12 =	sadd.s32 $0x210, s12;
	[tilespmem:s0+$0xF0] =	vst v1  }
.Ltmp14:
0x39c: {  	s0 =	rddreg [dreg:$0x6];
	s11 =	simm.s32 $0x15200;
	(pc) =	sbr.rel .LBB2_21-.Ltmp14, $4  }
0x39d: {  	[hbm4b:s0+s4] =	stream.linear.scatter [tilespmem:s11], [sflag:$0x7], $0x800, $0x38;
	[tilespmem:$0x15A00] =	vst v63  }
0x39e: {  	_ =	swait.ge [sflag:s30], $0x800  }
0x39f: {  	[sflag:s30] =	ssyncset.done $0x0  }
0x3a0: {  	[sflag:s30] =	ssyncadd.s32 $0xFFFFF800  }
.LBB2_22:
0x3a1: {  	_ =	sfence.sel $0x180000  }
0x3a2: {  	[bflag:$0x0] =	sbarrier.arrive $0xFFFF  }
0x3a3: {  	_ =	strace $0x90000047  }
0x3a4: {  	s0 =	stileid.u32;
	[bflag:$0x2] =	sbarrier.arrive $0xFFFF  }
0x3a5: {  	p0 =	sne.s32 s0, $0x0;
	s0 =	rddreg [dreg:$0x3]  }
0x3a6: {  	s0 =	sadd.s32 @!p0 $0x100000, s0  }
0x3a7: {  	[sflag:s0] =	ssyncadd.tile.s32 @!p0 $0x1;
	_ =	shalt  }
.Lfunc_end2:
_tile_overlayer_lowered:
.L_overlay_start_2:
0x3a8: {  	(tag) =	ssettag $0x2  }
0x3a9: {  	s0 =	rddreg [dreg:$0x0];
	s2 =	stileid.u32  }
0x3aa: {  	s1 =	rddreg [dreg:$0x1];
	p0 =	sne.s32 s2, $0x0  }
0x3ab: {  	s3 =	rddreg [dreg:$0x2];
	[bflag:$0x3] =	sbarrier.arrive $0xFFFF;
	s2 =	simm.s32 @!p0 $0x1C07  }
0x3ac: {  	[timem:s3], [sflag:s2] =	dma.local @!p0 [hbm:s0], s1  }
0x3ad: {  	s0 =	simm.s32 @!p0 $0x7  }
0x3ae: {  	_ =	swait.ge @!p0 [sflag:s0], s1  }
0x3af: {  	s1 =	ssub.s32 @!p0 $0x0, s1;
	[sflag:s0] =	ssyncset.done @!p0 $0x0  }
0x3b0: {  	[sflag:s0] =	ssyncadd.s32 @!p0 s1  }
0x3b1: {  	[bflag:$0x3] =	sbarrier.arrive $0xFFFF  }
0x3b2: {  	_ =	shalt  }

// kernel: kernel.7.cloned.1.call-start
scs
__scs_entry_jumppad:
0x0: {  	(pc) =	sbr.rel $0x88, $3  }
0x1: {  	(tag) =	ssettag $0x0;
	lr =	simm.s32 $0x1  }
0x2: {  	[smem:$0x3F9F] =	sst lr;
	_ =	strace $0xD0000000  }
0x3: {  	_ = 	snop  }
0x4: {  	_ = 	snop  }
0x5: {  	_ = 	snop  }
0x6: {  	_ = 	snop  }
0x7: {  	_ = 	snop  }
__scs_overlays_trampoline_lowered:
0x8: {  	[smem:$0x3FAE] =	sst s0  }
0x9: {  	[smem:$0x3FAF] =	sst s1  }
0xa: {  	[smem:$0x3FB0] =	sst s2  }
0xb: {  	[smem:$0x3FB1] =	sst s3  }
0xc: {  	[smem:$0x3FB2] =	sst s4  }
0xd: {  	[smem:$0x3FB3] =	sst s5  }
0xe: {  	[smem:$0x3FB4] =	sst s6  }
0xf: {  	[smem:$0x3FB5] =	sst s7  }
0x10: {  	[smem:$0x3FB6] =	sst s8  }
0x11: {  	[smem:$0x3FB7] =	sst s9;
	s0 =	simm.s32 @!p0 $0x0  }
0x12: {  	s1 =	sld [smem:$0x3F9D];
	s0 =	simm.s32 @p0 $0x1  }
0x13: {  	[smem:$0x3FB8] =	sst s0;
	s0 =	simm.s32 @!p1 $0x0  }
0x14: {  	s2 =	sld [smem:$0x3F9C];
	s0 =	simm.s32 @p1 $0x1  }
0x15: {  	[smem:$0x3FB9] =	sst s0;
	s0 =	simm.s32 @!p2 $0x0  }
0x16: {  	s3 =	sld [smem:$0x3FDB];
	s0 =	simm.s32 @p2 $0x1  }
0x17: {  	s4 =	simm.s32 $0x1BF5;
	[smem:$0x3FBB] =	sst s0  }
0x18: {  	s0 =	sld [smem:$0x3F9E];
	_ =	swait.ge [sflag:s4], $0x0  }
0x19: {  	s7 =	sld [smem:$0x3F9F]  }
0x1a: {  	s8 =	sadd.s32 $0xFFFFE003, lr  }
0x1b: {  	s9 =	sadd.s32 $0xFFFFFEF7, lr;
	s5 =	simm.s32 $0xFFFFFFFF;
	p2 =	slt.u32 s8, $0xFFFFF086  }
0x1c: {  	p1 =	slt.u32 s9, $0xF7A;
	s5 =	simm.s32 @!p2 $0x0  }
0x1d: {  	s5 =	simm.s32 @p1 $0x1;
	p0 =	seq.s32 s7, s2  }
0x1e: {  	s7 =	smul.u32 @!p0 $0xF7A, s2;
	p2 =	seq.s32 @!p0 s5, $0x0  }
0x1f: {  	s9 =	smul.u32 $0xF7A, s1;
	s8 =	simm.s32 @!p0 $0x1BF5;
	p2 =	por !p2, p0  }
0x20: {  	[sflag:s8] =	ssyncset.s32 @!p0 $0xFFFFF086;
	s6 =	sadd.s32 @!p0 s3, s7;
	s7 =	simm.s32 @!p0 $0x108  }
0x21: {  	s3 =	sadd.s32 s3, s9;
	s6 =	sadd.s32 @!p0 $0x88, s6;
	s7 =	simm.s32 @p2 $0x1082  }
0x22: {  	[simem:s7], [sflag:s8] =	dma.local @!p0 [hbm:s6], $0xF7A  }
0x23: {  	s9 =	sor.u32 $0xD0000000, s2;
	s6 =	simm.s32 $0x108;
	_ =	swait.ge @!p0 [sflag:s8], $0x0  }
0x24: {  	s3 =	sadd.s32 $0x88, s3;
	s6 =	simm.s32 @!p1 $0x1082;
	[sflag:s4] =	ssyncset.s32 $0xFFFFF086  }
0x25: {  	[simem:s6], [sflag:s4] =	dma.local [hbm:s3], $0xF7A  }
0x26: {  	[smem:$0x3F9F] =	sst s1;
	(tag) =	ssettag s2;
	_ =	strace s9  }
0x27: {  	s1 =	sld [smem:$0x3FAF]  }
0x28: {  	s2 =	sld [smem:$0x3FB0]  }
0x29: {  	s4 =	sld [smem:$0x3FB2]  }
0x2a: {  	p0 =	seq.s32 s5, $0x0;
	s5 =	sld [smem:$0x3FB3]  }
0x2b: {  	s6 =	sld [smem:$0x3FB4]  }
0x2c: {  	s7 =	sld [smem:$0x3FB5]  }
0x2d: {  	s3 =	simm.s32 $0x108;
	s8 =	sld [smem:$0x3FB6]  }
0x2e: {  	s3 =	simm.s32 @!p0 $0x1082;
	s9 =	sld [smem:$0x3FB7]  }
0x2f: {  	lr =	sadd.s32 s0, s3;
	s0 =	sld [smem:$0x3FAE]  }
0x30: {  	s3 =	sld [smem:$0x3FB1]  }
0x31: {  	[smem:$0x3FBA] =	sst s10  }
0x32: {  	s10 =	sld [smem:$0x3FB8];
	_ =	sdelay $0x3  }
0x33: {  	p0 =	seq.s32 s10, $0x1;
	s10 =	sld [smem:$0x3FBA];
	_ =	sdelay $0x3  }
0x34: {  	[smem:$0x3FBA] =	sst s10  }
0x35: {  	s10 =	sld [smem:$0x3FB9];
	_ =	sdelay $0x3  }
0x36: {  	p1 =	seq.s32 s10, $0x1;
	s10 =	sld [smem:$0x3FBA];
	_ =	sdelay $0x3  }
0x37: {  	[smem:$0x3FBA] =	sst s10  }
0x38: {  	s10 =	sld [smem:$0x3FBB]  }
0x39: {  	_ = 	snop;
	(pc) =	sbr.ind lr, $3  }
0x3a: {  	_ = 	snop  }
0x3b: {  	_ = 	snop  }
0x3c: {  	p2 =	seq.s32 s10, $0x1;
	s10 =	sld [smem:$0x3FBA]  }
0x3d: {  	_ =	shalt  }
0x3e: {  	_ =	shalt  }
0x3f: {  	_ =	shalt  }
0x40: {  	_ =	shalt  }
0x41: {  	_ =	shalt  }
0x42: {  	_ =	shalt  }
0x43: {  	_ =	shalt  }
0x44: {  	_ =	shalt  }
0x45: {  	_ =	shalt  }
0x46: {  	_ =	shalt  }
0x47: {  	_ =	shalt  }
0x48: {  	_ =	shalt  }
0x49: {  	_ =	shalt  }
0x4a: {  	_ =	shalt  }
0x4b: {  	_ =	shalt  }
0x4c: {  	_ =	shalt  }
0x4d: {  	_ =	shalt  }
0x4e: {  	_ =	shalt  }
0x4f: {  	_ =	shalt  }
0x50: {  	_ =	shalt  }
0x51: {  	_ =	shalt  }
0x52: {  	_ =	shalt  }
0x53: {  	_ =	shalt  }
0x54: {  	_ =	shalt  }
0x55: {  	_ =	shalt  }
0x56: {  	_ =	shalt  }
0x57: {  	_ =	shalt  }
0x58: {  	_ =	shalt  }
0x59: {  	_ =	shalt  }
0x5a: {  	_ =	shalt  }
0x5b: {  	_ =	shalt  }
0x5c: {  	_ =	shalt  }
0x5d: {  	_ =	shalt  }
0x5e: {  	_ =	shalt  }
0x5f: {  	_ =	shalt  }
0x60: {  	_ =	shalt  }
0x61: {  	_ =	shalt  }
0x62: {  	_ =	shalt  }
0x63: {  	_ =	shalt  }
0x64: {  	_ =	shalt  }
0x65: {  	_ =	shalt  }
0x66: {  	_ =	shalt  }
0x67: {  	_ =	shalt  }
0x68: {  	_ =	shalt  }
0x69: {  	_ =	shalt  }
0x6a: {  	_ =	shalt  }
0x6b: {  	_ =	shalt  }
0x6c: {  	_ =	shalt  }
0x6d: {  	_ =	shalt  }
0x6e: {  	_ =	shalt  }
0x6f: {  	_ =	shalt  }
0x70: {  	_ =	shalt  }
0x71: {  	_ =	shalt  }
0x72: {  	_ =	shalt  }
0x73: {  	_ =	shalt  }
0x74: {  	_ =	shalt  }
0x75: {  	_ =	shalt  }
0x76: {  	_ =	shalt  }
0x77: {  	_ =	shalt  }
0x78: {  	_ =	shalt  }
0x79: {  	_ =	shalt  }
0x7a: {  	_ =	shalt  }
0x7b: {  	_ =	shalt  }
0x7c: {  	_ =	shalt  }
0x7d: {  	_ =	shalt  }
0x7e: {  	_ =	shalt  }
0x7f: {  	_ =	shalt  }
0x80: {  	_ =	shalt  }
0x81: {  	_ =	shalt  }
0x82: {  	_ =	shalt  }
0x83: {  	_ =	shalt  }
0x84: {  	_ =	shalt  }
0x85: {  	_ =	shalt  }
0x86: {  	_ =	shalt  }
0x87: {  	_ =	shalt  }
.Lfunc_end0:
.L_simem_size_0:
called_computation.2_lowered:
.L_overlay_start_0:
0x88: {  	s2 =	sld [smem:$0x3FD9]  }
0x89: {  	s3 =	sld [smem:$0x3FFE];
	_ =	sdelay $0x1  }
0x8a: {  	s1 =	srdreg.scid  }
0x8b: {  	s0 =	sand.u32 $0x1, s1  }
0x8c: {  	s14 =	sshll.u32 s0, $0xA;
	s2 =	sadd.s32 s3, s2  }
0x8d: {  	s2 =	sadd.s32 s2, s14  }
0x8e: {  	[smem:$0x3FC6] =	sst s2  }
0x8f: {  	_ = 	snop  }
0x90: {  	s2 =	sld [smem:$0x3FD0];
	_ =	sdelay $0x2  }
0x91: {  	s15 =	simm.s32 $0xA;
	s4 =	simm.s32 $0x10  }
0x92: {  	[smem:s4], [sflag:s15] =	dma.local [hbm:s2], $0x1  }
0x93: {  	_ =	swait.eq [sflag:s15], $0x1  }
0x94: {  	[sflag:s15] =	ssyncset.done $0x0  }
0x95: {  	[sflag:s15] =	ssyncadd.s32 $0xFFFFFFFF  }
0x96: {  	s16 =	sld [smem:$0x10];
	(tm) =	ssettm $0x1  }
0x97: {  	s17 =	sld [smem:$0x3FFB];
	_ =	sdelay $0x3  }
0x98: {  	_ =	strace s17  }
0x99: {  	s3 =	sld [smem:$0x3FFC];
	_ =	sdelay $0x3  }
0x9a: {  	_ =	strace s3  }
0x9b: {  	s3 =	sld [smem:$0x3FFD];
	_ =	sdelay $0x3  }
0x9c: {  	_ =	strace s3  }
0x9d: {  	_ =	strace $0x8FFFFFFF  }
0x9e: {  	s18 =	sld [smem:$0x3FDB];
	_ =	sdelay $0x1  }
0x9f: {  	s19 =	simm.s32 $_scs_section_size  }
0xa0: {  	s5 =	simm.s32 $_size__tile_overlayer_lowered;
	s6 =	simm.s32 $_tile_overlayer_lowered  }
0xa1: {  	s22 =	simm.s32 $0x1BFF;
	s21 =	sshll.u32 s6, $0x1;
	s3 =	sadd.s32 s19, s18  }
0xa2: {  	s7 =	simm.s32 $0x0;
	s20 =	sshll.u32 s5, $0x1;
	s5 =	sadd.s32 s21, s3  }
0xa3: {  	[timem:s7], [sflag:s22] =	dma.local [hbm:s5], s20  }
0xa4: {  	_ =	swait.ge [sflag:s22], s20  }
0xa5: {  	s4 =	ssub.s32 $0x0, s20;
	[sflag:s22] =	ssyncset.done $0x0  }
0xa6: {  	[sflag:s22] =	ssyncadd.s32 s4;
	_ =	sdelay $0x1  }
0xa7: {  	s23 =	simm.s32 $0x1B8B  }
0xa8: {  	_ =	swait.ge [sflag:s23], $0x1  }
0xa9: {  	[sflag:s23] =	ssyncset.done $0x0  }
0xaa: {  	s25 =	simm.s32 $0x1B8E;
	s24 =	sld [smem:$0x3FFE];
	[sflag:s23] =	ssyncadd.s32 $0xFFFFFFFF  }
0xab: {  	s26 =	simm.s32 $execute0_lowered;
	[smem:$0x3FD2] =	sst s25  }
0xac: {  	s5 =	sshll.u32 s26, $0x1;
	_ =	strace $0x80000049;
	[dreg:$0x1] =	wrdreg $0xFFFFFFFF  }
0xad: {  	s28 =	simm.s32 $_size_execute0_lowered;
	s3 =	sadd.s32 s3, s5;
	[dreg:$0x0] =	wrdreg $0x0  }
0xae: {  	s5 =	sshll.u32 s28, $0x1;
	[dreg:$0x2] =	wrdreg s3  }
0xaf: {  	[dreg:$0x3] =	wrdreg s5  }
0xb0: {  	[dreg:$0x4] =	wrdreg $0xC0  }
0xb1: {  	_ =	task [dreg:s7], $0x5FFFF  }
0xb2: {  	[dreg:$0x1] =	wrdreg $0xFFFFFFFF  }
0xb3: {  	[dreg:$0x0] =	wrdreg $0x60  }
0xb4: {  	[dreg:$0x2] =	wrdreg s24  }
0xb5: {  	[dreg:$0x3] =	wrdreg s16  }
0xb6: {  	[dreg:$0x4] =	wrdreg $0x9  }
0xb7: {  	_ =	task.clear_ibuf [dreg:s7], $0x5FFFF;
	_ =	strace $0x90000049  }
0xb8: {  	s29 =	simm.s32 $0x9;
	_ =	strace $0x8000004B  }
0xb9: {  	_ =	swait.ge [sflag:s29], $0x1  }
0xba: {  	[sflag:s29] =	ssyncadd.s32 $0xFFFFFFFF  }
0xbb: {  	_ =	strace $0x9000004B  }
0xbc: {  	_ =	sfence  }
0xbd: {  	s30 =	sld [smem:$0x0];
	_ =	sdelay $0x2  }
0xbe: {  	s31 =	sshll.u32 s1, $0xD;
	s1 =	sshrl.u32 s1, $0x2  }
0xbf: {  	s3 =	sand.u32 $0x4000, s31;
	s1 =	sadd.s32 s1, s30  }
0xc0: {  	s0 =	sor.u32 s3, s0;
	s1 =	sshll.u32 s1, $0x11  }
0xc1: {  	s0 =	sor.u32 s1, s0  }
0xc2: {  	s0 =	sadd.s32 $0x8F2B, s0  }
0xc3: {  	[sflag:s0] =	ssyncadd.remote.s32 $0x1  }
0xc4: {  	_ =	sfence.sel $0xFFFF  }
0xc5: {  	[dreg:$0x0] =	wrdreg $0xFFFFFFFF;
	(pc) =	sbr.abs _section_cstart, $3  }
0xc6: {  	[dreg:$0x1] =	wrdreg $0xFFFFFFFF  }
0xc7: {  	_ =	task.clear_ibuf [dreg:s7], $0x2FFFF;
	_ =	strace $0x9FFFFFFF  }
0xc8: {  	(tm) =	ssettm $0x7FFFFFFF  }
0xc9: {  	_ =	shalt  }
tec
execute0_lowered:
.L_overlay_start_1:
0x0: {  	(tag) =	ssettag $0x1  }
0x1: {  	s1 =	srdreg.scid;
	s0 =	stileid.u32  }
0x2: {  	s17 =	sand.u32 $0x1, s1;
	s30 =	sshll.u32 s0, $0x1  }
0x3: {  	s5 =	rddreg [dreg:$0x0];
	s8 =	sor.u32 s17, s30  }
0x4: {  	s16 =	rddreg [dreg:$0x1];
	s18 =	smul.u32 $0x2800, s8  }
0x5: {  	s2 =	simm.s32 $0x0;
	s1 =	rddreg [dreg:$0x2]  }
0x6: {  	[smem:$0x7FF] =	sst s2;
	s15 =	sadd.s32 $0x3D1C00, s5;
	s3 =	sshrl.u32 s18, $0x3  }
0x7: {  	_ =	strace $0x8000004A;
	s4 =	sadd.s32 s15, s3;
	s3 =	simm.s32 $0x2  }
0x8: {  	[tilespmem:s2], [sflag:$0x2] =	stream.linear.gather [hbm4b:s4+s2], $0x800, $0x38;
	[tilespmem:$0x10800] =	vst v63  }
0x9: {  	_ =	swait.ge [sflag:s3], $0x800  }
0xa: {  	s6 =	simm.s32 $0x800;
	[sflag:s3] =	ssyncset.done $0x0  }
0xb: {  	s7 =	simm.s32 $0x1;
	s5 =	sadd.s32 $0x1200, s5;
	[sflag:s3] =	ssyncadd.s32 $0xFFFFF800  }
0xc: {  	[tilespmem:s6], [sflag:$0x1] =	stream.indirect.gather [hbm4b:s5+s6], $0x20, s2, s6, $0xb8;
	[tilespmem:$0x10800] =	vst v63  }
0xd: {  	s8 =	smul.u32 $0xA000, s8;
	_ =	swait.ge [sflag:s7], $0x10000  }
0xe: {  	[sflag:s7] =	ssyncset.done $0x0  }
0xf: {  	s8 =	sadd.s32 s16, s8;
	[sflag:s7] =	ssyncadd.s32 $0xFFFF0000  }
0x10: {  	[hbm4b:s8+s2] =	stream.linear.scatter [tilespmem:s6], [sflag:$0x2], $0x10000, $0x38;
	[tilespmem:$0x10800] =	vst v63  }
0x11: {  	s10 =	sadd.s32 $0x800, s18;
	_ =	swait.ge [sflag:s3], $0x10000  }
0x12: {  	s9 =	sshrl.u32 s10, $0x3;
	[sflag:s3] =	ssyncset.done $0x0  }
0x13: {  	s9 =	sadd.s32 s15, s9;
	[sflag:s3] =	ssyncadd.s32 $0xFFFF0000  }
0x14: {  	[tilespmem:s2], [sflag:$0x2] =	stream.linear.gather [hbm4b:s9+s2], $0x800, $0x38;
	[tilespmem:$0x10800] =	vst v63  }
0x15: {  	_ =	swait.ge [sflag:s3], $0x800  }
0x16: {  	[sflag:s3] =	ssyncset.done $0x0  }
0x17: {  	[sflag:s3] =	ssyncadd.s32 $0xFFFFF800  }
0x18: {  	[tilespmem:s6], [sflag:$0x1] =	stream.indirect.gather [hbm4b:s5+s6], $0x20, s2, s6, $0xb8;
	[tilespmem:$0x10800] =	vst v63  }
0x19: {  	_ =	swait.ge [sflag:s7], $0x10000  }
0x1a: {  	s10 =	sshll.u32 s10, $0x2;
	[sflag:s7] =	ssyncset.done $0x0  }
0x1b: {  	s10 =	sadd.s32 s16, s10;
	[sflag:s7] =	ssyncadd.s32 $0xFFFF0000  }
0x1c: {  	[hbm4b:s10+s2] =	stream.linear.scatter [tilespmem:s6], [sflag:$0x2], $0x10000, $0x38;
	[tilespmem:$0x10800] =	vst v63  }
0x1d: {  	s12 =	sadd.s32 $0x1000, s18;
	_ =	swait.ge [sflag:s3], $0x10000  }
0x1e: {  	s11 =	sshrl.u32 s12, $0x3;
	[sflag:s3] =	ssyncset.done $0x0  }
0x1f: {  	s11 =	sadd.s32 s15, s11;
	[sflag:s3] =	ssyncadd.s32 $0xFFFF0000  }
0x20: {  	[tilespmem:s2], [sflag:$0x2] =	stream.linear.gather [hbm4b:s11+s2], $0x800, $0x38;
	[tilespmem:$0x10800] =	vst v63  }
0x21: {  	_ =	swait.ge [sflag:s3], $0x800  }
0x22: {  	[sflag:s3] =	ssyncset.done $0x0  }
0x23: {  	[sflag:s3] =	ssyncadd.s32 $0xFFFFF800  }
0x24: {  	[tilespmem:s6], [sflag:$0x1] =	stream.indirect.gather [hbm4b:s5+s6], $0x20, s2, s6, $0xb8;
	[tilespmem:$0x10800] =	vst v63  }
0x25: {  	_ =	swait.ge [sflag:s7], $0x10000  }
0x26: {  	s12 =	sshll.u32 s12, $0x2;
	[sflag:s7] =	ssyncset.done $0x0  }
0x27: {  	s12 =	sadd.s32 s16, s12;
	[sflag:s7] =	ssyncadd.s32 $0xFFFF0000  }
0x28: {  	[hbm4b:s12+s2] =	stream.linear.scatter [tilespmem:s6], [sflag:$0x2], $0x10000, $0x38;
	[tilespmem:$0x10800] =	vst v63  }
0x29: {  	s14 =	sadd.s32 $0x1800, s18;
	_ =	swait.ge [sflag:s3], $0x10000  }
0x2a: {  	s13 =	sshrl.u32 s14, $0x3;
	[sflag:s3] =	ssyncset.done $0x0  }
0x2b: {  	s13 =	sadd.s32 s15, s13;
	[sflag:s3] =	ssyncadd.s32 $0xFFFF0000  }
0x2c: {  	[tilespmem:s2], [sflag:$0x2] =	stream.linear.gather [hbm4b:s13+s2], $0x800, $0x38;
	[tilespmem:$0x10800] =	vst v63  }
0x2d: {  	_ =	swait.ge [sflag:s3], $0x800  }
0x2e: {  	[sflag:s3] =	ssyncset.done $0x0  }
0x2f: {  	[sflag:s3] =	ssyncadd.s32 $0xFFFFF800  }
0x30: {  	[tilespmem:s6], [sflag:$0x1] =	stream.indirect.gather [hbm4b:s5+s6], $0x20, s2, s6, $0xb8;
	[tilespmem:$0x10800] =	vst v63  }
0x31: {  	_ =	swait.ge [sflag:s7], $0x10000  }
0x32: {  	s14 =	sshll.u32 s14, $0x2;
	[sflag:s7] =	ssyncset.done $0x0  }
0x33: {  	s14 =	sadd.s32 s16, s14;
	[sflag:s7] =	ssyncadd.s32 $0xFFFF0000  }
0x34: {  	[hbm4b:s14+s2] =	stream.linear.scatter [tilespmem:s6], [sflag:$0x2], $0x10000, $0x38;
	[tilespmem:$0x10800] =	vst v63  }
0x35: {  	s18 =	sadd.s32 $0x2000, s18;
	_ =	swait.ge [sflag:s3], $0x10000  }
0x36: {  	s19 =	sshrl.u32 s18, $0x3;
	[sflag:s3] =	ssyncset.done $0x0  }
0x37: {  	s17 =	ssub.s32 $0x2, s17;
	s15 =	sadd.s32 s15, s19;
	[sflag:s3] =	ssyncadd.s32 $0xFFFF0000  }
0x38: {  	[tilespmem:s2], [sflag:$0x2] =	stream.linear.gather [hbm4b:s15+s2], $0x800, $0x38;
	[tilespmem:$0x10800] =	vst v63  }
0x39: {  	s31 =	sshrl.u32 s17, $0x1;
	_ =	swait.ge [sflag:s3], $0x800  }
0x3a: {  	s17 =	ssub.s32 s17, s31;
	[sflag:s3] =	ssyncset.done $0x0  }
0x3b: {  	s17 =	smax.u32 s17, $0x1;
	[sflag:s3] =	ssyncadd.s32 $0xFFFFF800  }
0x3c: {  	[tilespmem:s6], [sflag:$0x1] =	stream.indirect.gather [hbm4b:s5+s6], $0x20, s2, s6, $0xb8;
	[tilespmem:$0x10800] =	vst v63  }
0x3d: {  	p0 =	sne.s32 s17, $0x1;
	_ =	swait.ge [sflag:s7], $0x10000  }
.Ltmp0:
0x3e: {  	s18 =	sshll.u32 s18, $0x2;
	[sflag:s7] =	ssyncset.done $0x0;
	(pc) =	sbr.rel @!p0 .LBB2_2-.Ltmp0, $4  }
0x3f: {  	s16 =	sadd.s32 s16, s18;
	[sflag:s7] =	ssyncadd.s32 $0xFFFF0000  }
0x40: {  	[hbm4b:s16+s2] =	stream.linear.scatter [tilespmem:s6], [sflag:$0x2], $0x10000, $0x38;
	[tilespmem:$0x10800] =	vst v63  }
0x41: {  	_ =	swait.ge [sflag:s3], $0x10000  }
0x42: {  	s17 =	sadd.s32 $0xFFFFFFFF, s17;
	[sflag:s3] =	ssyncset.done $0x0  }
.LBB2_1:
0x43: {  	p0 =	sne.s32 s17, $0x1;
	s17 =	sadd.s32 $0xFFFFFFFF, s17;
	[sflag:s3] =	ssyncadd.s32 $0xFFFF0000  }
0x44: {  	[tilespmem:s2], [sflag:$0x2] =	stream.linear.gather [hbm4b:s4+s2], $0x800, $0x38;
	[tilespmem:$0x10800] =	vst v63  }
0x45: {  	_ =	swait.ge [sflag:s3], $0x800  }
0x46: {  	[sflag:s3] =	ssyncset.done $0x0  }
0x47: {  	[sflag:s3] =	ssyncadd.s32 $0xFFFFF800  }
0x48: {  	[tilespmem:s6], [sflag:$0x1] =	stream.indirect.gather [hbm4b:s5+s6], $0x20, s2, s6, $0xb8;
	[tilespmem:$0x10800] =	vst v63  }
0x49: {  	_ =	swait.ge [sflag:s7], $0x10000  }
0x4a: {  	[sflag:s7] =	ssyncset.done $0x0  }
0x4b: {  	[sflag:s7] =	ssyncadd.s32 $0xFFFF0000  }
0x4c: {  	[hbm4b:s8+s2] =	stream.linear.scatter [tilespmem:s6], [sflag:$0x2], $0x10000, $0x38;
	[tilespmem:$0x10800] =	vst v63  }
0x4d: {  	_ =	swait.ge [sflag:s3], $0x10000  }
0x4e: {  	[sflag:s3] =	ssyncset.done $0x0  }
0x4f: {  	[sflag:s3] =	ssyncadd.s32 $0xFFFF0000  }
0x50: {  	[tilespmem:s2], [sflag:$0x2] =	stream.linear.gather [hbm4b:s9+s2], $0x800, $0x38;
	[tilespmem:$0x10800] =	vst v63  }
0x51: {  	_ =	swait.ge [sflag:s3], $0x800  }
0x52: {  	[sflag:s3] =	ssyncset.done $0x0  }
0x53: {  	[sflag:s3] =	ssyncadd.s32 $0xFFFFF800  }
0x54: {  	[tilespmem:s6], [sflag:$0x1] =	stream.indirect.gather [hbm4b:s5+s6], $0x20, s2, s6, $0xb8;
	[tilespmem:$0x10800] =	vst v63  }
0x55: {  	_ =	swait.ge [sflag:s7], $0x10000  }
0x56: {  	[sflag:s7] =	ssyncset.done $0x0  }
0x57: {  	[sflag:s7] =	ssyncadd.s32 $0xFFFF0000  }
0x58: {  	[hbm4b:s10+s2] =	stream.linear.scatter [tilespmem:s6], [sflag:$0x2], $0x10000, $0x38;
	[tilespmem:$0x10800] =	vst v63  }
0x59: {  	_ =	swait.ge [sflag:s3], $0x10000  }
0x5a: {  	[sflag:s3] =	ssyncset.done $0x0  }
0x5b: {  	[sflag:s3] =	ssyncadd.s32 $0xFFFF0000  }
0x5c: {  	[tilespmem:s2], [sflag:$0x2] =	stream.linear.gather [hbm4b:s11+s2], $0x800, $0x38;
	[tilespmem:$0x10800] =	vst v63  }
0x5d: {  	_ =	swait.ge [sflag:s3], $0x800  }
0x5e: {  	[sflag:s3] =	ssyncset.done $0x0  }
0x5f: {  	[sflag:s3] =	ssyncadd.s32 $0xFFFFF800  }
0x60: {  	[tilespmem:s6], [sflag:$0x1] =	stream.indirect.gather [hbm4b:s5+s6], $0x20, s2, s6, $0xb8;
	[tilespmem:$0x10800] =	vst v63  }
0x61: {  	_ =	swait.ge [sflag:s7], $0x10000  }
0x62: {  	[sflag:s7] =	ssyncset.done $0x0  }
0x63: {  	[sflag:s7] =	ssyncadd.s32 $0xFFFF0000  }
0x64: {  	[hbm4b:s12+s2] =	stream.linear.scatter [tilespmem:s6], [sflag:$0x2], $0x10000, $0x38;
	[tilespmem:$0x10800] =	vst v63  }
0x65: {  	_ =	swait.ge [sflag:s3], $0x10000  }
0x66: {  	[sflag:s3] =	ssyncset.done $0x0  }
0x67: {  	[sflag:s3] =	ssyncadd.s32 $0xFFFF0000  }
0x68: {  	[tilespmem:s2], [sflag:$0x2] =	stream.linear.gather [hbm4b:s13+s2], $0x800, $0x38;
	[tilespmem:$0x10800] =	vst v63  }
0x69: {  	_ =	swait.ge [sflag:s3], $0x800  }
0x6a: {  	[sflag:s3] =	ssyncset.done $0x0  }
0x6b: {  	[sflag:s3] =	ssyncadd.s32 $0xFFFFF800  }
0x6c: {  	[tilespmem:s6], [sflag:$0x1] =	stream.indirect.gather [hbm4b:s5+s6], $0x20, s2, s6, $0xb8;
	[tilespmem:$0x10800] =	vst v63  }
0x6d: {  	_ =	swait.ge [sflag:s7], $0x10000  }
0x6e: {  	[sflag:s7] =	ssyncset.done $0x0  }
0x6f: {  	[sflag:s7] =	ssyncadd.s32 $0xFFFF0000  }
0x70: {  	[hbm4b:s14+s2] =	stream.linear.scatter [tilespmem:s6], [sflag:$0x2], $0x10000, $0x38;
	[tilespmem:$0x10800] =	vst v63  }
0x71: {  	_ =	swait.ge [sflag:s3], $0x10000  }
0x72: {  	[sflag:s3] =	ssyncset.done $0x0  }
0x73: {  	[sflag:s3] =	ssyncadd.s32 $0xFFFF0000  }
0x74: {  	[tilespmem:s2], [sflag:$0x2] =	stream.linear.gather [hbm4b:s15+s2], $0x800, $0x38;
	[tilespmem:$0x10800] =	vst v63  }
0x75: {  	_ =	swait.ge [sflag:s3], $0x800  }
0x76: {  	[sflag:s3] =	ssyncset.done $0x0  }
0x77: {  	[sflag:s3] =	ssyncadd.s32 $0xFFFFF800  }
0x78: {  	[tilespmem:s6], [sflag:$0x1] =	stream.indirect.gather [hbm4b:s5+s6], $0x20, s2, s6, $0xb8;
	[tilespmem:$0x10800] =	vst v63  }
0x79: {  	_ =	swait.ge [sflag:s7], $0x10000  }
.Ltmp1:
0x7a: {  	[sflag:s7] =	ssyncset.done $0x0;
	(pc) =	sbr.rel @p0 .LBB2_1-.Ltmp1, $4  }
0x7b: {  	[sflag:s7] =	ssyncadd.s32 $0xFFFF0000  }
0x7c: {  	[hbm4b:s16+s2] =	stream.linear.scatter [tilespmem:s6], [sflag:$0x2], $0x10000, $0x38;
	[tilespmem:$0x10800] =	vst v63  }
0x7d: {  	_ =	swait.ge [sflag:s3], $0x10000  }
0x7e: {  	[sflag:s3] =	ssyncset.done $0x0  }
.LBB2_2:
0x7f: {  	[sflag:s3] =	ssyncadd.s32 $0xFFFF0000  }
0x80: {  	_ =	sfence.sel $0x180000  }
0x81: {  	[bflag:$0x0] =	sbarrier.arrive $0xFFFF  }
0x82: {  	p0 =	sne.s32 s0, $0x0;
	_ =	strace $0x9000004A  }
0x83: {  	s0 =	sadd.s32 @!p0 $0x100000, s1;
	[bflag:$0x2] =	sbarrier.arrive $0xFFFF  }
0x84: {  	[sflag:s0] =	ssyncadd.tile.s32 @!p0 $0x1;
	_ =	shalt  }
.Lfunc_end2:
_tile_overlayer_lowered:
.L_overlay_start_2:
0x85: {  	(tag) =	ssettag $0x2  }
0x86: {  	s0 =	rddreg [dreg:$0x0];
	s2 =	stileid.u32  }
0x87: {  	s1 =	rddreg [dreg:$0x1];
	p0 =	sne.s32 s2, $0x0  }
0x88: {  	s3 =	rddreg [dreg:$0x2];
	[bflag:$0x3] =	sbarrier.arrive $0xFFFF;
	s2 =	simm.s32 @!p0 $0x1C02  }
0x89: {  	[timem:s3], [sflag:s2] =	dma.local @!p0 [hbm:s0], s1  }
0x8a: {  	s0 =	simm.s32 @!p0 $0x2  }
0x8b: {  	_ =	swait.ge @!p0 [sflag:s0], s1  }
0x8c: {  	s1 =	ssub.s32 @!p0 $0x0, s1;
	[sflag:s0] =	ssyncset.done @!p0 $0x0  }
0x8d: {  	[sflag:s0] =	ssyncadd.s32 @!p0 s1  }
0x8e: {  	[bflag:$0x3] =	sbarrier.arrive $0xFFFF  }
0x8f: {  	_ =	shalt  }

// kernel: sparse-core-data-format-call.cloned.1.call-start
scs
called_computation_lowered:
.L_overlay_start_0:
0x0: {  	s2 =	sld [smem:$0x3FD9]  }
0x1: {  	s3 =	sld [smem:$0x3FFE];
	_ =	sdelay $0x1  }
0x2: {  	s1 =	srdreg.scid  }
0x3: {  	s0 =	sand.u32 $0x1, s1  }
0x4: {  	s15 =	sshll.u32 s0, $0xA;
	s2 =	sadd.s32 s3, s2  }
0x5: {  	s2 =	sadd.s32 s2, s15  }
0x6: {  	[smem:$0x3FC6] =	sst s2  }
0x7: {  	_ = 	snop  }
0x8: {  	s2 =	sld [smem:$0x3FD0];
	_ =	sdelay $0x2  }
0x9: {  	s16 =	simm.s32 $0xA;
	s4 =	simm.s32 $0x10  }
0xa: {  	[smem:s4], [sflag:s16] =	dma.local [hbm:s2], $0x1  }
0xb: {  	_ =	swait.eq [sflag:s16], $0x1  }
0xc: {  	[sflag:s16] =	ssyncset.done $0x0  }
0xd: {  	[sflag:s16] =	ssyncadd.s32 $0xFFFFFFFF  }
0xe: {  	s17 =	sld [smem:$0x10];
	(tm) =	ssettm $0x1  }
0xf: {  	s18 =	sld [smem:$0x3FFB];
	_ =	sdelay $0x3  }
0x10: {  	_ =	strace s18  }
0x11: {  	s3 =	sld [smem:$0x3FFC];
	_ =	sdelay $0x3  }
0x12: {  	_ =	strace s3  }
0x13: {  	s3 =	sld [smem:$0x3FFD];
	_ =	sdelay $0x3  }
0x14: {  	_ =	strace s3  }
0x15: {  	_ =	strace $0x8FFFFFFF  }
0x16: {  	s19 =	sld [smem:$0x3FDB];
	_ =	sdelay $0x1  }
0x17: {  	s20 =	simm.s32 $_scs_section_size  }
0x18: {  	s5 =	simm.s32 $_size__tile_overlayer_lowered;
	s6 =	simm.s32 $_tile_overlayer_lowered  }
0x19: {  	s23 =	simm.s32 $0x1BFF;
	s22 =	sshll.u32 s6, $0x1;
	s3 =	sadd.s32 s20, s19  }
0x1a: {  	s7 =	simm.s32 $0x0;
	s21 =	sshll.u32 s5, $0x1;
	s5 =	sadd.s32 s22, s3  }
0x1b: {  	[timem:s7], [sflag:s23] =	dma.local [hbm:s5], s21  }
0x1c: {  	_ =	swait.ge [sflag:s23], s21  }
0x1d: {  	s4 =	ssub.s32 $0x0, s21;
	[sflag:s23] =	ssyncset.done $0x0  }
0x1e: {  	[sflag:s23] =	ssyncadd.s32 s4;
	_ =	sdelay $0x1  }
0x1f: {  	s24 =	simm.s32 $0x1B8B  }
0x20: {  	_ =	swait.ge [sflag:s24], $0x1  }
0x21: {  	[sflag:s24] =	ssyncset.done $0x0  }
0x22: {  	s26 =	simm.s32 $0x1B8E;
	s25 =	sld [smem:$0x3FFE];
	[sflag:s24] =	ssyncadd.s32 $0xFFFFFFFF  }
0x23: {  	s27 =	simm.s32 $execute0_lowered;
	[smem:$0x3FD2] =	sst s26  }
0x24: {  	s5 =	sshll.u32 s27, $0x1;
	_ =	strace $0x8000004C;
	[dreg:$0x1] =	wrdreg $0xFFFFFFFF  }
0x25: {  	s28 =	simm.s32 $_size_execute0_lowered;
	s3 =	sadd.s32 s3, s5;
	[dreg:$0x0] =	wrdreg $0x0  }
0x26: {  	s5 =	sshll.u32 s28, $0x1;
	[dreg:$0x2] =	wrdreg s3  }
0x27: {  	[dreg:$0x3] =	wrdreg s5  }
0x28: {  	[dreg:$0x4] =	wrdreg $0xC0  }
0x29: {  	_ =	task [dreg:s7], $0x5FFFF  }
0x2a: {  	[dreg:$0x1] =	wrdreg $0xFFFFFFFF  }
0x2b: {  	[dreg:$0x0] =	wrdreg $0x60  }
0x2c: {  	[dreg:$0x2] =	wrdreg s25  }
0x2d: {  	[dreg:$0x3] =	wrdreg s17  }
0x2e: {  	[dreg:$0x4] =	wrdreg $0x9  }
0x2f: {  	_ =	task.clear_ibuf [dreg:s7], $0x5FFFF;
	_ =	strace $0x9000004C  }
0x30: {  	s29 =	simm.s32 $0x9;
	_ =	strace $0x8000004E  }
0x31: {  	_ =	swait.ge [sflag:s29], $0x1  }
0x32: {  	[sflag:s29] =	ssyncadd.s32 $0xFFFFFFFF  }
0x33: {  	_ =	strace $0x9000004E  }
0x34: {  	_ =	sfence  }
0x35: {  	s30 =	sld [smem:$0x0];
	_ =	sdelay $0x2  }
0x36: {  	s31 =	sshll.u32 s1, $0xD;
	s1 =	sshrl.u32 s1, $0x2  }
0x37: {  	s3 =	sand.u32 $0x4000, s31;
	s1 =	sadd.s32 s1, s30  }
0x38: {  	s0 =	sor.u32 s3, s0;
	s1 =	sshll.u32 s1, $0x11  }
0x39: {  	s0 =	sor.u32 s1, s0  }
0x3a: {  	s0 =	sadd.s32 $0x8F2B, s0  }
0x3b: {  	[sflag:s0] =	ssyncadd.remote.s32 $0x1  }
0x3c: {  	_ =	sfence.sel $0xFFFF  }
0x3d: {  	[dreg:$0x0] =	wrdreg $0xFFFFFFFF;
	(pc) =	sbr.abs _section_cstart, $3  }
0x3e: {  	[dreg:$0x1] =	wrdreg $0xFFFFFFFF  }
0x3f: {  	_ =	task.clear_ibuf [dreg:s7], $0x2FFFF;
	_ =	strace $0x9FFFFFFF  }
0x40: {  	(tm) =	ssettm $0x7FFFFFFF  }
0x41: {  	_ =	shalt  }
tec
execute0_lowered:
.L_overlay_start_1:
0x0: {  	(tag) =	ssettag $0x1  }
0x1: {  	s0 =	srdreg.scid  }
0x2: {  	s1 =	sshll.u32 s0, $0x4  }
0x3: {  	s0 =	stileid.u32;
	s1 =	sand.u32 $0x10, s1  }
0x4: {  	s1 =	sor.u32 s0, s1  }
0x5: {  	s6 =	rddreg [dreg:$0x0];
	s4 =	simm.s32 $0x1;
	s2 =	sshll.u32 s1, $0x7  }
0x6: {  	s7 =	simm.s32 $0x2;
	s12 =	simm.s32 $0x0;
	s1 =	ssub.s32 $0x4000, s2  }
0x7: {  	s8 =	simm.s32 $0x20000;
	s13 =	simm.s32 $0x0;
	s3 =	sand.u32 $0xF80, s1  }
0x8: {  	s9 =	simm.s32 $0x0;
	s5 =	sshrl.u32 s1, $0xC;
	p0 =	sne.s32 s3, $0x0  }
.Ltmp0:
0x9: {  	s1 =	rddreg [dreg:$0x2];
	s4 =	simm.s32 @!p0 $0x0;
	(pc) =	sbr.rel .LBB1_1-.Ltmp0, $4  }
0xa: {  	s11 =	simm.s32 $0x0;
	s3 =	rddreg [dreg:$0x1];
	s5 =	sadd.s32 s4, s5  }
0xb: {  	_ =	strace $0x8000004D;
	s4 =	simm.s32 $0x1;
	s5 =	smul.u32 $0x14, s5  }
0xc: {  	s6 =	sadd.s32 $0x1200, s6;
	s10 =	smov.u32 s2;
	[sflag:s4] =	ssyncpa.u1 $0x0  }
0xd: {  	p0 =	por $0x0, $0x0;
	[sflag:s7] =	ssyncpa.u1 $0x0;
	s7 =	sor.u32 $0x1, s5  }
.LBB1_4:
0xe: {  	s16 =	sshll.u32 s13, $0x3;
	s17 =	sand.u32 $0x78, s13  }
0xf: {  	s30 =	sand.u32 $0xF800, s13;
	s12 =	sshll.u32 s12, $0x10;
	s16 =	sand.u32 $0x3C00, s16  }
0x10: {  	s31 =	sand.u32 $0x7, s13;
	s16 =	sor.u32 s17, s16;
	s17 =	sadd.s32 s3, s30  }
0x11: {  	s13 =	sshll.u32 s31, $0x12;
	s16 =	sshrl.u32 s16, $0x3;
	s12 =	sadd.s32 s12, s17  }
0x12: {  	[tilespmem:s15+$0x0 ss:$0x81] =	vst.msk $0xffff, v0;
	s13 =	sor.u32 $0x400, s13;
	s12 =	sadd.s32 s16, s12  }
0x13: {  	[hbm4b:s12+s13] =	stream.strided.scatter [tilespmem:s14], [sflag:$0x2], $0x1000, s8, s13, $0x20;
	[tilespmem:$0x4040] =	vst v63  }
.LBB1_5:
0x14: {  	s14 =	sadd.s32 $0x1, s9  }
0x15: {  	s12 =	sadd.s32 $0x1000, s10;
	s16 =	smov.u32 s10;
	p2 =	sgt.s32 s14, $0x13  }
0x16: {  	s16 =	smov.u32 @p2 s12  }
0x17: {  	s14 =	simm.s32 @p2 $0x0;
	p2 =	sgt.s32 s16, $0x3FFF  }
0x18: {  	s16 =	smov.u32 @p2 s2;
	p2 =	sne.s32 s11, s7  }
.Ltmp1:
0x19: {  	p1 =	slt.u32 s11, $0x2;
	(pc) =	sbr.rel @!p2 .LBB1_6-.Ltmp1, $4  }
0x1a: {  	s15 =	simm.s32 @!p1 $0x2  }
0x1b: {  	s13 =	smov.u32 s10;
	p0 =	por !p0, !p0;
	_ =	swait.ge @!p1 [sflag:s15], $0x1000  }
0x1c: {  	s12 =	smov.u32 s9;
	[sflag:s15] =	ssyncset.done @!p1 $0x0;
	s9 =	smov.u32 s14  }
0x1d: {  	s11 =	sadd.s32 $0x1, s11;
	[sflag:s15] =	ssyncadd.s32 @!p1 $0xFFFFF000;
	s10 =	smov.u32 s16  }
.LBB1_1:
0x1e: {  	p1 =	sge.u32 s11, s5  }
0x1f: {  	s14 =	sand.u32 @!p1 $0x1FFFFFF, s9  }
0x20: {  	s15 =	smulhi.u32 @!p1 $0xAAAAAAB, s14;
	_ =	sdelay $0x1  }
0x21: {  	s15 =	smul.u32 @!p1 $0x18, s15  }
0x22: {  	s16 =	sxor.u32 @!p1 $0xFFFFFFFF, s11;
	s17 =	smul.u32 @!p1 $0x180, s10  }
0x23: {  	s31 =	sadd.s32 $0xFFFFFFFF, s11;
	s16 =	sshll.u32 @!p1 s16, $0xC;
	s14 =	ssub.s32 @!p1 s14, s15  }
0x24: {  	s15 =	sand.u32 @!p1 $0x1000, s16;
	s16 =	sadd.s32 @!p1 s6, s17;
	s14 =	sshll.u32 @!p1 s14, $0x4  }
0x25: {  	s17 =	simm.s32 @!p1 $0xC00;
	s14 =	sadd.s32 @!p1 s14, s16;
	s16 =	simm.s32 @!p1 $0x20  }
0x26: {  	[tilespmem:s15], [sflag:$0x1] =	stream.strided.gather @!p1 [hbm4b:s14+s16], $0x1000, s17, s16, $0x38;
	[tilespmem:$0x4040] =	vst v63  }
0x27: {  	p1 =	sge.u32 s31, s5  }
.Ltmp2:
0x28: {  	_ = 	snop;
	(pc) =	sbr.rel @p1 .LBB1_5-.Ltmp2, $1  }
0x29: {  	_ =	sdelay $0x3  }
0x2a: {  	s14 =	simm.s32 $0x1  }
0x2b: {  	_ =	swait.ge [sflag:s4], $0x1000;
	s14 =	simm.s32 @!p0 $0x0  }
0x2c: {  	[sflag:s4] =	ssyncset.done $0x0;
	s15 =	sshll.u32 s14, $0xC  }
0x2d: {  	[sflag:s4] =	ssyncadd.s32 $0xFFFFF000;
	s18 =	sor.u32 $0x10, s15  }
0x2e: {  	s14 =	smul.u32 $0x4080, s14;
	v1 =	vld [tilespmem:s18+$0x0]  }
0x2f: {  	s30 =	sand.u32 $0x1, s11;
	v0 =	vld [tilespmem:s18+$0xFFFFFFF0]  }
0x30: {  	s15 =	smul.u32 $0x4080, s30;
	s14 =	sshrl.u32 s14, $0x2  }
0x31: {  	s16 =	sor.u32 $0x2000, s14  }
0x32: {  	s31 =	sshrl.u32 s15, $0x2;
	s15 =	sadd.s32 $0x0, s16  }
0x33: {  	s17 =	simm.s32 $0x4;
	s18 =	sadd.s32 $0x20, s18;
	s14 =	sor.u32 $0x2000, s31;
	[tilespmem:s15+$0x810 ss:$0x81] =	vst.msk $0xffff, v1  }
.LBB1_3:
0x34: {  	v1 =	vld [tilespmem:s18+$0x0];
	p1 =	sne.s32 s17, $0x1FC;
	[tilespmem:s15+$0x0 ss:$0x81] =	vst.msk $0xffff, v0;
	s15 =	smov.u32 s17;
	s17 =	sadd.s32 $0x4, s17  }
.Ltmp3:
0x35: {  	v0 =	vld [tilespmem:s18+$0xFFFFFFF0];
	(pc) =	sbr.rel @p1 .LBB1_3-.Ltmp3, $4  }
0x36: {  	_ = 	snop  }
0x37: {  	s15 =	sshra.s32 s15, $0x2  }
0x38: {  	s15 =	sadd.s32 s15, s16  }
0x39: {  	s18 =	sadd.s32 $0x20, s18;
	[tilespmem:s15+$0x810 ss:$0x81] =	vst.msk $0xffff, v1  }
.Ltmp4:
0x3a: {  	_ = 	snop;
	(pc) =	sbr.rel .LBB1_4-.Ltmp4, $1  }
0x3b: {  	_ =	sdelay $0x3  }
.LBB1_6:
0x3c: {  	_ =	sfence.sel $0x180000  }
0x3d: {  	s2 =	simm.s32 $0x1;
	[bflag:$0x0] =	sbarrier.arrive $0xFFFF  }
0x3e: {  	s31 =	simm.s32 $0x2;
	[sflag:s2] =	ssyncpa.u1 $0x1  }
0x3f: {  	[sflag:s31] =	ssyncpa.u1 $0x1  }
0x40: {  	p0 =	sne.s32 s0, $0x0;
	_ =	strace $0x9000004D  }
0x41: {  	s0 =	sadd.s32 @!p0 $0x100000, s1;
	[bflag:$0x2] =	sbarrier.arrive $0xFFFF  }
0x42: {  	[sflag:s0] =	ssyncadd.tile.s32 @!p0 $0x1;
	_ =	shalt  }
.Lfunc_end1:
_tile_overlayer_lowered:
.L_overlay_start_2:
0x43: {  	(tag) =	ssettag $0x2  }
0x44: {  	s0 =	rddreg [dreg:$0x0];
	s2 =	stileid.u32  }
0x45: {  	s1 =	rddreg [dreg:$0x1];
	p0 =	sne.s32 s2, $0x0  }
0x46: {  	s3 =	rddreg [dreg:$0x2];
	[bflag:$0x3] =	sbarrier.arrive $0xFFFF;
	s2 =	simm.s32 @!p0 $0x1C01  }
0x47: {  	[timem:s3], [sflag:s2] =	dma.local @!p0 [hbm:s0], s1  }
0x48: {  	s0 =	simm.s32 @!p0 $0x1  }
0x49: {  	_ =	swait.ge @!p0 [sflag:s0], s1  }
0x4a: {  	s1 =	ssub.s32 @!p0 $0x0, s1;
	[sflag:s0] =	ssyncset.done @!p0 $0x0  }
0x4b: {  	[sflag:s0] =	ssyncadd.s32 @!p0 s1  }
0x4c: {  	[bflag:$0x3] =	sbarrier.arrive $0xFFFF  }
0x4d: {  	_ =	shalt  }

</sc_bundles>
